<compile_context>
chip_gen: v7x
topology: tpu7x:2x2x1
jax: 0.10.2.dev20260603
libtpu: 0.0.44.dev20260713+nightly
codegen_flags: <defaults>
</compile_context>

<pallas_src>
import functools

import jax
import jax.numpy as jnp
from jax import lax
from jax.experimental import pallas as pl
from jax.experimental.pallas import tpu as pltpu
from jax.experimental.pallas import tpu_sc as plsc


def _gather_call(B, H, D, b_per_w, C, nbuf, mesh, num_cores):
    n_chunks = b_per_w // C
    rows_per_chunk = C // H
    assert C % H == 0 and n_chunks % nbuf == 0 and n_chunks >= 2 * nbuf

    @functools.partial(
        pl.kernel,
        mesh=mesh,
        compiler_params=pltpu.CompilerParams(use_tc_tiling_on_sc=False),
        out_type=jax.ShapeDtypeStruct((B, H, D), jnp.float32),
        scratch_types=[
            pltpu.VMEM((b_per_w,), jnp.int32),
            pltpu.VMEM((nbuf, C, D), jnp.float32),
            pltpu.SemaphoreType.DMA((nbuf,)),
            pltpu.SemaphoreType.DMA((nbuf,)),
        ],
    )
    def k(idx_hbm, tbl_hbm, out_hbm, idx_v, rows_v, gsem, osem):
        wid = lax.axis_index("s") * num_cores + lax.axis_index("c")
        base = wid * b_per_w
        row_base = base // H
        pltpu.sync_copy(idx_hbm.at[pl.ds(base, b_per_w)], idx_v)

        def gdesc(c, b):
            return pltpu.make_async_copy(
                tbl_hbm.at[idx_v.at[pl.ds(c * C, C)]], rows_v.at[b], gsem.at[b]
            )

        def odesc(c, b, j):
            return pltpu.make_async_copy(
                rows_v.at[b, pl.ds(j * H, H), pl.ds(0, D)],
                out_hbm.at[row_base + c * rows_per_chunk + j],
                osem.at[b],
            )

        for b in range(nbuf):
            gdesc(b, b).start()

        def body(i, carry):
            i0 = i * nbuf
            for b in range(nbuf):
                gdesc(i0 + b, b).wait()
                for j in range(rows_per_chunk):
                    odesc(i0 + b, b, j).start()
            for b in range(nbuf):
                for j in range(rows_per_chunk):
                    odesc(i0 + b, b, j).wait()
                gdesc(i0 + b + nbuf, b).start()
            return carry

        lax.fori_loop(0, (n_chunks - nbuf) // nbuf, body, 0)

        c0 = n_chunks - nbuf
        for b in range(nbuf):
            gdesc(c0 + b, b).wait()
            for j in range(rows_per_chunk):
                odesc(c0 + b, b, j).start()
        for b in range(nbuf):
            for j in range(rows_per_chunk):
                odesc(c0 + b, b, j).wait()

    return k


def kernel(x, table):
    B, H = x.shape
    V, D = table.shape
    N = B * H
    idx = x.reshape(N).astype(jnp.int32)

    info = plsc.get_sparse_core_info()
    num_workers = info.num_cores * info.num_subcores
    b_per_w = N // num_workers

    mesh = plsc.VectorSubcoreMesh(core_axis_name="c", subcore_axis_name="s")
    return _gather_call(B, H, D, b_per_w, 400, 2, mesh, info.num_cores)(
        idx, table
    )

# --- scband reference (transcript-rebuilt; emitter-appended) ---
"""Pipeline reference for scband-embeddings-5394478923949 (READ-ONLY COPY).

The authoritative reference and input builder live on the scoring server;
editing this copy changes nothing except your own understanding.
"""

import jax, jax.numpy as jnp
import numpy as np

VOCAB = 1000000
D_MODEL = 64
BATCH = 16384
HIST = 50

def setup_inputs(seed: int = 0) -> dict:
    key = jax.random.key(seed)
    k1, k2 = jax.random.split(key)
    x = jax.random.randint(k1, (BATCH, HIST), 0, VOCAB, dtype=jnp.int64)
    table = jax.random.normal(k2, (VOCAB, D_MODEL), dtype=jnp.float32)
    return {"x": x, "table": table}

def reference(x, table):
    # nn.Embedding lookup: table[x]
    return jnp.take(table, x, axis=0)

if __name__ == "__main__":
    import jax
    _d = setup_inputs()
    print(jax.jit(kernel)(*tuple(_d.values())))

</pallas_src>

<mosaic_0001>
#map = affine_map<(d0, d1) -> (0)>
#map1 = affine_map<(d0, d1) -> (0, 0)>
#map2 = affine_map<(d0, d1) -> (0, 0, 0)>
module attributes {stable_mosaic.version = 14 : i64} {
  func.func @k(%arg0: i32, %arg1: i32, %arg2: memref<819200xi32, #tpu.memory_space<hbm>>, %arg3: memref<1000000x64xf32, #tpu.memory_space<hbm>>, %arg4: memref<16384x50x64xf32, #tpu.memory_space<hbm>>, %arg5: memref<25600xi32, #tpu.memory_space<vmem>>, %arg6: memref<2x400x64xf32, #tpu.memory_space<vmem>>, %arg7: memref<2x!tpu.dma_semaphore, #tpu.memory_space<semaphore_mem>>, %arg8: memref<2x!tpu.dma_semaphore, #tpu.memory_space<semaphore_mem>>) attributes {dimension_semantics = [#tpu.dimension_semantics<core_parallel>, #tpu.dimension_semantics<subcore_parallel>], iteration_bounds = array<i64: 2, 16>, scalar_prefetch = 0 : i64, scratch_operands = 4 : i64, tpu.core_type = #tpu.core_type<sc_vector_subcore>, window_params = [{transform_indices = #map}, {transform_indices = #map1}, {transform_indices = #map2}]} {
    %mul3A = arith.constant 2 : i32
    %mul3A_0 = arith.muli %arg1, %mul3A : i32
    %add3A = arith.addi %mul3A_0, %arg0 : i32
    %mul3A_1 = arith.constant 25600 : i32
    %mul3A_2 = arith.muli %add3A, %mul3A_1 : i32
    %jit3A = arith.constant 50 : i32
    %div3A = arith.divsi %mul3A_2, %jit3A : i32
    %sign3A = arith.constant 0 : i32
    %sign3A_3 = arith.cmpi sgt, %mul3A_2, %sign3A : i32
    %sign3A_4 = arith.extui %sign3A_3 : i1 to i32
    %sign3A_5 = arith.constant 0 : i32
    %sign3A_6 = arith.cmpi slt, %mul3A_2, %sign3A_5 : i32
    %sign3A_7 = arith.extui %sign3A_6 : i1 to i32
    %sign3A_8 = arith.subi %sign3A_4, %sign3A_7 : i32
    %sign3A_9 = arith.constant 0 : i32
    %sign3A_10 = arith.cmpi sgt, %jit3A, %sign3A_9 : i32
    %sign3A_11 = arith.extui %sign3A_10 : i1 to i32
    %sign3A_12 = arith.constant 0 : i32
    %sign3A_13 = arith.cmpi slt, %jit3A, %sign3A_12 : i32
    %sign3A_14 = arith.extui %sign3A_13 : i1 to i32
    %sign3A_15 = arith.subi %sign3A_11, %sign3A_14 : i32
    %ne3A = arith.cmpi ne, %sign3A_8, %sign3A_15 : i32
    %rem3A = arith.remsi %mul3A_2, %jit3A : i32
    %ne3A_16 = arith.constant 0 : i32
    %ne3A_17 = arith.cmpi ne, %rem3A, %ne3A_16 : i32
    %and3A = arith.andi %ne3A, %ne3A_17 : i1
    %sub3A = arith.constant 1 : i32
    %sub3A_18 = arith.subi %div3A, %sub3A : i32
    %select_n3A = arith.select %and3A, %sub3A_18, %div3A : i32
    "tpu.region"() ({
      %run_scoped3A = tpu.sem_alloc : memref<!tpu.dma_semaphore, #tpu.memory_space<semaphore_mem>>
      %dma_start3A_842 = tpu.memref_slice %arg2[%mul3A_2] : memref<819200xi32, #tpu.memory_space<hbm>> -> memref<25600xi32, #tpu.memory_space<hbm>>
      %dma_start3A_843 = tpu.memref_slice %arg2[%mul3A_2] : memref<819200xi32, #tpu.memory_space<hbm>> -> memref<25600xi32, #tpu.memory_space<hbm>>
      tpu.enqueue_dma source(%dma_start3A_843 : memref<25600xi32, #tpu.memory_space<hbm>>) target(%arg5 : memref<25600xi32, #tpu.memory_space<vmem>>) target_semaphore(%run_scoped3A : memref<!tpu.dma_semaphore, #tpu.memory_space<semaphore_mem>>)
      %dma_wait3A_844 = tpu.memref_slice %arg2[%mul3A_2] : memref<819200xi32, #tpu.memory_space<hbm>> -> memref<25600xi32, #tpu.memory_space<hbm>>
      %dma_wait3A_845 = tpu.memref_slice %arg2[%mul3A_2] : memref<819200xi32, #tpu.memory_space<hbm>> -> memref<25600xi32, #tpu.memory_space<hbm>>
      tpu.wait_dma2 semaphore(%run_scoped3A : memref<!tpu.dma_semaphore, #tpu.memory_space<semaphore_mem>>) src(%dma_wait3A_845 : memref<25600xi32, #tpu.memory_space<hbm>>) dst(%arg5 : memref<25600xi32, #tpu.memory_space<vmem>>)
      tpu.yield
    }) : () -> ()
    %dma_start3A = arith.constant 0 : i32
    %dma_start3A_19 = arith.constant 0 : i32
    %dma_start3A_20 = arith.constant 0 : i32
    %dma_start3A_21 = arith.constant 0 : i32
    %dma_start3A_22 = tpu.memref_slice %arg6[%dma_start3A, %dma_start3A_20, %dma_start3A_21] : memref<2x400x64xf32, #tpu.memory_space<vmem>> -> memref<1x400x64xf32, #tpu.memory_space<vmem>>
    %dma_start3A_23 = tpu.memref_squeeze %dma_start3A_22 : memref<1x400x64xf32, #tpu.memory_space<vmem>> -> memref<400x64xf32, #tpu.memory_space<vmem>>
    %dma_start3A_24 = arith.constant 0 : i32
    %dma_start3A_25 = tpu.memref_slice %arg5[%dma_start3A_24] : memref<25600xi32, #tpu.memory_space<vmem>> -> memref<400xi32, #tpu.memory_space<vmem>>
    %dma_start3A_26 = arith.constant 0 : i32
    %dma_start3A_27 = arith.constant 0 : i32
    %dma_start3A_28 = tpu.memref_slice %arg3[%dma_start3A_26, %dma_start3A_27] : memref<1000000x64xf32, #tpu.memory_space<hbm>> -> memref<1000000x64xf32, #tpu.memory_space<hbm>>
    %dma_start3A_29 = tpu.memref_slice %arg7[%dma_start3A_19] : memref<2x!tpu.dma_semaphore, #tpu.memory_space<semaphore_mem>> -> memref<1x!tpu.dma_semaphore, #tpu.memory_space<semaphore_mem>>
    %dma_start3A_30 = tpu.memref_squeeze %dma_start3A_29 : memref<1x!tpu.dma_semaphore, #tpu.memory_space<semaphore_mem>> -> memref<!tpu.dma_semaphore, #tpu.memory_space<semaphore_mem>>
    tpu.enqueue_indirect_dma source(%dma_start3A_28 : memref<1000000x64xf32, #tpu.memory_space<hbm>>) target(%dma_start3A_23 : memref<400x64xf32, #tpu.memory_space<vmem>>) offsets(%dma_start3A_25 : memref<400xi32, #tpu.memory_space<vmem>>) semaphore(%dma_start3A_30 : memref<!tpu.dma_semaphore, #tpu.memory_space<semaphore_mem>>)
    %dma_start3A_31 = arith.constant 1 : i32
    %dma_start3A_32 = arith.constant 1 : i32
    %dma_start3A_33 = arith.constant 0 : i32
    %dma_start3A_34 = arith.constant 0 : i32
    %dma_start3A_35 = tpu.memref_slice %arg6[%dma_start3A_31, %dma_start3A_33, %dma_start3A_34] : memref<2x400x64xf32, #tpu.memory_space<vmem>> -> memref<1x400x64xf32, #tpu.memory_space<vmem>>
    %dma_start3A_36 = tpu.memref_squeeze %dma_start3A_35 : memref<1x400x64xf32, #tpu.memory_space<vmem>> -> memref<400x64xf32, #tpu.memory_space<vmem>>
    %dma_start3A_37 = arith.constant 400 : i32
    %dma_start3A_38 = tpu.memref_slice %arg5[%dma_start3A_37] : memref<25600xi32, #tpu.memory_space<vmem>> -> memref<400xi32, #tpu.memory_space<vmem>>
    %dma_start3A_39 = arith.constant 0 : i32
    %dma_start3A_40 = arith.constant 0 : i32
    %dma_start3A_41 = tpu.memref_slice %arg3[%dma_start3A_39, %dma_start3A_40] : memref<1000000x64xf32, #tpu.memory_space<hbm>> -> memref<1000000x64xf32, #tpu.memory_space<hbm>>
    %dma_start3A_42 = tpu.memref_slice %arg7[%dma_start3A_32] : memref<2x!tpu.dma_semaphore, #tpu.memory_space<semaphore_mem>> -> memref<1x!tpu.dma_semaphore, #tpu.memory_space<semaphore_mem>>
    %dma_start3A_43 = tpu.memref_squeeze %dma_start3A_42 : memref<1x!tpu.dma_semaphore, #tpu.memory_space<semaphore_mem>> -> memref<!tpu.dma_semaphore, #tpu.memory_space<semaphore_mem>>
    tpu.enqueue_indirect_dma source(%dma_start3A_41 : memref<1000000x64xf32, #tpu.memory_space<hbm>>) target(%dma_start3A_36 : memref<400x64xf32, #tpu.memory_space<vmem>>) offsets(%dma_start3A_38 : memref<400xi32, #tpu.memory_space<vmem>>) semaphore(%dma_start3A_43 : memref<!tpu.dma_semaphore, #tpu.memory_space<semaphore_mem>>)
    %scan3A = arith.constant 0 : i32
    %scan3A_44 = arith.constant 0 : i32
    %scan3A_45 = arith.constant 31 : i32
    %scan3A_46 = arith.addi %scan3A_44, %scan3A_45 : i32
    %scan3A_47 = arith.constant 1 : i32
    scf.for %scan3A_842 = %scan3A_44 to %scan3A_46 step %scan3A_47  : i32 {
      %mul3A_843 = arith.constant 2 : i32
      %mul3A_844 = arith.muli %scan3A_842, %mul3A_843 : i32
      %add3A_845 = arith.constant 0 : i32
      %add3A_846 = arith.addi %mul3A_844, %add3A_845 : i32
      %mul3A_847 = arith.constant 400 : i32
      %mul3A_848 = arith.muli %add3A_846, %mul3A_847 : i32
      %dma_wait3A_849 = arith.constant 0 : i32
      %dma_wait3A_850 = arith.constant 0 : i32
      %dma_wait3A_851 = arith.constant 0 : i32
      %dma_wait3A_852 = arith.constant 0 : i32
      %dma_wait3A_853 = tpu.memref_slice %arg6[%dma_wait3A_849, %dma_wait3A_851, %dma_wait3A_852] : memref<2x400x64xf32, #tpu.memory_space<vmem>> -> memref<1x400x64xf32, #tpu.memory_space<vmem>>
      %dma_wait3A_854 = tpu.memref_squeeze %dma_wait3A_853 : memref<1x400x64xf32, #tpu.memory_space<vmem>> -> memref<400x64xf32, #tpu.memory_space<vmem>>
      %dma_wait3A_855 = tpu.memref_slice %arg5[%mul3A_848] : memref<25600xi32, #tpu.memory_space<vmem>> -> memref<400xi32, #tpu.memory_space<vmem>>
      %dma_wait3A_856 = arith.constant 0 : i32
      %dma_wait3A_857 = arith.constant 0 : i32
      %dma_wait3A_858 = tpu.memref_slice %arg3[%dma_wait3A_856, %dma_wait3A_857] : memref<1000000x64xf32, #tpu.memory_space<hbm>> -> memref<1000000x64xf32, #tpu.memory_space<hbm>>
      %dma_wait3A_859 = tpu.memref_slice %arg7[%dma_wait3A_850] : memref<2x!tpu.dma_semaphore, #tpu.memory_space<semaphore_mem>> -> memref<1x!tpu.dma_semaphore, #tpu.memory_space<semaphore_mem>>
      %dma_wait3A_860 = tpu.memref_squeeze %dma_wait3A_859 : memref<1x!tpu.dma_semaphore, #tpu.memory_space<semaphore_mem>> -> memref<!tpu.dma_semaphore, #tpu.memory_space<semaphore_mem>>
      tpu.wait_indirect_dma semaphore(%dma_wait3A_860 : memref<!tpu.dma_semaphore, #tpu.memory_space<semaphore_mem>>) src(%dma_wait3A_858 : memref<1000000x64xf32, #tpu.memory_space<hbm>>) dst(%dma_wait3A_854 : memref<400x64xf32, #tpu.memory_space<vmem>>)
      %add3A_861 = arith.constant 0 : i32
      %add3A_862 = arith.addi %mul3A_844, %add3A_861 : i32
      %mul3A_863 = arith.constant 8 : i32
      %mul3A_864 = arith.muli %add3A_862, %mul3A_863 : i32
      %add3A_865 = arith.addi %select_n3A, %mul3A_864 : i32
      %add3A_866 = arith.constant 0 : i32
      %add3A_867 = arith.addi %add3A_865, %add3A_866 : i32
      %dma_start3A_868 = arith.constant 0 : i32
      %dma_start3A_869 = arith.constant 0 : i32
      %dma_start3A_870 = arith.constant 0 : i32
      %dma_start3A_871 = arith.constant 0 : i32
      %dma_start3A_872 = tpu.memref_slice %arg6[%dma_start3A_868, %dma_start3A_870, %dma_start3A_871] : memref<2x400x64xf32, #tpu.memory_space<vmem>> -> memref<1x50x64xf32, #tpu.memory_space<vmem>>
      %dma_start3A_873 = tpu.memref_squeeze %dma_start3A_872 : memref<1x50x64xf32, #tpu.memory_space<vmem>> -> memref<50x64xf32, #tpu.memory_space<vmem>>
      %dma_start3A_874 = arith.constant 0 : i32
      %dma_start3A_875 = arith.constant 0 : i32
      %dma_start3A_876 = tpu.memref_slice %arg4[%add3A_867, %dma_start3A_874, %dma_start3A_875] : memref<16384x50x64xf32, #tpu.memory_space<hbm>> -> memref<1x50x64xf32, #tpu.memory_space<hbm>>
      %dma_start3A_877 = tpu.memref_squeeze %dma_start3A_876 : memref<1x50x64xf32, #tpu.memory_space<hbm>> -> memref<50x64xf32, #tpu.memory_space<hbm>>
      %dma_start3A_878 = tpu.memref_slice %arg8[%dma_start3A_869] : memref<2x!tpu.dma_semaphore, #tpu.memory_space<semaphore_mem>> -> memref<1x!tpu.dma_semaphore, #tpu.memory_space<semaphore_mem>>
      %dma_start3A_879 = tpu.memref_squeeze %dma_start3A_878 : memref<1x!tpu.dma_semaphore, #tpu.memory_space<semaphore_mem>> -> memref<!tpu.dma_semaphore, #tpu.memory_space<semaphore_mem>>
      %dma_start3A_880 = arith.constant 0 : i32
      %dma_start3A_881 = arith.constant 0 : i32
      %dma_start3A_882 = tpu.memref_slice %arg4[%add3A_867, %dma_start3A_880, %dma_start3A_881] : memref<16384x50x64xf32, #tpu.memory_space<hbm>> -> memref<1x50x64xf32, #tpu.memory_space<hbm>>
      %dma_start3A_883 = tpu.memref_squeeze %dma_start3A_882 : memref<1x50x64xf32, #tpu.memory_space<hbm>> -> memref<50x64xf32, #tpu.memory_space<hbm>>
      %dma_start3A_884 = arith.constant 0 : i32
      %dma_start3A_885 = arith.constant 0 : i32
      %dma_start3A_886 = tpu.memref_slice %arg6[%dma_start3A_868, %dma_start3A_884, %dma_start3A_885] : memref<2x400x64xf32, #tpu.memory_space<vmem>> -> memref<1x50x64xf32, #tpu.memory_space<vmem>>
      %dma_start3A_887 = tpu.memref_squeeze %dma_start3A_886 : memref<1x50x64xf32, #tpu.memory_space<vmem>> -> memref<50x64xf32, #tpu.memory_space<vmem>>
      tpu.enqueue_dma source(%dma_start3A_887 : memref<50x64xf32, #tpu.memory_space<vmem>>) target(%dma_start3A_883 : memref<50x64xf32, #tpu.memory_space<hbm>>) target_semaphore(%dma_start3A_879 : memref<!tpu.dma_semaphore, #tpu.memory_space<semaphore_mem>>)
      %add3A_888 = arith.constant 0 : i32
      %add3A_889 = arith.addi %mul3A_844, %add3A_888 : i32
      %mul3A_890 = arith.constant 8 : i32
      %mul3A_891 = arith.muli %add3A_889, %mul3A_890 : i32
      %add3A_892 = arith.addi %select_n3A, %mul3A_891 : i32
      %add3A_893 = arith.constant 1 : i32
      %add3A_894 = arith.addi %add3A_892, %add3A_893 : i32
      %dma_start3A_895 = arith.constant 0 : i32
      %dma_start3A_896 = arith.constant 0 : i32
      %dma_start3A_897 = arith.constant 50 : i32
      %dma_start3A_898 = arith.constant 0 : i32
      %dma_start3A_899 = tpu.memref_slice %arg6[%dma_start3A_895, %dma_start3A_897, %dma_start3A_898] : memref<2x400x64xf32, #tpu.memory_space<vmem>> -> memref<1x50x64xf32, #tpu.memory_space<vmem>>
      %dma_start3A_900 = tpu.memref_squeeze %dma_start3A_899 : memref<1x50x64xf32, #tpu.memory_space<vmem>> -> memref<50x64xf32, #tpu.memory_space<vmem>>
      %dma_start3A_901 = arith.constant 0 : i32
      %dma_start3A_902 = arith.constant 0 : i32
      %dma_start3A_903 = tpu.memref_slice %arg4[%add3A_894, %dma_start3A_901, %dma_start3A_902] : memref<16384x50x64xf32, #tpu.memory_space<hbm>> -> memref<1x50x64xf32, #tpu.memory_space<hbm>>
      %dma_start3A_904 = tpu.memref_squeeze %dma_start3A_903 : memref<1x50x64xf32, #tpu.memory_space<hbm>> -> memref<50x64xf32, #tpu.memory_space<hbm>>
      %dma_start3A_905 = tpu.memref_slice %arg8[%dma_start3A_896] : memref<2x!tpu.dma_semaphore, #tpu.memory_space<semaphore_mem>> -> memref<1x!tpu.dma_semaphore, #tpu.memory_space<semaphore_mem>>
      %dma_start3A_906 = tpu.memref_squeeze %dma_start3A_905 : memref<1x!tpu.dma_semaphore, #tpu.memory_space<semaphore_mem>> -> memref<!tpu.dma_semaphore, #tpu.memory_space<semaphore_mem>>
      %dma_start3A_907 = arith.constant 0 : i32
      %dma_start3A_908 = arith.constant 0 : i32
      %dma_start3A_909 = tpu.memref_slice %arg4[%add3A_894, %dma_start3A_907, %dma_start3A_908] : memref<16384x50x64xf32, #tpu.memory_space<hbm>> -> memref<1x50x64xf32, #tpu.memory_space<hbm>>
      %dma_start3A_910 = tpu.memref_squeeze %dma_start3A_909 : memref<1x50x64xf32, #tpu.memory_space<hbm>> -> memref<50x64xf32, #tpu.memory_space<hbm>>
      %dma_start3A_911 = arith.constant 50 : i32
      %dma_start3A_912 = arith.constant 0 : i32
      %dma_start3A_913 = tpu.memref_slice %arg6[%dma_start3A_895, %dma_start3A_911, %dma_start3A_912] : memref<2x400x64xf32, #tpu.memory_space<vmem>> -> memref<1x50x64xf32, #tpu.memory_space<vmem>>
      %dma_start3A_914 = tpu.memref_squeeze %dma_start3A_913 : memref<1x50x64xf32, #tpu.memory_space<vmem>> -> memref<50x64xf32, #tpu.memory_space<vmem>>
      tpu.enqueue_dma source(%dma_start3A_914 : memref<50x64xf32, #tpu.memory_space<vmem>>) target(%dma_start3A_910 : memref<50x64xf32, #tpu.memory_space<hbm>>) target_semaphore(%dma_start3A_906 : memref<!tpu.dma_semaphore, #tpu.memory_space<semaphore_mem>>)
      %add3A_915 = arith.constant 0 : i32
      %add3A_916 = arith.addi %mul3A_844, %add3A_915 : i32
      %mul3A_917 = arith.constant 8 : i32
      %mul3A_918 = arith.muli %add3A_916, %mul3A_917 : i32
      %add3A_919 = arith.addi %select_n3A, %mul3A_918 : i32
      %add3A_920 = arith.constant 2 : i32
      %add3A_921 = arith.addi %add3A_919, %add3A_920 : i32
      %dma_start3A_922 = arith.constant 0 : i32
      %dma_start3A_923 = arith.constant 0 : i32
      %dma_start3A_924 = arith.constant 100 : i32
      %dma_start3A_925 = arith.constant 0 : i32
      %dma_start3A_926 = tpu.memref_slice %arg6[%dma_start3A_922, %dma_start3A_924, %dma_start3A_925] : memref<2x400x64xf32, #tpu.memory_space<vmem>> -> memref<1x50x64xf32, #tpu.memory_space<vmem>>
      %dma_start3A_927 = tpu.memref_squeeze %dma_start3A_926 : memref<1x50x64xf32, #tpu.memory_space<vmem>> -> memref<50x64xf32, #tpu.memory_space<vmem>>
      %dma_start3A_928 = arith.constant 0 : i32
      %dma_start3A_929 = arith.constant 0 : i32
      %dma_start3A_930 = tpu.memref_slice %arg4[%add3A_921, %dma_start3A_928, %dma_start3A_929] : memref<16384x50x64xf32, #tpu.memory_space<hbm>> -> memref<1x50x64xf32, #tpu.memory_space<hbm>>
      %dma_start3A_931 = tpu.memref_squeeze %dma_start3A_930 : memref<1x50x64xf32, #tpu.memory_space<hbm>> -> memref<50x64xf32, #tpu.memory_space<hbm>>
      %dma_start3A_932 = tpu.memref_slice %arg8[%dma_start3A_923] : memref<2x!tpu.dma_semaphore, #tpu.memory_space<semaphore_mem>> -> memref<1x!tpu.dma_semaphore, #tpu.memory_space<semaphore_mem>>
      %dma_start3A_933 = tpu.memref_squeeze %dma_start3A_932 : memref<1x!tpu.dma_semaphore, #tpu.memory_space<semaphore_mem>> -> memref<!tpu.dma_semaphore, #tpu.memory_space<semaphore_mem>>
      %dma_start3A_934 = arith.constant 0 : i32
      %dma_start3A_935 = arith.constant 0 : i32
      %dma_start3A_936 = tpu.memref_slice %arg4[%add3A_921, %dma_start3A_934, %dma_start3A_935] : memref<16384x50x64xf32, #tpu.memory_space<hbm>> -> memref<1x50x64xf32, #tpu.memory_space<hbm>>
      %dma_start3A_937 = tpu.memref_squeeze %dma_start3A_936 : memref<1x50x64xf32, #tpu.memory_space<hbm>> -> memref<50x64xf32, #tpu.memory_space<hbm>>
      %dma_start3A_938 = arith.constant 100 : i32
      %dma_start3A_939 = arith.constant 0 : i32
      %dma_start3A_940 = tpu.memref_slice %arg6[%dma_start3A_922, %dma_start3A_938, %dma_start3A_939] : memref<2x400x64xf32, #tpu.memory_space<vmem>> -> memref<1x50x64xf32, #tpu.memory_space<vmem>>
      %dma_start3A_941 = tpu.memref_squeeze %dma_start3A_940 : memref<1x50x64xf32, #tpu.memory_space<vmem>> -> memref<50x64xf32, #tpu.memory_space<vmem>>
      tpu.enqueue_dma source(%dma_start3A_941 : memref<50x64xf32, #tpu.memory_space<vmem>>) target(%dma_start3A_937 : memref<50x64xf32, #tpu.memory_space<hbm>>) target_semaphore(%dma_start3A_933 : memref<!tpu.dma_semaphore, #tpu.memory_space<semaphore_mem>>)
      %add3A_942 = arith.constant 0 : i32
      %add3A_943 = arith.addi %mul3A_844, %add3A_942 : i32
      %mul3A_944 = arith.constant 8 : i32
      %mul3A_945 = arith.muli %add3A_943, %mul3A_944 : i32
      %add3A_946 = arith.addi %select_n3A, %mul3A_945 : i32
      %add3A_947 = arith.constant 3 : i32
      %add3A_948 = arith.addi %add3A_946, %add3A_947 : i32
      %dma_start3A_949 = arith.constant 0 : i32
      %dma_start3A_950 = arith.constant 0 : i32
      %dma_start3A_951 = arith.constant 150 : i32
      %dma_start3A_952 = arith.constant 0 : i32
      %dma_start3A_953 = tpu.memref_slice %arg6[%dma_start3A_949, %dma_start3A_951, %dma_start3A_952] : memref<2x400x64xf32, #tpu.memory_space<vmem>> -> memref<1x50x64xf32, #tpu.memory_space<vmem>>
      %dma_start3A_954 = tpu.memref_squeeze %dma_start3A_953 : memref<1x50x64xf32, #tpu.memory_space<vmem>> -> memref<50x64xf32, #tpu.memory_space<vmem>>
      %dma_start3A_955 = arith.constant 0 : i32
      %dma_start3A_956 = arith.constant 0 : i32
      %dma_start3A_957 = tpu.memref_slice %arg4[%add3A_948, %dma_start3A_955, %dma_start3A_956] : memref<16384x50x64xf32, #tpu.memory_space<hbm>> -> memref<1x50x64xf32, #tpu.memory_space<hbm>>
      %dma_start3A_958 = tpu.memref_squeeze %dma_start3A_957 : memref<1x50x64xf32, #tpu.memory_space<hbm>> -> memref<50x64xf32, #tpu.memory_space<hbm>>
      %dma_start3A_959 = tpu.memref_slice %arg8[%dma_start3A_950] : memref<2x!tpu.dma_semaphore, #tpu.memory_space<semaphore_mem>> -> memref<1x!tpu.dma_semaphore, #tpu.memory_space<semaphore_mem>>
      %dma_start3A_960 = tpu.memref_squeeze %dma_start3A_959 : memref<1x!tpu.dma_semaphore, #tpu.memory_space<semaphore_mem>> -> memref<!tpu.dma_semaphore, #tpu.memory_space<semaphore_mem>>
      %dma_start3A_961 = arith.constant 0 : i32
      %dma_start3A_962 = arith.constant 0 : i32
      %dma_start3A_963 = tpu.memref_slice %arg4[%add3A_948, %dma_start3A_961, %dma_start3A_962] : memref<16384x50x64xf32, #tpu.memory_space<hbm>> -> memref<1x50x64xf32, #tpu.memory_space<hbm>>
      %dma_start3A_964 = tpu.memref_squeeze %dma_start3A_963 : memref<1x50x64xf32, #tpu.memory_space<hbm>> -> memref<50x64xf32, #tpu.memory_space<hbm>>
      %dma_start3A_965 = arith.constant 150 : i32
      %dma_start3A_966 = arith.constant 0 : i32
      %dma_start3A_967 = tpu.memref_slice %arg6[%dma_start3A_949, %dma_start3A_965, %dma_start3A_966] : memref<2x400x64xf32, #tpu.memory_space<vmem>> -> memref<1x50x64xf32, #tpu.memory_space<vmem>>
      %dma_start3A_968 = tpu.memref_squeeze %dma_start3A_967 : memref<1x50x64xf32, #tpu.memory_space<vmem>> -> memref<50x64xf32, #tpu.memory_space<vmem>>
      tpu.enqueue_dma source(%dma_start3A_968 : memref<50x64xf32, #tpu.memory_space<vmem>>) target(%dma_start3A_964 : memref<50x64xf32, #tpu.memory_space<hbm>>) target_semaphore(%dma_start3A_960 : memref<!tpu.dma_semaphore, #tpu.memory_space<semaphore_mem>>)
      %add3A_969 = arith.constant 0 : i32
      %add3A_970 = arith.addi %mul3A_844, %add3A_969 : i32
      %mul3A_971 = arith.constant 8 : i32
      %mul3A_972 = arith.muli %add3A_970, %mul3A_971 : i32
      %add3A_973 = arith.addi %select_n3A, %mul3A_972 : i32
      %add3A_974 = arith.constant 4 : i32
      %add3A_975 = arith.addi %add3A_973, %add3A_974 : i32
      %dma_start3A_976 = arith.constant 0 : i32
      %dma_start3A_977 = arith.constant 0 : i32
      %dma_start3A_978 = arith.constant 200 : i32
      %dma_start3A_979 = arith.constant 0 : i32
      %dma_start3A_980 = tpu.memref_slice %arg6[%dma_start3A_976, %dma_start3A_978, %dma_start3A_979] : memref<2x400x64xf32, #tpu.memory_space<vmem>> -> memref<1x50x64xf32, #tpu.memory_space<vmem>>
      %dma_start3A_981 = tpu.memref_squeeze %dma_start3A_980 : memref<1x50x64xf32, #tpu.memory_space<vmem>> -> memref<50x64xf32, #tpu.memory_space<vmem>>
      %dma_start3A_982 = arith.constant 0 : i32
      %dma_start3A_983 = arith.constant 0 : i32
      %dma_start3A_984 = tpu.memref_slice %arg4[%add3A_975, %dma_start3A_982, %dma_start3A_983] : memref<16384x50x64xf32, #tpu.memory_space<hbm>> -> memref<1x50x64xf32, #tpu.memory_space<hbm>>
      %dma_start3A_985 = tpu.memref_squeeze %dma_start3A_984 : memref<1x50x64xf32, #tpu.memory_space<hbm>> -> memref<50x64xf32, #tpu.memory_space<hbm>>
      %dma_start3A_986 = tpu.memref_slice %arg8[%dma_start3A_977] : memref<2x!tpu.dma_semaphore, #tpu.memory_space<semaphore_mem>> -> memref<1x!tpu.dma_semaphore, #tpu.memory_space<semaphore_mem>>
      %dma_start3A_987 = tpu.memref_squeeze %dma_start3A_986 : memref<1x!tpu.dma_semaphore, #tpu.memory_space<semaphore_mem>> -> memref<!tpu.dma_semaphore, #tpu.memory_space<semaphore_mem>>
      %dma_start3A_988 = arith.constant 0 : i32
      %dma_start3A_989 = arith.constant 0 : i32
      %dma_start3A_990 = tpu.memref_slice %arg4[%add3A_975, %dma_start3A_988, %dma_start3A_989] : memref<16384x50x64xf32, #tpu.memory_space<hbm>> -> memref<1x50x64xf32, #tpu.memory_space<hbm>>
      %dma_start3A_991 = tpu.memref_squeeze %dma_start3A_990 : memref<1x50x64xf32, #tpu.memory_space<hbm>> -> memref<50x64xf32, #tpu.memory_space<hbm>>
      %dma_start3A_992 = arith.constant 200 : i32
      %dma_start3A_993 = arith.constant 0 : i32
      %dma_start3A_994 = tpu.memref_slice %arg6[%dma_start3A_976, %dma_start3A_992, %dma_start3A_993] : memref<2x400x64xf32, #tpu.memory_space<vmem>> -> memref<1x50x64xf32, #tpu.memory_space<vmem>>
      %dma_start3A_995 = tpu.memref_squeeze %dma_start3A_994 : memref<1x50x64xf32, #tpu.memory_space<vmem>> -> memref<50x64xf32, #tpu.memory_space<vmem>>
      tpu.enqueue_dma source(%dma_start3A_995 : memref<50x64xf32, #tpu.memory_space<vmem>>) target(%dma_start3A_991 : memref<50x64xf32, #tpu.memory_space<hbm>>) target_semaphore(%dma_start3A_987 : memref<!tpu.dma_semaphore, #tpu.memory_space<semaphore_mem>>)
      %add3A_996 = arith.constant 0 : i32
      %add3A_997 = arith.addi %mul3A_844, %add3A_996 : i32
      %mul3A_998 = arith.constant 8 : i32
      %mul3A_999 = arith.muli %add3A_997, %mul3A_998 : i32
      %add3A_1000 = arith.addi %select_n3A, %mul3A_999 : i32
      %add3A_1001 = arith.constant 5 : i32
      %add3A_1002 = arith.addi %add3A_1000, %add3A_1001 : i32
      %dma_start3A_1003 = arith.constant 0 : i32
      %dma_start3A_1004 = arith.constant 0 : i32
      %dma_start3A_1005 = arith.constant 250 : i32
      %dma_start3A_1006 = arith.constant 0 : i32
      %dma_start3A_1007 = tpu.memref_slice %arg6[%dma_start3A_1003, %dma_start3A_1005, %dma_start3A_1006] : memref<2x400x64xf32, #tpu.memory_space<vmem>> -> memref<1x50x64xf32, #tpu.memory_space<vmem>>
      %dma_start3A_1008 = tpu.memref_squeeze %dma_start3A_1007 : memref<1x50x64xf32, #tpu.memory_space<vmem>> -> memref<50x64xf32, #tpu.memory_space<vmem>>
      %dma_start3A_1009 = arith.constant 0 : i32
      %dma_start3A_1010 = arith.constant 0 : i32
      %dma_start3A_1011 = tpu.memref_slice %arg4[%add3A_1002, %dma_start3A_1009, %dma_start3A_1010] : memref<16384x50x64xf32, #tpu.memory_space<hbm>> -> memref<1x50x64xf32, #tpu.memory_space<hbm>>
      %dma_start3A_1012 = tpu.memref_squeeze %dma_start3A_1011 : memref<1x50x64xf32, #tpu.memory_space<hbm>> -> memref<50x64xf32, #tpu.memory_space<hbm>>
      %dma_start3A_1013 = tpu.memref_slice %arg8[%dma_start3A_1004] : memref<2x!tpu.dma_semaphore, #tpu.memory_space<semaphore_mem>> -> memref<1x!tpu.dma_semaphore, #tpu.memory_space<semaphore_mem>>
      %dma_start3A_1014 = tpu.memref_squeeze %dma_start3A_1013 : memref<1x!tpu.dma_semaphore, #tpu.memory_space<semaphore_mem>> -> memref<!tpu.dma_semaphore, #tpu.memory_space<semaphore_mem>>
      %dma_start3A_1015 = arith.constant 0 : i32
      %dma_start3A_1016 = arith.constant 0 : i32
      %dma_start3A_1017 = tpu.memref_slice %arg4[%add3A_1002, %dma_start3A_1015, %dma_start3A_1016] : memref<16384x50x64xf32, #tpu.memory_space<hbm>> -> memref<1x50x64xf32, #tpu.memory_space<hbm>>
      %dma_start3A_1018 = tpu.memref_squeeze %dma_start3A_1017 : memref<1x50x64xf32, #tpu.memory_space<hbm>> -> memref<50x64xf32, #tpu.memory_space<hbm>>
      %dma_start3A_1019 = arith.constant 250 : i32
      %dma_start3A_1020 = arith.constant 0 : i32
      %dma_start3A_1021 = tpu.memref_slice %arg6[%dma_start3A_1003, %dma_start3A_1019, %dma_start3A_1020] : memref<2x400x64xf32, #tpu.memory_space<vmem>> -> memref<1x50x64xf32, #tpu.memory_space<vmem>>
      %dma_start3A_1022 = tpu.memref_squeeze %dma_start3A_1021 : memref<1x50x64xf32, #tpu.memory_space<vmem>> -> memref<50x64xf32, #tpu.memory_space<vmem>>
      tpu.enqueue_dma source(%dma_start3A_1022 : memref<50x64xf32, #tpu.memory_space<vmem>>) target(%dma_start3A_1018 : memref<50x64xf32, #tpu.memory_space<hbm>>) target_semaphore(%dma_start3A_1014 : memref<!tpu.dma_semaphore, #tpu.memory_space<semaphore_mem>>)
      %add3A_1023 = arith.constant 0 : i32
      %add3A_1024 = arith.addi %mul3A_844, %add3A_1023 : i32
      %mul3A_1025 = arith.constant 8 : i32
      %mul3A_1026 = arith.muli %add3A_1024, %mul3A_1025 : i32
      %add3A_1027 = arith.addi %select_n3A, %mul3A_1026 : i32
      %add3A_1028 = arith.constant 6 : i32
      %add3A_1029 = arith.addi %add3A_1027, %add3A_1028 : i32
      %dma_start3A_1030 = arith.constant 0 : i32
      %dma_start3A_1031 = arith.constant 0 : i32
      %dma_start3A_1032 = arith.constant 300 : i32
      %dma_start3A_1033 = arith.constant 0 : i32
      %dma_start3A_1034 = tpu.memref_slice %arg6[%dma_start3A_1030, %dma_start3A_1032, %dma_start3A_1033] : memref<2x400x64xf32, #tpu.memory_space<vmem>> -> memref<1x50x64xf32, #tpu.memory_space<vmem>>
      %dma_start3A_1035 = tpu.memref_squeeze %dma_start3A_1034 : memref<1x50x64xf32, #tpu.memory_space<vmem>> -> memref<50x64xf32, #tpu.memory_space<vmem>>
      %dma_start3A_1036 = arith.constant 0 : i32
      %dma_start3A_1037 = arith.constant 0 : i32
      %dma_start3A_1038 = tpu.memref_slice %arg4[%add3A_1029, %dma_start3A_1036, %dma_start3A_1037] : memref<16384x50x64xf32, #tpu.memory_space<hbm>> -> memref<1x50x64xf32, #tpu.memory_space<hbm>>
      %dma_start3A_1039 = tpu.memref_squeeze %dma_start3A_1038 : memref<1x50x64xf32, #tpu.memory_space<hbm>> -> memref<50x64xf32, #tpu.memory_space<hbm>>
      %dma_start3A_1040 = tpu.memref_slice %arg8[%dma_start3A_1031] : memref<2x!tpu.dma_semaphore, #tpu.memory_space<semaphore_mem>> -> memref<1x!tpu.dma_semaphore, #tpu.memory_space<semaphore_mem>>
      %dma_start3A_1041 = tpu.memref_squeeze %dma_start3A_1040 : memref<1x!tpu.dma_semaphore, #tpu.memory_space<semaphore_mem>> -> memref<!tpu.dma_semaphore, #tpu.memory_space<semaphore_mem>>
      %dma_start3A_1042 = arith.constant 0 : i32
      %dma_start3A_1043 = arith.constant 0 : i32
      %dma_start3A_1044 = tpu.memref_slice %arg4[%add3A_1029, %dma_start3A_1042, %dma_start3A_1043] : memref<16384x50x64xf32, #tpu.memory_space<hbm>> -> memref<1x50x64xf32, #tpu.memory_space<hbm>>
      %dma_start3A_1045 = tpu.memref_squeeze %dma_start3A_1044 : memref<1x50x64xf32, #tpu.memory_space<hbm>> -> memref<50x64xf32, #tpu.memory_space<hbm>>
      %dma_start3A_1046 = arith.constant 300 : i32
      %dma_start3A_1047 = arith.constant 0 : i32
      %dma_start3A_1048 = tpu.memref_slice %arg6[%dma_start3A_1030, %dma_start3A_1046, %dma_start3A_1047] : memref<2x400x64xf32, #tpu.memory_space<vmem>> -> memref<1x50x64xf32, #tpu.memory_space<vmem>>
      %dma_start3A_1049 = tpu.memref_squeeze %dma_start3A_1048 : memref<1x50x64xf32, #tpu.memory_space<vmem>> -> memref<50x64xf32, #tpu.memory_space<vmem>>
      tpu.enqueue_dma source(%dma_start3A_1049 : memref<50x64xf32, #tpu.memory_space<vmem>>) target(%dma_start3A_1045 : memref<50x64xf32, #tpu.memory_space<hbm>>) target_semaphore(%dma_start3A_1041 : memref<!tpu.dma_semaphore, #tpu.memory_space<semaphore_mem>>)
      %add3A_1050 = arith.constant 0 : i32
      %add3A_1051 = arith.addi %mul3A_844, %add3A_1050 : i32
      %mul3A_1052 = arith.constant 8 : i32
      %mul3A_1053 = arith.muli %add3A_1051, %mul3A_1052 : i32
      %add3A_1054 = arith.addi %select_n3A, %mul3A_1053 : i32
      %add3A_1055 = arith.constant 7 : i32
      %add3A_1056 = arith.addi %add3A_1054, %add3A_1055 : i32
      %dma_start3A_1057 = arith.constant 0 : i32
      %dma_start3A_1058 = arith.constant 0 : i32
      %dma_start3A_1059 = arith.constant 350 : i32
      %dma_start3A_1060 = arith.constant 0 : i32
      %dma_start3A_1061 = tpu.memref_slice %arg6[%dma_start3A_1057, %dma_start3A_1059, %dma_start3A_1060] : memref<2x400x64xf32, #tpu.memory_space<vmem>> -> memref<1x50x64xf32, #tpu.memory_space<vmem>>
      %dma_start3A_1062 = tpu.memref_squeeze %dma_start3A_1061 : memref<1x50x64xf32, #tpu.memory_space<vmem>> -> memref<50x64xf32, #tpu.memory_space<vmem>>
      %dma_start3A_1063 = arith.constant 0 : i32
      %dma_start3A_1064 = arith.constant 0 : i32
      %dma_start3A_1065 = tpu.memref_slice %arg4[%add3A_1056, %dma_start3A_1063, %dma_start3A_1064] : memref<16384x50x64xf32, #tpu.memory_space<hbm>> -> memref<1x50x64xf32, #tpu.memory_space<hbm>>
      %dma_start3A_1066 = tpu.memref_squeeze %dma_start3A_1065 : memref<1x50x64xf32, #tpu.memory_space<hbm>> -> memref<50x64xf32, #tpu.memory_space<hbm>>
      %dma_start3A_1067 = tpu.memref_slice %arg8[%dma_start3A_1058] : memref<2x!tpu.dma_semaphore, #tpu.memory_space<semaphore_mem>> -> memref<1x!tpu.dma_semaphore, #tpu.memory_space<semaphore_mem>>
      %dma_start3A_1068 = tpu.memref_squeeze %dma_start3A_1067 : memref<1x!tpu.dma_semaphore, #tpu.memory_space<semaphore_mem>> -> memref<!tpu.dma_semaphore, #tpu.memory_space<semaphore_mem>>
      %dma_start3A_1069 = arith.constant 0 : i32
      %dma_start3A_1070 = arith.constant 0 : i32
      %dma_start3A_1071 = tpu.memref_slice %arg4[%add3A_1056, %dma_start3A_1069, %dma_start3A_1070] : memref<16384x50x64xf32, #tpu.memory_space<hbm>> -> memref<1x50x64xf32, #tpu.memory_space<hbm>>
      %dma_start3A_1072 = tpu.memref_squeeze %dma_start3A_1071 : memref<1x50x64xf32, #tpu.memory_space<hbm>> -> memref<50x64xf32, #tpu.memory_space<hbm>>
      %dma_start3A_1073 = arith.constant 350 : i32
      %dma_start3A_1074 = arith.constant 0 : i32
      %dma_start3A_1075 = tpu.memref_slice %arg6[%dma_start3A_1057, %dma_start3A_1073, %dma_start3A_1074] : memref<2x400x64xf32, #tpu.memory_space<vmem>> -> memref<1x50x64xf32, #tpu.memory_space<vmem>>
      %dma_start3A_1076 = tpu.memref_squeeze %dma_start3A_1075 : memref<1x50x64xf32, #tpu.memory_space<vmem>> -> memref<50x64xf32, #tpu.memory_space<vmem>>
      tpu.enqueue_dma source(%dma_start3A_1076 : memref<50x64xf32, #tpu.memory_space<vmem>>) target(%dma_start3A_1072 : memref<50x64xf32, #tpu.memory_space<hbm>>) target_semaphore(%dma_start3A_1068 : memref<!tpu.dma_semaphore, #tpu.memory_space<semaphore_mem>>)
      %add3A_1077 = arith.constant 1 : i32
      %add3A_1078 = arith.addi %mul3A_844, %add3A_1077 : i32
      %mul3A_1079 = arith.constant 400 : i32
      %mul3A_1080 = arith.muli %add3A_1078, %mul3A_1079 : i32
      %dma_wait3A_1081 = arith.constant 1 : i32
      %dma_wait3A_1082 = arith.constant 1 : i32
      %dma_wait3A_1083 = arith.constant 0 : i32
      %dma_wait3A_1084 = arith.constant 0 : i32
      %dma_wait3A_1085 = tpu.memref_slice %arg6[%dma_wait3A_1081, %dma_wait3A_1083, %dma_wait3A_1084] : memref<2x400x64xf32, #tpu.memory_space<vmem>> -> memref<1x400x64xf32, #tpu.memory_space<vmem>>
      %dma_wait3A_1086 = tpu.memref_squeeze %dma_wait3A_1085 : memref<1x400x64xf32, #tpu.memory_space<vmem>> -> memref<400x64xf32, #tpu.memory_space<vmem>>
      %dma_wait3A_1087 = tpu.memref_slice %arg5[%mul3A_1080] : memref<25600xi32, #tpu.memory_space<vmem>> -> memref<400xi32, #tpu.memory_space<vmem>>
      %dma_wait3A_1088 = arith.constant 0 : i32
      %dma_wait3A_1089 = arith.constant 0 : i32
      %dma_wait3A_1090 = tpu.memref_slice %arg3[%dma_wait3A_1088, %dma_wait3A_1089] : memref<1000000x64xf32, #tpu.memory_space<hbm>> -> memref<1000000x64xf32, #tpu.memory_space<hbm>>
      %dma_wait3A_1091 = tpu.memref_slice %arg7[%dma_wait3A_1082] : memref<2x!tpu.dma_semaphore, #tpu.memory_space<semaphore_mem>> -> memref<1x!tpu.dma_semaphore, #tpu.memory_space<semaphore_mem>>
      %dma_wait3A_1092 = tpu.memref_squeeze %dma_wait3A_1091 : memref<1x!tpu.dma_semaphore, #tpu.memory_space<semaphore_mem>> -> memref<!tpu.dma_semaphore, #tpu.memory_space<semaphore_mem>>
      tpu.wait_indirect_dma semaphore(%dma_wait3A_1092 : memref<!tpu.dma_semaphore, #tpu.memory_space<semaphore_mem>>) src(%dma_wait3A_1090 : memref<1000000x64xf32, #tpu.memory_space<hbm>>) dst(%dma_wait3A_1086 : memref<400x64xf32, #tpu.memory_space<vmem>>)
      %add3A_1093 = arith.constant 1 : i32
      %add3A_1094 = arith.addi %mul3A_844, %add3A_1093 : i32
      %mul3A_1095 = arith.constant 8 : i32
      %mul3A_1096 = arith.muli %add3A_1094, %mul3A_1095 : i32
      %add3A_1097 = arith.addi %select_n3A, %mul3A_1096 : i32
      %add3A_1098 = arith.constant 0 : i32
      %add3A_1099 = arith.addi %add3A_1097, %add3A_1098 : i32
      %dma_start3A_1100 = arith.constant 1 : i32
      %dma_start3A_1101 = arith.constant 1 : i32
      %dma_start3A_1102 = arith.constant 0 : i32
      %dma_start3A_1103 = arith.constant 0 : i32
      %dma_start3A_1104 = tpu.memref_slice %arg6[%dma_start3A_1100, %dma_start3A_1102, %dma_start3A_1103] : memref<2x400x64xf32, #tpu.memory_space<vmem>> -> memref<1x50x64xf32, #tpu.memory_space<vmem>>
      %dma_start3A_1105 = tpu.memref_squeeze %dma_start3A_1104 : memref<1x50x64xf32, #tpu.memory_space<vmem>> -> memref<50x64xf32, #tpu.memory_space<vmem>>
      %dma_start3A_1106 = arith.constant 0 : i32
      %dma_start3A_1107 = arith.constant 0 : i32
      %dma_start3A_1108 = tpu.memref_slice %arg4[%add3A_1099, %dma_start3A_1106, %dma_start3A_1107] : memref<16384x50x64xf32, #tpu.memory_space<hbm>> -> memref<1x50x64xf32, #tpu.memory_space<hbm>>
      %dma_start3A_1109 = tpu.memref_squeeze %dma_start3A_1108 : memref<1x50x64xf32, #tpu.memory_space<hbm>> -> memref<50x64xf32, #tpu.memory_space<hbm>>
      %dma_start3A_1110 = tpu.memref_slice %arg8[%dma_start3A_1101] : memref<2x!tpu.dma_semaphore, #tpu.memory_space<semaphore_mem>> -> memref<1x!tpu.dma_semaphore, #tpu.memory_space<semaphore_mem>>
      %dma_start3A_1111 = tpu.memref_squeeze %dma_start3A_1110 : memref<1x!tpu.dma_semaphore, #tpu.memory_space<semaphore_mem>> -> memref<!tpu.dma_semaphore, #tpu.memory_space<semaphore_mem>>
      %dma_start3A_1112 = arith.constant 0 : i32
      %dma_start3A_1113 = arith.constant 0 : i32
      %dma_start3A_1114 = tpu.memref_slice %arg4[%add3A_1099, %dma_start3A_1112, %dma_start3A_1113] : memref<16384x50x64xf32, #tpu.memory_space<hbm>> -> memref<1x50x64xf32, #tpu.memory_space<hbm>>
      %dma_start3A_1115 = tpu.memref_squeeze %dma_start3A_1114 : memref<1x50x64xf32, #tpu.memory_space<hbm>> -> memref<50x64xf32, #tpu.memory_space<hbm>>
      %dma_start3A_1116 = arith.constant 0 : i32
      %dma_start3A_1117 = arith.constant 0 : i32
      %dma_start3A_1118 = tpu.memref_slice %arg6[%dma_start3A_1100, %dma_start3A_1116, %dma_start3A_1117] : memref<2x400x64xf32, #tpu.memory_space<vmem>> -> memref<1x50x64xf32, #tpu.memory_space<vmem>>
      %dma_start3A_1119 = tpu.memref_squeeze %dma_start3A_1118 : memref<1x50x64xf32, #tpu.memory_space<vmem>> -> memref<50x64xf32, #tpu.memory_space<vmem>>
      tpu.enqueue_dma source(%dma_start3A_1119 : memref<50x64xf32, #tpu.memory_space<vmem>>) target(%dma_start3A_1115 : memref<50x64xf32, #tpu.memory_space<hbm>>) target_semaphore(%dma_start3A_1111 : memref<!tpu.dma_semaphore, #tpu.memory_space<semaphore_mem>>)
      %add3A_1120 = arith.constant 1 : i32
      %add3A_1121 = arith.addi %mul3A_844, %add3A_1120 : i32
      %mul3A_1122 = arith.constant 8 : i32
      %mul3A_1123 = arith.muli %add3A_1121, %mul3A_1122 : i32
      %add3A_1124 = arith.addi %select_n3A, %mul3A_1123 : i32
      %add3A_1125 = arith.constant 1 : i32
      %add3A_1126 = arith.addi %add3A_1124, %add3A_1125 : i32
      %dma_start3A_1127 = arith.constant 1 : i32
      %dma_start3A_1128 = arith.constant 1 : i32
      %dma_start3A_1129 = arith.constant 50 : i32
      %dma_start3A_1130 = arith.constant 0 : i32
      %dma_start3A_1131 = tpu.memref_slice %arg6[%dma_start3A_1127, %dma_start3A_1129, %dma_start3A_1130] : memref<2x400x64xf32, #tpu.memory_space<vmem>> -> memref<1x50x64xf32, #tpu.memory_space<vmem>>
      %dma_start3A_1132 = tpu.memref_squeeze %dma_start3A_1131 : memref<1x50x64xf32, #tpu.memory_space<vmem>> -> memref<50x64xf32, #tpu.memory_space<vmem>>
      %dma_start3A_1133 = arith.constant 0 : i32
      %dma_start3A_1134 = arith.constant 0 : i32
      %dma_start3A_1135 = tpu.memref_slice %arg4[%add3A_1126, %dma_start3A_1133, %dma_start3A_1134] : memref<16384x50x64xf32, #tpu.memory_space<hbm>> -> memref<1x50x64xf32, #tpu.memory_space<hbm>>
      %dma_start3A_1136 = tpu.memref_squeeze %dma_start3A_1135 : memref<1x50x64xf32, #tpu.memory_space<hbm>> -> memref<50x64xf32, #tpu.memory_space<hbm>>
      %dma_start3A_1137 = tpu.memref_slice %arg8[%dma_start3A_1128] : memref<2x!tpu.dma_semaphore, #tpu.memory_space<semaphore_mem>> -> memref<1x!tpu.dma_semaphore, #tpu.memory_space<semaphore_mem>>
      %dma_start3A_1138 = tpu.memref_squeeze %dma_start3A_1137 : memref<1x!tpu.dma_semaphore, #tpu.memory_space<semaphore_mem>> -> memref<!tpu.dma_semaphore, #tpu.memory_space<semaphore_mem>>
      %dma_start3A_1139 = arith.constant 0 : i32
      %dma_start3A_1140 = arith.constant 0 : i32
      %dma_start3A_1141 = tpu.memref_slice %arg4[%add3A_1126, %dma_start3A_1139, %dma_start3A_1140] : memref<16384x50x64xf32, #tpu.memory_space<hbm>> -> memref<1x50x64xf32, #tpu.memory_space<hbm>>
      %dma_start3A_1142 = tpu.memref_squeeze %dma_start3A_1141 : memref<1x50x64xf32, #tpu.memory_space<hbm>> -> memref<50x64xf32, #tpu.memory_space<hbm>>
      %dma_start3A_1143 = arith.constant 50 : i32
      %dma_start3A_1144 = arith.constant 0 : i32
      %dma_start3A_1145 = tpu.memref_slice %arg6[%dma_start3A_1127, %dma_start3A_1143, %dma_start3A_1144] : memref<2x400x64xf32, #tpu.memory_space<vmem>> -> memref<1x50x64xf32, #tpu.memory_space<vmem>>
      %dma_start3A_1146 = tpu.memref_squeeze %dma_start3A_1145 : memref<1x50x64xf32, #tpu.memory_space<vmem>> -> memref<50x64xf32, #tpu.memory_space<vmem>>
      tpu.enqueue_dma source(%dma_start3A_1146 : memref<50x64xf32, #tpu.memory_space<vmem>>) target(%dma_start3A_1142 : memref<50x64xf32, #tpu.memory_space<hbm>>) target_semaphore(%dma_start3A_1138 : memref<!tpu.dma_semaphore, #tpu.memory_space<semaphore_mem>>)
      %add3A_1147 = arith.constant 1 : i32
      %add3A_1148 = arith.addi %mul3A_844, %add3A_1147 : i32
      %mul3A_1149 = arith.constant 8 : i32
      %mul3A_1150 = arith.muli %add3A_1148, %mul3A_1149 : i32
      %add3A_1151 = arith.addi %select_n3A, %mul3A_1150 : i32
      %add3A_1152 = arith.constant 2 : i32
      %add3A_1153 = arith.addi %add3A_1151, %add3A_1152 : i32
      %dma_start3A_1154 = arith.constant 1 : i32
      %dma_start3A_1155 = arith.constant 1 : i32
      %dma_start3A_1156 = arith.constant 100 : i32
      %dma_start3A_1157 = arith.constant 0 : i32
      %dma_start3A_1158 = tpu.memref_slice %arg6[%dma_start3A_1154, %dma_start3A_1156, %dma_start3A_1157] : memref<2x400x64xf32, #tpu.memory_space<vmem>> -> memref<1x50x64xf32, #tpu.memory_space<vmem>>
      %dma_start3A_1159 = tpu.memref_squeeze %dma_start3A_1158 : memref<1x50x64xf32, #tpu.memory_space<vmem>> -> memref<50x64xf32, #tpu.memory_space<vmem>>
      %dma_start3A_1160 = arith.constant 0 : i32
      %dma_start3A_1161 = arith.constant 0 : i32
      %dma_start3A_1162 = tpu.memref_slice %arg4[%add3A_1153, %dma_start3A_1160, %dma_start3A_1161] : memref<16384x50x64xf32, #tpu.memory_space<hbm>> -> memref<1x50x64xf32, #tpu.memory_space<hbm>>
      %dma_start3A_1163 = tpu.memref_squeeze %dma_start3A_1162 : memref<1x50x64xf32, #tpu.memory_space<hbm>> -> memref<50x64xf32, #tpu.memory_space<hbm>>
      %dma_start3A_1164 = tpu.memref_slice %arg8[%dma_start3A_1155] : memref<2x!tpu.dma_semaphore, #tpu.memory_space<semaphore_mem>> -> memref<1x!tpu.dma_semaphore, #tpu.memory_space<semaphore_mem>>
      %dma_start3A_1165 = tpu.memref_squeeze %dma_start3A_1164 : memref<1x!tpu.dma_semaphore, #tpu.memory_space<semaphore_mem>> -> memref<!tpu.dma_semaphore, #tpu.memory_space<semaphore_mem>>
      %dma_start3A_1166 = arith.constant 0 : i32
      %dma_start3A_1167 = arith.constant 0 : i32
      %dma_start3A_1168 = tpu.memref_slice %arg4[%add3A_1153, %dma_start3A_1166, %dma_start3A_1167] : memref<16384x50x64xf32, #tpu.memory_space<hbm>> -> memref<1x50x64xf32, #tpu.memory_space<hbm>>
      %dma_start3A_1169 = tpu.memref_squeeze %dma_start3A_1168 : memref<1x50x64xf32, #tpu.memory_space<hbm>> -> memref<50x64xf32, #tpu.memory_space<hbm>>
      %dma_start3A_1170 = arith.constant 100 : i32
      %dma_start3A_1171 = arith.constant 0 : i32
      %dma_start3A_1172 = tpu.memref_slice %arg6[%dma_start3A_1154, %dma_start3A_1170, %dma_start3A_1171] : memref<2x400x64xf32, #tpu.memory_space<vmem>> -> memref<1x50x64xf32, #tpu.memory_space<vmem>>
      %dma_start3A_1173 = tpu.memref_squeeze %dma_start3A_1172 : memref<1x50x64xf32, #tpu.memory_space<vmem>> -> memref<50x64xf32, #tpu.memory_space<vmem>>
      tpu.enqueue_dma source(%dma_start3A_1173 : memref<50x64xf32, #tpu.memory_space<vmem>>) target(%dma_start3A_1169 : memref<50x64xf32, #tpu.memory_space<hbm>>) target_semaphore(%dma_start3A_1165 : memref<!tpu.dma_semaphore, #tpu.memory_space<semaphore_mem>>)
      %add3A_1174 = arith.constant 1 : i32
      %add3A_1175 = arith.addi %mul3A_844, %add3A_1174 : i32
      %mul3A_1176 = arith.constant 8 : i32
      %mul3A_1177 = arith.muli %add3A_1175, %mul3A_1176 : i32
      %add3A_1178 = arith.addi %select_n3A, %mul3A_1177 : i32
      %add3A_1179 = arith.constant 3 : i32
      %add3A_1180 = arith.addi %add3A_1178, %add3A_1179 : i32
      %dma_start3A_1181 = arith.constant 1 : i32
      %dma_start3A_1182 = arith.constant 1 : i32
      %dma_start3A_1183 = arith.constant 150 : i32
      %dma_start3A_1184 = arith.constant 0 : i32
      %dma_start3A_1185 = tpu.memref_slice %arg6[%dma_start3A_1181, %dma_start3A_1183, %dma_start3A_1184] : memref<2x400x64xf32, #tpu.memory_space<vmem>> -> memref<1x50x64xf32, #tpu.memory_space<vmem>>
      %dma_start3A_1186 = tpu.memref_squeeze %dma_start3A_1185 : memref<1x50x64xf32, #tpu.memory_space<vmem>> -> memref<50x64xf32, #tpu.memory_space<vmem>>
      %dma_start3A_1187 = arith.constant 0 : i32
      %dma_start3A_1188 = arith.constant 0 : i32
      %dma_start3A_1189 = tpu.memref_slice %arg4[%add3A_1180, %dma_start3A_1187, %dma_start3A_1188] : memref<16384x50x64xf32, #tpu.memory_space<hbm>> -> memref<1x50x64xf32, #tpu.memory_space<hbm>>
      %dma_start3A_1190 = tpu.memref_squeeze %dma_start3A_1189 : memref<1x50x64xf32, #tpu.memory_space<hbm>> -> memref<50x64xf32, #tpu.memory_space<hbm>>
      %dma_start3A_1191 = tpu.memref_slice %arg8[%dma_start3A_1182] : memref<2x!tpu.dma_semaphore, #tpu.memory_space<semaphore_mem>> -> memref<1x!tpu.dma_semaphore, #tpu.memory_space<semaphore_mem>>
      %dma_start3A_1192 = tpu.memref_squeeze %dma_start3A_1191 : memref<1x!tpu.dma_semaphore, #tpu.memory_space<semaphore_mem>> -> memref<!tpu.dma_semaphore, #tpu.memory_space<semaphore_mem>>
      %dma_start3A_1193 = arith.constant 0 : i32
      %dma_start3A_1194 = arith.constant 0 : i32
      %dma_start3A_1195 = tpu.memref_slice %arg4[%add3A_1180, %dma_start3A_1193, %dma_start3A_1194] : memref<16384x50x64xf32, #tpu.memory_space<hbm>> -> memref<1x50x64xf32, #tpu.memory_space<hbm>>
      %dma_start3A_1196 = tpu.memref_squeeze %dma_start3A_1195 : memref<1x50x64xf32, #tpu.memory_space<hbm>> -> memref<50x64xf32, #tpu.memory_space<hbm>>
      %dma_start3A_1197 = arith.constant 150 : i32
      %dma_start3A_1198 = arith.constant 0 : i32
      %dma_start3A_1199 = tpu.memref_slice %arg6[%dma_start3A_1181, %dma_start3A_1197, %dma_start3A_1198] : memref<2x400x64xf32, #tpu.memory_space<vmem>> -> memref<1x50x64xf32, #tpu.memory_space<vmem>>
      %dma_start3A_1200 = tpu.memref_squeeze %dma_start3A_1199 : memref<1x50x64xf32, #tpu.memory_space<vmem>> -> memref<50x64xf32, #tpu.memory_space<vmem>>
      tpu.enqueue_dma source(%dma_start3A_1200 : memref<50x64xf32, #tpu.memory_space<vmem>>) target(%dma_start3A_1196 : memref<50x64xf32, #tpu.memory_space<hbm>>) target_semaphore(%dma_start3A_1192 : memref<!tpu.dma_semaphore, #tpu.memory_space<semaphore_mem>>)
      %add3A_1201 = arith.constant 1 : i32
      %add3A_1202 = arith.addi %mul3A_844, %add3A_1201 : i32
      %mul3A_1203 = arith.constant 8 : i32
      %mul3A_1204 = arith.muli %add3A_1202, %mul3A_1203 : i32
      %add3A_1205 = arith.addi %select_n3A, %mul3A_1204 : i32
      %add3A_1206 = arith.constant 4 : i32
      %add3A_1207 = arith.addi %add3A_1205, %add3A_1206 : i32
      %dma_start3A_1208 = arith.constant 1 : i32
      %dma_start3A_1209 = arith.constant 1 : i32
      %dma_start3A_1210 = arith.constant 200 : i32
      %dma_start3A_1211 = arith.constant 0 : i32
      %dma_start3A_1212 = tpu.memref_slice %arg6[%dma_start3A_1208, %dma_start3A_1210, %dma_start3A_1211] : memref<2x400x64xf32, #tpu.memory_space<vmem>> -> memref<1x50x64xf32, #tpu.memory_space<vmem>>
      %dma_start3A_1213 = tpu.memref_squeeze %dma_start3A_1212 : memref<1x50x64xf32, #tpu.memory_space<vmem>> -> memref<50x64xf32, #tpu.memory_space<vmem>>
      %dma_start3A_1214 = arith.constant 0 : i32
      %dma_start3A_1215 = arith.constant 0 : i32
      %dma_start3A_1216 = tpu.memref_slice %arg4[%add3A_1207, %dma_start3A_1214, %dma_start3A_1215] : memref<16384x50x64xf32, #tpu.memory_space<hbm>> -> memref<1x50x64xf32, #tpu.memory_space<hbm>>
      %dma_start3A_1217 = tpu.memref_squeeze %dma_start3A_1216 : memref<1x50x64xf32, #tpu.memory_space<hbm>> -> memref<50x64xf32, #tpu.memory_space<hbm>>
      %dma_start3A_1218 = tpu.memref_slice %arg8[%dma_start3A_1209] : memref<2x!tpu.dma_semaphore, #tpu.memory_space<semaphore_mem>> -> memref<1x!tpu.dma_semaphore, #tpu.memory_space<semaphore_mem>>
      %dma_start3A_1219 = tpu.memref_squeeze %dma_start3A_1218 : memref<1x!tpu.dma_semaphore, #tpu.memory_space<semaphore_mem>> -> memref<!tpu.dma_semaphore, #tpu.memory_space<semaphore_mem>>
      %dma_start3A_1220 = arith.constant 0 : i32
      %dma_start3A_1221 = arith.constant 0 : i32
      %dma_start3A_1222 = tpu.memref_slice %arg4[%add3A_1207, %dma_start3A_1220, %dma_start3A_1221] : memref<16384x50x64xf32, #tpu.memory_space<hbm>> -> memref<1x50x64xf32, #tpu.memory_space<hbm>>
      %dma_start3A_1223 = tpu.memref_squeeze %dma_start3A_1222 : memref<1x50x64xf32, #tpu.memory_space<hbm>> -> memref<50x64xf32, #tpu.memory_space<hbm>>
      %dma_start3A_1224 = arith.constant 200 : i32
      %dma_start3A_1225 = arith.constant 0 : i32
      %dma_start3A_1226 = tpu.memref_slice %arg6[%dma_start3A_1208, %dma_start3A_1224, %dma_start3A_1225] : memref<2x400x64xf32, #tpu.memory_space<vmem>> -> memref<1x50x64xf32, #tpu.memory_space<vmem>>
      %dma_start3A_1227 = tpu.memref_squeeze %dma_start3A_1226 : memref<1x50x64xf32, #tpu.memory_space<vmem>> -> memref<50x64xf32, #tpu.memory_space<vmem>>
      tpu.enqueue_dma source(%dma_start3A_1227 : memref<50x64xf32, #tpu.memory_space<vmem>>) target(%dma_start3A_1223 : memref<50x64xf32, #tpu.memory_space<hbm>>) target_semaphore(%dma_start3A_1219 : memref<!tpu.dma_semaphore, #tpu.memory_space<semaphore_mem>>)
      %add3A_1228 = arith.constant 1 : i32
      %add3A_1229 = arith.addi %mul3A_844, %add3A_1228 : i32
      %mul3A_1230 = arith.constant 8 : i32
      %mul3A_1231 = arith.muli %add3A_1229, %mul3A_1230 : i32
      %add3A_1232 = arith.addi %select_n3A, %mul3A_1231 : i32
      %add3A_1233 = arith.constant 5 : i32
      %add3A_1234 = arith.addi %add3A_1232, %add3A_1233 : i32
      %dma_start3A_1235 = arith.constant 1 : i32
      %dma_start3A_1236 = arith.constant 1 : i32
      %dma_start3A_1237 = arith.constant 250 : i32
      %dma_start3A_1238 = arith.constant 0 : i32
      %dma_start3A_1239 = tpu.memref_slice %arg6[%dma_start3A_1235, %dma_start3A_1237, %dma_start3A_1238] : memref<2x400x64xf32, #tpu.memory_space<vmem>> -> memref<1x50x64xf32, #tpu.memory_space<vmem>>
      %dma_start3A_1240 = tpu.memref_squeeze %dma_start3A_1239 : memref<1x50x64xf32, #tpu.memory_space<vmem>> -> memref<50x64xf32, #tpu.memory_space<vmem>>
      %dma_start3A_1241 = arith.constant 0 : i32
      %dma_start3A_1242 = arith.constant 0 : i32
      %dma_start3A_1243 = tpu.memref_slice %arg4[%add3A_1234, %dma_start3A_1241, %dma_start3A_1242] : memref<16384x50x64xf32, #tpu.memory_space<hbm>> -> memref<1x50x64xf32, #tpu.memory_space<hbm>>
      %dma_start3A_1244 = tpu.memref_squeeze %dma_start3A_1243 : memref<1x50x64xf32, #tpu.memory_space<hbm>> -> memref<50x64xf32, #tpu.memory_space<hbm>>
      %dma_start3A_1245 = tpu.memref_slice %arg8[%dma_start3A_1236] : memref<2x!tpu.dma_semaphore, #tpu.memory_space<semaphore_mem>> -> memref<1x!tpu.dma_semaphore, #tpu.memory_space<semaphore_mem>>
      %dma_start3A_1246 = tpu.memref_squeeze %dma_start3A_1245 : memref<1x!tpu.dma_semaphore, #tpu.memory_space<semaphore_mem>> -> memref<!tpu.dma_semaphore, #tpu.memory_space<semaphore_mem>>
      %dma_start3A_1247 = arith.constant 0 : i32
      %dma_start3A_1248 = arith.constant 0 : i32
      %dma_start3A_1249 = tpu.memref_slice %arg4[%add3A_1234, %dma_start3A_1247, %dma_start3A_1248] : memref<16384x50x64xf32, #tpu.memory_space<hbm>> -> memref<1x50x64xf32, #tpu.memory_space<hbm>>
      %dma_start3A_1250 = tpu.memref_squeeze %dma_start3A_1249 : memref<1x50x64xf32, #tpu.memory_space<hbm>> -> memref<50x64xf32, #tpu.memory_space<hbm>>
      %dma_start3A_1251 = arith.constant 250 : i32
      %dma_start3A_1252 = arith.constant 0 : i32
      %dma_start3A_1253 = tpu.memref_slice %arg6[%dma_start3A_1235, %dma_start3A_1251, %dma_start3A_1252] : memref<2x400x64xf32, #tpu.memory_space<vmem>> -> memref<1x50x64xf32, #tpu.memory_space<vmem>>
      %dma_start3A_1254 = tpu.memref_squeeze %dma_start3A_1253 : memref<1x50x64xf32, #tpu.memory_space<vmem>> -> memref<50x64xf32, #tpu.memory_space<vmem>>
      tpu.enqueue_dma source(%dma_start3A_1254 : memref<50x64xf32, #tpu.memory_space<vmem>>) target(%dma_start3A_1250 : memref<50x64xf32, #tpu.memory_space<hbm>>) target_semaphore(%dma_start3A_1246 : memref<!tpu.dma_semaphore, #tpu.memory_space<semaphore_mem>>)
      %add3A_1255 = arith.constant 1 : i32
      %add3A_1256 = arith.addi %mul3A_844, %add3A_1255 : i32
      %mul3A_1257 = arith.constant 8 : i32
      %mul3A_1258 = arith.muli %add3A_1256, %mul3A_1257 : i32
      %add3A_1259 = arith.addi %select_n3A, %mul3A_1258 : i32
      %add3A_1260 = arith.constant 6 : i32
      %add3A_1261 = arith.addi %add3A_1259, %add3A_1260 : i32
      %dma_start3A_1262 = arith.constant 1 : i32
      %dma_start3A_1263 = arith.constant 1 : i32
      %dma_start3A_1264 = arith.constant 300 : i32
      %dma_start3A_1265 = arith.constant 0 : i32
      %dma_start3A_1266 = tpu.memref_slice %arg6[%dma_start3A_1262, %dma_start3A_1264, %dma_start3A_1265] : memref<2x400x64xf32, #tpu.memory_space<vmem>> -> memref<1x50x64xf32, #tpu.memory_space<vmem>>
      %dma_start3A_1267 = tpu.memref_squeeze %dma_start3A_1266 : memref<1x50x64xf32, #tpu.memory_space<vmem>> -> memref<50x64xf32, #tpu.memory_space<vmem>>
      %dma_start3A_1268 = arith.constant 0 : i32
      %dma_start3A_1269 = arith.constant 0 : i32
      %dma_start3A_1270 = tpu.memref_slice %arg4[%add3A_1261, %dma_start3A_1268, %dma_start3A_1269] : memref<16384x50x64xf32, #tpu.memory_space<hbm>> -> memref<1x50x64xf32, #tpu.memory_space<hbm>>
      %dma_start3A_1271 = tpu.memref_squeeze %dma_start3A_1270 : memref<1x50x64xf32, #tpu.memory_space<hbm>> -> memref<50x64xf32, #tpu.memory_space<hbm>>
      %dma_start3A_1272 = tpu.memref_slice %arg8[%dma_start3A_1263] : memref<2x!tpu.dma_semaphore, #tpu.memory_space<semaphore_mem>> -> memref<1x!tpu.dma_semaphore, #tpu.memory_space<semaphore_mem>>
      %dma_start3A_1273 = tpu.memref_squeeze %dma_start3A_1272 : memref<1x!tpu.dma_semaphore, #tpu.memory_space<semaphore_mem>> -> memref<!tpu.dma_semaphore, #tpu.memory_space<semaphore_mem>>
      %dma_start3A_1274 = arith.constant 0 : i32
      %dma_start3A_1275 = arith.constant 0 : i32
      %dma_start3A_1276 = tpu.memref_slice %arg4[%add3A_1261, %dma_start3A_1274, %dma_start3A_1275] : memref<16384x50x64xf32, #tpu.memory_space<hbm>> -> memref<1x50x64xf32, #tpu.memory_space<hbm>>
      %dma_start3A_1277 = tpu.memref_squeeze %dma_start3A_1276 : memref<1x50x64xf32, #tpu.memory_space<hbm>> -> memref<50x64xf32, #tpu.memory_space<hbm>>
      %dma_start3A_1278 = arith.constant 300 : i32
      %dma_start3A_1279 = arith.constant 0 : i32
      %dma_start3A_1280 = tpu.memref_slice %arg6[%dma_start3A_1262, %dma_start3A_1278, %dma_start3A_1279] : memref<2x400x64xf32, #tpu.memory_space<vmem>> -> memref<1x50x64xf32, #tpu.memory_space<vmem>>
      %dma_start3A_1281 = tpu.memref_squeeze %dma_start3A_1280 : memref<1x50x64xf32, #tpu.memory_space<vmem>> -> memref<50x64xf32, #tpu.memory_space<vmem>>
      tpu.enqueue_dma source(%dma_start3A_1281 : memref<50x64xf32, #tpu.memory_space<vmem>>) target(%dma_start3A_1277 : memref<50x64xf32, #tpu.memory_space<hbm>>) target_semaphore(%dma_start3A_1273 : memref<!tpu.dma_semaphore, #tpu.memory_space<semaphore_mem>>)
      %add3A_1282 = arith.constant 1 : i32
      %add3A_1283 = arith.addi %mul3A_844, %add3A_1282 : i32
      %mul3A_1284 = arith.constant 8 : i32
      %mul3A_1285 = arith.muli %add3A_1283, %mul3A_1284 : i32
      %add3A_1286 = arith.addi %select_n3A, %mul3A_1285 : i32
      %add3A_1287 = arith.constant 7 : i32
      %add3A_1288 = arith.addi %add3A_1286, %add3A_1287 : i32
      %dma_start3A_1289 = arith.constant 1 : i32
      %dma_start3A_1290 = arith.constant 1 : i32
      %dma_start3A_1291 = arith.constant 350 : i32
      %dma_start3A_1292 = arith.constant 0 : i32
      %dma_start3A_1293 = tpu.memref_slice %arg6[%dma_start3A_1289, %dma_start3A_1291, %dma_start3A_1292] : memref<2x400x64xf32, #tpu.memory_space<vmem>> -> memref<1x50x64xf32, #tpu.memory_space<vmem>>
      %dma_start3A_1294 = tpu.memref_squeeze %dma_start3A_1293 : memref<1x50x64xf32, #tpu.memory_space<vmem>> -> memref<50x64xf32, #tpu.memory_space<vmem>>
      %dma_start3A_1295 = arith.constant 0 : i32
      %dma_start3A_1296 = arith.constant 0 : i32
      %dma_start3A_1297 = tpu.memref_slice %arg4[%add3A_1288, %dma_start3A_1295, %dma_start3A_1296] : memref<16384x50x64xf32, #tpu.memory_space<hbm>> -> memref<1x50x64xf32, #tpu.memory_space<hbm>>
      %dma_start3A_1298 = tpu.memref_squeeze %dma_start3A_1297 : memref<1x50x64xf32, #tpu.memory_space<hbm>> -> memref<50x64xf32, #tpu.memory_space<hbm>>
      %dma_start3A_1299 = tpu.memref_slice %arg8[%dma_start3A_1290] : memref<2x!tpu.dma_semaphore, #tpu.memory_space<semaphore_mem>> -> memref<1x!tpu.dma_semaphore, #tpu.memory_space<semaphore_mem>>
      %dma_start3A_1300 = tpu.memref_squeeze %dma_start3A_1299 : memref<1x!tpu.dma_semaphore, #tpu.memory_space<semaphore_mem>> -> memref<!tpu.dma_semaphore, #tpu.memory_space<semaphore_mem>>
      %dma_start3A_1301 = arith.constant 0 : i32
      %dma_start3A_1302 = arith.constant 0 : i32
      %dma_start3A_1303 = tpu.memref_slice %arg4[%add3A_1288, %dma_start3A_1301, %dma_start3A_1302] : memref<16384x50x64xf32, #tpu.memory_space<hbm>> -> memref<1x50x64xf32, #tpu.memory_space<hbm>>
      %dma_start3A_1304 = tpu.memref_squeeze %dma_start3A_1303 : memref<1x50x64xf32, #tpu.memory_space<hbm>> -> memref<50x64xf32, #tpu.memory_space<hbm>>
      %dma_start3A_1305 = arith.constant 350 : i32
      %dma_start3A_1306 = arith.constant 0 : i32
      %dma_start3A_1307 = tpu.memref_slice %arg6[%dma_start3A_1289, %dma_start3A_1305, %dma_start3A_1306] : memref<2x400x64xf32, #tpu.memory_space<vmem>> -> memref<1x50x64xf32, #tpu.memory_space<vmem>>
      %dma_start3A_1308 = tpu.memref_squeeze %dma_start3A_1307 : memref<1x50x64xf32, #tpu.memory_space<vmem>> -> memref<50x64xf32, #tpu.memory_space<vmem>>
      tpu.enqueue_dma source(%dma_start3A_1308 : memref<50x64xf32, #tpu.memory_space<vmem>>) target(%dma_start3A_1304 : memref<50x64xf32, #tpu.memory_space<hbm>>) target_semaphore(%dma_start3A_1300 : memref<!tpu.dma_semaphore, #tpu.memory_space<semaphore_mem>>)
      %add3A_1309 = arith.constant 0 : i32
      %add3A_1310 = arith.addi %mul3A_844, %add3A_1309 : i32
      %mul3A_1311 = arith.constant 8 : i32
      %mul3A_1312 = arith.muli %add3A_1310, %mul3A_1311 : i32
      %add3A_1313 = arith.addi %select_n3A, %mul3A_1312 : i32
      %add3A_1314 = arith.constant 0 : i32
      %add3A_1315 = arith.addi %add3A_1313, %add3A_1314 : i32
      %dma_wait3A_1316 = arith.constant 0 : i32
      %dma_wait3A_1317 = arith.constant 0 : i32
      %dma_wait3A_1318 = arith.constant 0 : i32
      %dma_wait3A_1319 = arith.constant 0 : i32
      %dma_wait3A_1320 = tpu.memref_slice %arg6[%dma_wait3A_1316, %dma_wait3A_1318, %dma_wait3A_1319] : memref<2x400x64xf32, #tpu.memory_space<vmem>> -> memref<1x50x64xf32, #tpu.memory_space<vmem>>
      %dma_wait3A_1321 = tpu.memref_squeeze %dma_wait3A_1320 : memref<1x50x64xf32, #tpu.memory_space<vmem>> -> memref<50x64xf32, #tpu.memory_space<vmem>>
      %dma_wait3A_1322 = arith.constant 0 : i32
      %dma_wait3A_1323 = arith.constant 0 : i32
      %dma_wait3A_1324 = tpu.memref_slice %arg4[%add3A_1315, %dma_wait3A_1322, %dma_wait3A_1323] : memref<16384x50x64xf32, #tpu.memory_space<hbm>> -> memref<1x50x64xf32, #tpu.memory_space<hbm>>
      %dma_wait3A_1325 = tpu.memref_squeeze %dma_wait3A_1324 : memref<1x50x64xf32, #tpu.memory_space<hbm>> -> memref<50x64xf32, #tpu.memory_space<hbm>>
      %dma_wait3A_1326 = tpu.memref_slice %arg8[%dma_wait3A_1317] : memref<2x!tpu.dma_semaphore, #tpu.memory_space<semaphore_mem>> -> memref<1x!tpu.dma_semaphore, #tpu.memory_space<semaphore_mem>>
      %dma_wait3A_1327 = tpu.memref_squeeze %dma_wait3A_1326 : memref<1x!tpu.dma_semaphore, #tpu.memory_space<semaphore_mem>> -> memref<!tpu.dma_semaphore, #tpu.memory_space<semaphore_mem>>
      %dma_wait3A_1328 = arith.constant 0 : i32
      %dma_wait3A_1329 = arith.constant 0 : i32
      %dma_wait3A_1330 = tpu.memref_slice %arg4[%add3A_1315, %dma_wait3A_1328, %dma_wait3A_1329] : memref<16384x50x64xf32, #tpu.memory_space<hbm>> -> memref<1x50x64xf32, #tpu.memory_space<hbm>>
      %dma_wait3A_1331 = tpu.memref_squeeze %dma_wait3A_1330 : memref<1x50x64xf32, #tpu.memory_space<hbm>> -> memref<50x64xf32, #tpu.memory_space<hbm>>
      %dma_wait3A_1332 = arith.constant 0 : i32
      %dma_wait3A_1333 = arith.constant 0 : i32
      %dma_wait3A_1334 = tpu.memref_slice %arg6[%dma_wait3A_1316, %dma_wait3A_1332, %dma_wait3A_1333] : memref<2x400x64xf32, #tpu.memory_space<vmem>> -> memref<1x50x64xf32, #tpu.memory_space<vmem>>
      %dma_wait3A_1335 = tpu.memref_squeeze %dma_wait3A_1334 : memref<1x50x64xf32, #tpu.memory_space<vmem>> -> memref<50x64xf32, #tpu.memory_space<vmem>>
      tpu.wait_dma2 semaphore(%dma_wait3A_1327 : memref<!tpu.dma_semaphore, #tpu.memory_space<semaphore_mem>>) src(%dma_wait3A_1335 : memref<50x64xf32, #tpu.memory_space<vmem>>) dst(%dma_wait3A_1331 : memref<50x64xf32, #tpu.memory_space<hbm>>)
      %add3A_1336 = arith.constant 0 : i32
      %add3A_1337 = arith.addi %mul3A_844, %add3A_1336 : i32
      %mul3A_1338 = arith.constant 8 : i32
      %mul3A_1339 = arith.muli %add3A_1337, %mul3A_1338 : i32
      %add3A_1340 = arith.addi %select_n3A, %mul3A_1339 : i32
      %add3A_1341 = arith.constant 1 : i32
      %add3A_1342 = arith.addi %add3A_1340, %add3A_1341 : i32
      %dma_wait3A_1343 = arith.constant 0 : i32
      %dma_wait3A_1344 = arith.constant 0 : i32
      %dma_wait3A_1345 = arith.constant 50 : i32
      %dma_wait3A_1346 = arith.constant 0 : i32
      %dma_wait3A_1347 = tpu.memref_slice %arg6[%dma_wait3A_1343, %dma_wait3A_1345, %dma_wait3A_1346] : memref<2x400x64xf32, #tpu.memory_space<vmem>> -> memref<1x50x64xf32, #tpu.memory_space<vmem>>
      %dma_wait3A_1348 = tpu.memref_squeeze %dma_wait3A_1347 : memref<1x50x64xf32, #tpu.memory_space<vmem>> -> memref<50x64xf32, #tpu.memory_space<vmem>>
      %dma_wait3A_1349 = arith.constant 0 : i32
      %dma_wait3A_1350 = arith.constant 0 : i32
      %dma_wait3A_1351 = tpu.memref_slice %arg4[%add3A_1342, %dma_wait3A_1349, %dma_wait3A_1350] : memref<16384x50x64xf32, #tpu.memory_space<hbm>> -> memref<1x50x64xf32, #tpu.memory_space<hbm>>
      %dma_wait3A_1352 = tpu.memref_squeeze %dma_wait3A_1351 : memref<1x50x64xf32, #tpu.memory_space<hbm>> -> memref<50x64xf32, #tpu.memory_space<hbm>>
      %dma_wait3A_1353 = tpu.memref_slice %arg8[%dma_wait3A_1344] : memref<2x!tpu.dma_semaphore, #tpu.memory_space<semaphore_mem>> -> memref<1x!tpu.dma_semaphore, #tpu.memory_space<semaphore_mem>>
      %dma_wait3A_1354 = tpu.memref_squeeze %dma_wait3A_1353 : memref<1x!tpu.dma_semaphore, #tpu.memory_space<semaphore_mem>> -> memref<!tpu.dma_semaphore, #tpu.memory_space<semaphore_mem>>
      %dma_wait3A_1355 = arith.constant 0 : i32
      %dma_wait3A_1356 = arith.constant 0 : i32
      %dma_wait3A_1357 = tpu.memref_slice %arg4[%add3A_1342, %dma_wait3A_1355, %dma_wait3A_1356] : memref<16384x50x64xf32, #tpu.memory_space<hbm>> -> memref<1x50x64xf32, #tpu.memory_space<hbm>>
      %dma_wait3A_1358 = tpu.memref_squeeze %dma_wait3A_1357 : memref<1x50x64xf32, #tpu.memory_space<hbm>> -> memref<50x64xf32, #tpu.memory_space<hbm>>
      %dma_wait3A_1359 = arith.constant 50 : i32
      %dma_wait3A_1360 = arith.constant 0 : i32
      %dma_wait3A_1361 = tpu.memref_slice %arg6[%dma_wait3A_1343, %dma_wait3A_1359, %dma_wait3A_1360] : memref<2x400x64xf32, #tpu.memory_space<vmem>> -> memref<1x50x64xf32, #tpu.memory_space<vmem>>
      %dma_wait3A_1362 = tpu.memref_squeeze %dma_wait3A_1361 : memref<1x50x64xf32, #tpu.memory_space<vmem>> -> memref<50x64xf32, #tpu.memory_space<vmem>>
      tpu.wait_dma2 semaphore(%dma_wait3A_1354 : memref<!tpu.dma_semaphore, #tpu.memory_space<semaphore_mem>>) src(%dma_wait3A_1362 : memref<50x64xf32, #tpu.memory_space<vmem>>) dst(%dma_wait3A_1358 : memref<50x64xf32, #tpu.memory_space<hbm>>)
      %add3A_1363 = arith.constant 0 : i32
      %add3A_1364 = arith.addi %mul3A_844, %add3A_1363 : i32
      %mul3A_1365 = arith.constant 8 : i32
      %mul3A_1366 = arith.muli %add3A_1364, %mul3A_1365 : i32
      %add3A_1367 = arith.addi %select_n3A, %mul3A_1366 : i32
      %add3A_1368 = arith.constant 2 : i32
      %add3A_1369 = arith.addi %add3A_1367, %add3A_1368 : i32
      %dma_wait3A_1370 = arith.constant 0 : i32
      %dma_wait3A_1371 = arith.constant 0 : i32
      %dma_wait3A_1372 = arith.constant 100 : i32
      %dma_wait3A_1373 = arith.constant 0 : i32
      %dma_wait3A_1374 = tpu.memref_slice %arg6[%dma_wait3A_1370, %dma_wait3A_1372, %dma_wait3A_1373] : memref<2x400x64xf32, #tpu.memory_space<vmem>> -> memref<1x50x64xf32, #tpu.memory_space<vmem>>
      %dma_wait3A_1375 = tpu.memref_squeeze %dma_wait3A_1374 : memref<1x50x64xf32, #tpu.memory_space<vmem>> -> memref<50x64xf32, #tpu.memory_space<vmem>>
      %dma_wait3A_1376 = arith.constant 0 : i32
      %dma_wait3A_1377 = arith.constant 0 : i32
      %dma_wait3A_1378 = tpu.memref_slice %arg4[%add3A_1369, %dma_wait3A_1376, %dma_wait3A_1377] : memref<16384x50x64xf32, #tpu.memory_space<hbm>> -> memref<1x50x64xf32, #tpu.memory_space<hbm>>
      %dma_wait3A_1379 = tpu.memref_squeeze %dma_wait3A_1378 : memref<1x50x64xf32, #tpu.memory_space<hbm>> -> memref<50x64xf32, #tpu.memory_space<hbm>>
      %dma_wait3A_1380 = tpu.memref_slice %arg8[%dma_wait3A_1371] : memref<2x!tpu.dma_semaphore, #tpu.memory_space<semaphore_mem>> -> memref<1x!tpu.dma_semaphore, #tpu.memory_space<semaphore_mem>>
      %dma_wait3A_1381 = tpu.memref_squeeze %dma_wait3A_1380 : memref<1x!tpu.dma_semaphore, #tpu.memory_space<semaphore_mem>> -> memref<!tpu.dma_semaphore, #tpu.memory_space<semaphore_mem>>
      %dma_wait3A_1382 = arith.constant 0 : i32
      %dma_wait3A_1383 = arith.constant 0 : i32
      %dma_wait3A_1384 = tpu.memref_slice %arg4[%add3A_1369, %dma_wait3A_1382, %dma_wait3A_1383] : memref<16384x50x64xf32, #tpu.memory_space<hbm>> -> memref<1x50x64xf32, #tpu.memory_space<hbm>>
      %dma_wait3A_1385 = tpu.memref_squeeze %dma_wait3A_1384 : memref<1x50x64xf32, #tpu.memory_space<hbm>> -> memref<50x64xf32, #tpu.memory_space<hbm>>
      %dma_wait3A_1386 = arith.constant 100 : i32
      %dma_wait3A_1387 = arith.constant 0 : i32
      %dma_wait3A_1388 = tpu.memref_slice %arg6[%dma_wait3A_1370, %dma_wait3A_1386, %dma_wait3A_1387] : memref<2x400x64xf32, #tpu.memory_space<vmem>> -> memref<1x50x64xf32, #tpu.memory_space<vmem>>
      %dma_wait3A_1389 = tpu.memref_squeeze %dma_wait3A_1388 : memref<1x50x64xf32, #tpu.memory_space<vmem>> -> memref<50x64xf32, #tpu.memory_space<vmem>>
      tpu.wait_dma2 semaphore(%dma_wait3A_1381 : memref<!tpu.dma_semaphore, #tpu.memory_space<semaphore_mem>>) src(%dma_wait3A_1389 : memref<50x64xf32, #tpu.memory_space<vmem>>) dst(%dma_wait3A_1385 : memref<50x64xf32, #tpu.memory_space<hbm>>)
      %add3A_1390 = arith.constant 0 : i32
      %add3A_1391 = arith.addi %mul3A_844, %add3A_1390 : i32
      %mul3A_1392 = arith.constant 8 : i32
      %mul3A_1393 = arith.muli %add3A_1391, %mul3A_1392 : i32
      %add3A_1394 = arith.addi %select_n3A, %mul3A_1393 : i32
      %add3A_1395 = arith.constant 3 : i32
      %add3A_1396 = arith.addi %add3A_1394, %add3A_1395 : i32
      %dma_wait3A_1397 = arith.constant 0 : i32
      %dma_wait3A_1398 = arith.constant 0 : i32
      %dma_wait3A_1399 = arith.constant 150 : i32
      %dma_wait3A_1400 = arith.constant 0 : i32
      %dma_wait3A_1401 = tpu.memref_slice %arg6[%dma_wait3A_1397, %dma_wait3A_1399, %dma_wait3A_1400] : memref<2x400x64xf32, #tpu.memory_space<vmem>> -> memref<1x50x64xf32, #tpu.memory_space<vmem>>
      %dma_wait3A_1402 = tpu.memref_squeeze %dma_wait3A_1401 : memref<1x50x64xf32, #tpu.memory_space<vmem>> -> memref<50x64xf32, #tpu.memory_space<vmem>>
      %dma_wait3A_1403 = arith.constant 0 : i32
      %dma_wait3A_1404 = arith.constant 0 : i32
      %dma_wait3A_1405 = tpu.memref_slice %arg4[%add3A_1396, %dma_wait3A_1403, %dma_wait3A_1404] : memref<16384x50x64xf32, #tpu.memory_space<hbm>> -> memref<1x50x64xf32, #tpu.memory_space<hbm>>
      %dma_wait3A_1406 = tpu.memref_squeeze %dma_wait3A_1405 : memref<1x50x64xf32, #tpu.memory_space<hbm>> -> memref<50x64xf32, #tpu.memory_space<hbm>>
      %dma_wait3A_1407 = tpu.memref_slice %arg8[%dma_wait3A_1398] : memref<2x!tpu.dma_semaphore, #tpu.memory_space<semaphore_mem>> -> memref<1x!tpu.dma_semaphore, #tpu.memory_space<semaphore_mem>>
      %dma_wait3A_1408 = tpu.memref_squeeze %dma_wait3A_1407 : memref<1x!tpu.dma_semaphore, #tpu.memory_space<semaphore_mem>> -> memref<!tpu.dma_semaphore, #tpu.memory_space<semaphore_mem>>
      %dma_wait3A_1409 = arith.constant 0 : i32
      %dma_wait3A_1410 = arith.constant 0 : i32
      %dma_wait3A_1411 = tpu.memref_slice %arg4[%add3A_1396, %dma_wait3A_1409, %dma_wait3A_1410] : memref<16384x50x64xf32, #tpu.memory_space<hbm>> -> memref<1x50x64xf32, #tpu.memory_space<hbm>>
      %dma_wait3A_1412 = tpu.memref_squeeze %dma_wait3A_1411 : memref<1x50x64xf32, #tpu.memory_space<hbm>> -> memref<50x64xf32, #tpu.memory_space<hbm>>
      %dma_wait3A_1413 = arith.constant 150 : i32
      %dma_wait3A_1414 = arith.constant 0 : i32
      %dma_wait3A_1415 = tpu.memref_slice %arg6[%dma_wait3A_1397, %dma_wait3A_1413, %dma_wait3A_1414] : memref<2x400x64xf32, #tpu.memory_space<vmem>> -> memref<1x50x64xf32, #tpu.memory_space<vmem>>
      %dma_wait3A_1416 = tpu.memref_squeeze %dma_wait3A_1415 : memref<1x50x64xf32, #tpu.memory_space<vmem>> -> memref<50x64xf32, #tpu.memory_space<vmem>>
      tpu.wait_dma2 semaphore(%dma_wait3A_1408 : memref<!tpu.dma_semaphore, #tpu.memory_space<semaphore_mem>>) src(%dma_wait3A_1416 : memref<50x64xf32, #tpu.memory_space<vmem>>) dst(%dma_wait3A_1412 : memref<50x64xf32, #tpu.memory_space<hbm>>)
      %add3A_1417 = arith.constant 0 : i32
      %add3A_1418 = arith.addi %mul3A_844, %add3A_1417 : i32
      %mul3A_1419 = arith.constant 8 : i32
      %mul3A_1420 = arith.muli %add3A_1418, %mul3A_1419 : i32
      %add3A_1421 = arith.addi %select_n3A, %mul3A_1420 : i32
      %add3A_1422 = arith.constant 4 : i32
      %add3A_1423 = arith.addi %add3A_1421, %add3A_1422 : i32
      %dma_wait3A_1424 = arith.constant 0 : i32
      %dma_wait3A_1425 = arith.constant 0 : i32
      %dma_wait3A_1426 = arith.constant 200 : i32
      %dma_wait3A_1427 = arith.constant 0 : i32
      %dma_wait3A_1428 = tpu.memref_slice %arg6[%dma_wait3A_1424, %dma_wait3A_1426, %dma_wait3A_1427] : memref<2x400x64xf32, #tpu.memory_space<vmem>> -> memref<1x50x64xf32, #tpu.memory_space<vmem>>
      %dma_wait3A_1429 = tpu.memref_squeeze %dma_wait3A_1428 : memref<1x50x64xf32, #tpu.memory_space<vmem>> -> memref<50x64xf32, #tpu.memory_space<vmem>>
      %dma_wait3A_1430 = arith.constant 0 : i32
      %dma_wait3A_1431 = arith.constant 0 : i32
      %dma_wait3A_1432 = tpu.memref_slice %arg4[%add3A_1423, %dma_wait3A_1430, %dma_wait3A_1431] : memref<16384x50x64xf32, #tpu.memory_space<hbm>> -> memref<1x50x64xf32, #tpu.memory_space<hbm>>
      %dma_wait3A_1433 = tpu.memref_squeeze %dma_wait3A_1432 : memref<1x50x64xf32, #tpu.memory_space<hbm>> -> memref<50x64xf32, #tpu.memory_space<hbm>>
      %dma_wait3A_1434 = tpu.memref_slice %arg8[%dma_wait3A_1425] : memref<2x!tpu.dma_semaphore, #tpu.memory_space<semaphore_mem>> -> memref<1x!tpu.dma_semaphore, #tpu.memory_space<semaphore_mem>>
      %dma_wait3A_1435 = tpu.memref_squeeze %dma_wait3A_1434 : memref<1x!tpu.dma_semaphore, #tpu.memory_space<semaphore_mem>> -> memref<!tpu.dma_semaphore, #tpu.memory_space<semaphore_mem>>
      %dma_wait3A_1436 = arith.constant 0 : i32
      %dma_wait3A_1437 = arith.constant 0 : i32
      %dma_wait3A_1438 = tpu.memref_slice %arg4[%add3A_1423, %dma_wait3A_1436, %dma_wait3A_1437] : memref<16384x50x64xf32, #tpu.memory_space<hbm>> -> memref<1x50x64xf32, #tpu.memory_space<hbm>>
      %dma_wait3A_1439 = tpu.memref_squeeze %dma_wait3A_1438 : memref<1x50x64xf32, #tpu.memory_space<hbm>> -> memref<50x64xf32, #tpu.memory_space<hbm>>
      %dma_wait3A_1440 = arith.constant 200 : i32
      %dma_wait3A_1441 = arith.constant 0 : i32
      %dma_wait3A_1442 = tpu.memref_slice %arg6[%dma_wait3A_1424, %dma_wait3A_1440, %dma_wait3A_1441] : memref<2x400x64xf32, #tpu.memory_space<vmem>> -> memref<1x50x64xf32, #tpu.memory_space<vmem>>
      %dma_wait3A_1443 = tpu.memref_squeeze %dma_wait3A_1442 : memref<1x50x64xf32, #tpu.memory_space<vmem>> -> memref<50x64xf32, #tpu.memory_space<vmem>>
      tpu.wait_dma2 semaphore(%dma_wait3A_1435 : memref<!tpu.dma_semaphore, #tpu.memory_space<semaphore_mem>>) src(%dma_wait3A_1443 : memref<50x64xf32, #tpu.memory_space<vmem>>) dst(%dma_wait3A_1439 : memref<50x64xf32, #tpu.memory_space<hbm>>)
      %add3A_1444 = arith.constant 0 : i32
      %add3A_1445 = arith.addi %mul3A_844, %add3A_1444 : i32
      %mul3A_1446 = arith.constant 8 : i32
      %mul3A_1447 = arith.muli %add3A_1445, %mul3A_1446 : i32
      %add3A_1448 = arith.addi %select_n3A, %mul3A_1447 : i32
      %add3A_1449 = arith.constant 5 : i32
      %add3A_1450 = arith.addi %add3A_1448, %add3A_1449 : i32
      %dma_wait3A_1451 = arith.constant 0 : i32
      %dma_wait3A_1452 = arith.constant 0 : i32
      %dma_wait3A_1453 = arith.constant 250 : i32
      %dma_wait3A_1454 = arith.constant 0 : i32
      %dma_wait3A_1455 = tpu.memref_slice %arg6[%dma_wait3A_1451, %dma_wait3A_1453, %dma_wait3A_1454] : memref<2x400x64xf32, #tpu.memory_space<vmem>> -> memref<1x50x64xf32, #tpu.memory_space<vmem>>
      %dma_wait3A_1456 = tpu.memref_squeeze %dma_wait3A_1455 : memref<1x50x64xf32, #tpu.memory_space<vmem>> -> memref<50x64xf32, #tpu.memory_space<vmem>>
      %dma_wait3A_1457 = arith.constant 0 : i32
      %dma_wait3A_1458 = arith.constant 0 : i32
      %dma_wait3A_1459 = tpu.memref_slice %arg4[%add3A_1450, %dma_wait3A_1457, %dma_wait3A_1458] : memref<16384x50x64xf32, #tpu.memory_space<hbm>> -> memref<1x50x64xf32, #tpu.memory_space<hbm>>
      %dma_wait3A_1460 = tpu.memref_squeeze %dma_wait3A_1459 : memref<1x50x64xf32, #tpu.memory_space<hbm>> -> memref<50x64xf32, #tpu.memory_space<hbm>>
      %dma_wait3A_1461 = tpu.memref_slice %arg8[%dma_wait3A_1452] : memref<2x!tpu.dma_semaphore, #tpu.memory_space<semaphore_mem>> -> memref<1x!tpu.dma_semaphore, #tpu.memory_space<semaphore_mem>>
      %dma_wait3A_1462 = tpu.memref_squeeze %dma_wait3A_1461 : memref<1x!tpu.dma_semaphore, #tpu.memory_space<semaphore_mem>> -> memref<!tpu.dma_semaphore, #tpu.memory_space<semaphore_mem>>
      %dma_wait3A_1463 = arith.constant 0 : i32
      %dma_wait3A_1464 = arith.constant 0 : i32
      %dma_wait3A_1465 = tpu.memref_slice %arg4[%add3A_1450, %dma_wait3A_1463, %dma_wait3A_1464] : memref<16384x50x64xf32, #tpu.memory_space<hbm>> -> memref<1x50x64xf32, #tpu.memory_space<hbm>>
      %dma_wait3A_1466 = tpu.memref_squeeze %dma_wait3A_1465 : memref<1x50x64xf32, #tpu.memory_space<hbm>> -> memref<50x64xf32, #tpu.memory_space<hbm>>
      %dma_wait3A_1467 = arith.constant 250 : i32
      %dma_wait3A_1468 = arith.constant 0 : i32
      %dma_wait3A_1469 = tpu.memref_slice %arg6[%dma_wait3A_1451, %dma_wait3A_1467, %dma_wait3A_1468] : memref<2x400x64xf32, #tpu.memory_space<vmem>> -> memref<1x50x64xf32, #tpu.memory_space<vmem>>
      %dma_wait3A_1470 = tpu.memref_squeeze %dma_wait3A_1469 : memref<1x50x64xf32, #tpu.memory_space<vmem>> -> memref<50x64xf32, #tpu.memory_space<vmem>>
      tpu.wait_dma2 semaphore(%dma_wait3A_1462 : memref<!tpu.dma_semaphore, #tpu.memory_space<semaphore_mem>>) src(%dma_wait3A_1470 : memref<50x64xf32, #tpu.memory_space<vmem>>) dst(%dma_wait3A_1466 : memref<50x64xf32, #tpu.memory_space<hbm>>)
      %add3A_1471 = arith.constant 0 : i32
      %add3A_1472 = arith.addi %mul3A_844, %add3A_1471 : i32
      %mul3A_1473 = arith.constant 8 : i32
      %mul3A_1474 = arith.muli %add3A_1472, %mul3A_1473 : i32
      %add3A_1475 = arith.addi %select_n3A, %mul3A_1474 : i32
      %add3A_1476 = arith.constant 6 : i32
      %add3A_1477 = arith.addi %add3A_1475, %add3A_1476 : i32
      %dma_wait3A_1478 = arith.constant 0 : i32
      %dma_wait3A_1479 = arith.constant 0 : i32
      %dma_wait3A_1480 = arith.constant 300 : i32
      %dma_wait3A_1481 = arith.constant 0 : i32
      %dma_wait3A_1482 = tpu.memref_slice %arg6[%dma_wait3A_1478, %dma_wait3A_1480, %dma_wait3A_1481] : memref<2x400x64xf32, #tpu.memory_space<vmem>> -> memref<1x50x64xf32, #tpu.memory_space<vmem>>
      %dma_wait3A_1483 = tpu.memref_squeeze %dma_wait3A_1482 : memref<1x50x64xf32, #tpu.memory_space<vmem>> -> memref<50x64xf32, #tpu.memory_space<vmem>>
      %dma_wait3A_1484 = arith.constant 0 : i32
      %dma_wait3A_1485 = arith.constant 0 : i32
      %dma_wait3A_1486 = tpu.memref_slice %arg4[%add3A_1477, %dma_wait3A_1484, %dma_wait3A_1485] : memref<16384x50x64xf32, #tpu.memory_space<hbm>> -> memref<1x50x64xf32, #tpu.memory_space<hbm>>
      %dma_wait3A_1487 = tpu.memref_squeeze %dma_wait3A_1486 : memref<1x50x64xf32, #tpu.memory_space<hbm>> -> memref<50x64xf32, #tpu.memory_space<hbm>>
      %dma_wait3A_1488 = tpu.memref_slice %arg8[%dma_wait3A_1479] : memref<2x!tpu.dma_semaphore, #tpu.memory_space<semaphore_mem>> -> memref<1x!tpu.dma_semaphore, #tpu.memory_space<semaphore_mem>>
      %dma_wait3A_1489 = tpu.memref_squeeze %dma_wait3A_1488 : memref<1x!tpu.dma_semaphore, #tpu.memory_space<semaphore_mem>> -> memref<!tpu.dma_semaphore, #tpu.memory_space<semaphore_mem>>
      %dma_wait3A_1490 = arith.constant 0 : i32
      %dma_wait3A_1491 = arith.constant 0 : i32
      %dma_wait3A_1492 = tpu.memref_slice %arg4[%add3A_1477, %dma_wait3A_1490, %dma_wait3A_1491] : memref<16384x50x64xf32, #tpu.memory_space<hbm>> -> memref<1x50x64xf32, #tpu.memory_space<hbm>>
      %dma_wait3A_1493 = tpu.memref_squeeze %dma_wait3A_1492 : memref<1x50x64xf32, #tpu.memory_space<hbm>> -> memref<50x64xf32, #tpu.memory_space<hbm>>
      %dma_wait3A_1494 = arith.constant 300 : i32
      %dma_wait3A_1495 = arith.constant 0 : i32
      %dma_wait3A_1496 = tpu.memref_slice %arg6[%dma_wait3A_1478, %dma_wait3A_1494, %dma_wait3A_1495] : memref<2x400x64xf32, #tpu.memory_space<vmem>> -> memref<1x50x64xf32, #tpu.memory_space<vmem>>
      %dma_wait3A_1497 = tpu.memref_squeeze %dma_wait3A_1496 : memref<1x50x64xf32, #tpu.memory_space<vmem>> -> memref<50x64xf32, #tpu.memory_space<vmem>>
      tpu.wait_dma2 semaphore(%dma_wait3A_1489 : memref<!tpu.dma_semaphore, #tpu.memory_space<semaphore_mem>>) src(%dma_wait3A_1497 : memref<50x64xf32, #tpu.memory_space<vmem>>) dst(%dma_wait3A_1493 : memref<50x64xf32, #tpu.memory_space<hbm>>)
      %add3A_1498 = arith.constant 0 : i32
      %add3A_1499 = arith.addi %mul3A_844, %add3A_1498 : i32
      %mul3A_1500 = arith.constant 8 : i32
      %mul3A_1501 = arith.muli %add3A_1499, %mul3A_1500 : i32
      %add3A_1502 = arith.addi %select_n3A, %mul3A_1501 : i32
      %add3A_1503 = arith.constant 7 : i32
      %add3A_1504 = arith.addi %add3A_1502, %add3A_1503 : i32
      %dma_wait3A_1505 = arith.constant 0 : i32
      %dma_wait3A_1506 = arith.constant 0 : i32
      %dma_wait3A_1507 = arith.constant 350 : i32
      %dma_wait3A_1508 = arith.constant 0 : i32
      %dma_wait3A_1509 = tpu.memref_slice %arg6[%dma_wait3A_1505, %dma_wait3A_1507, %dma_wait3A_1508] : memref<2x400x64xf32, #tpu.memory_space<vmem>> -> memref<1x50x64xf32, #tpu.memory_space<vmem>>
      %dma_wait3A_1510 = tpu.memref_squeeze %dma_wait3A_1509 : memref<1x50x64xf32, #tpu.memory_space<vmem>> -> memref<50x64xf32, #tpu.memory_space<vmem>>
      %dma_wait3A_1511 = arith.constant 0 : i32
      %dma_wait3A_1512 = arith.constant 0 : i32
      %dma_wait3A_1513 = tpu.memref_slice %arg4[%add3A_1504, %dma_wait3A_1511, %dma_wait3A_1512] : memref<16384x50x64xf32, #tpu.memory_space<hbm>> -> memref<1x50x64xf32, #tpu.memory_space<hbm>>
      %dma_wait3A_1514 = tpu.memref_squeeze %dma_wait3A_1513 : memref<1x50x64xf32, #tpu.memory_space<hbm>> -> memref<50x64xf32, #tpu.memory_space<hbm>>
      %dma_wait3A_1515 = tpu.memref_slice %arg8[%dma_wait3A_1506] : memref<2x!tpu.dma_semaphore, #tpu.memory_space<semaphore_mem>> -> memref<1x!tpu.dma_semaphore, #tpu.memory_space<semaphore_mem>>
      %dma_wait3A_1516 = tpu.memref_squeeze %dma_wait3A_1515 : memref<1x!tpu.dma_semaphore, #tpu.memory_space<semaphore_mem>> -> memref<!tpu.dma_semaphore, #tpu.memory_space<semaphore_mem>>
      %dma_wait3A_1517 = arith.constant 0 : i32
      %dma_wait3A_1518 = arith.constant 0 : i32
      %dma_wait3A_1519 = tpu.memref_slice %arg4[%add3A_1504, %dma_wait3A_1517, %dma_wait3A_1518] : memref<16384x50x64xf32, #tpu.memory_space<hbm>> -> memref<1x50x64xf32, #tpu.memory_space<hbm>>
      %dma_wait3A_1520 = tpu.memref_squeeze %dma_wait3A_1519 : memref<1x50x64xf32, #tpu.memory_space<hbm>> -> memref<50x64xf32, #tpu.memory_space<hbm>>
      %dma_wait3A_1521 = arith.constant 350 : i32
      %dma_wait3A_1522 = arith.constant 0 : i32
      %dma_wait3A_1523 = tpu.memref_slice %arg6[%dma_wait3A_1505, %dma_wait3A_1521, %dma_wait3A_1522] : memref<2x400x64xf32, #tpu.memory_space<vmem>> -> memref<1x50x64xf32, #tpu.memory_space<vmem>>
      %dma_wait3A_1524 = tpu.memref_squeeze %dma_wait3A_1523 : memref<1x50x64xf32, #tpu.memory_space<vmem>> -> memref<50x64xf32, #tpu.memory_space<vmem>>
      tpu.wait_dma2 semaphore(%dma_wait3A_1516 : memref<!tpu.dma_semaphore, #tpu.memory_space<semaphore_mem>>) src(%dma_wait3A_1524 : memref<50x64xf32, #tpu.memory_space<vmem>>) dst(%dma_wait3A_1520 : memref<50x64xf32, #tpu.memory_space<hbm>>)
      %add3A_1525 = arith.constant 0 : i32
      %add3A_1526 = arith.addi %mul3A_844, %add3A_1525 : i32
      %add3A_1527 = arith.constant 2 : i32
      %add3A_1528 = arith.addi %add3A_1526, %add3A_1527 : i32
      %mul3A_1529 = arith.constant 400 : i32
      %mul3A_1530 = arith.muli %add3A_1528, %mul3A_1529 : i32
      %dma_start3A_1531 = arith.constant 0 : i32
      %dma_start3A_1532 = arith.constant 0 : i32
      %dma_start3A_1533 = arith.constant 0 : i32
      %dma_start3A_1534 = arith.constant 0 : i32
      %dma_start3A_1535 = tpu.memref_slice %arg6[%dma_start3A_1531, %dma_start3A_1533, %dma_start3A_1534] : memref<2x400x64xf32, #tpu.memory_space<vmem>> -> memref<1x400x64xf32, #tpu.memory_space<vmem>>
      %dma_start3A_1536 = tpu.memref_squeeze %dma_start3A_1535 : memref<1x400x64xf32, #tpu.memory_space<vmem>> -> memref<400x64xf32, #tpu.memory_space<vmem>>
      %dma_start3A_1537 = tpu.memref_slice %arg5[%mul3A_1530] : memref<25600xi32, #tpu.memory_space<vmem>> -> memref<400xi32, #tpu.memory_space<vmem>>
      %dma_start3A_1538 = arith.constant 0 : i32
      %dma_start3A_1539 = arith.constant 0 : i32
      %dma_start3A_1540 = tpu.memref_slice %arg3[%dma_start3A_1538, %dma_start3A_1539] : memref<1000000x64xf32, #tpu.memory_space<hbm>> -> memref<1000000x64xf32, #tpu.memory_space<hbm>>
      %dma_start3A_1541 = tpu.memref_slice %arg7[%dma_start3A_1532] : memref<2x!tpu.dma_semaphore, #tpu.memory_space<semaphore_mem>> -> memref<1x!tpu.dma_semaphore, #tpu.memory_space<semaphore_mem>>
      %dma_start3A_1542 = tpu.memref_squeeze %dma_start3A_1541 : memref<1x!tpu.dma_semaphore, #tpu.memory_space<semaphore_mem>> -> memref<!tpu.dma_semaphore, #tpu.memory_space<semaphore_mem>>
      tpu.enqueue_indirect_dma source(%dma_start3A_1540 : memref<1000000x64xf32, #tpu.memory_space<hbm>>) target(%dma_start3A_1536 : memref<400x64xf32, #tpu.memory_space<vmem>>) offsets(%dma_start3A_1537 : memref<400xi32, #tpu.memory_space<vmem>>) semaphore(%dma_start3A_1542 : memref<!tpu.dma_semaphore, #tpu.memory_space<semaphore_mem>>)
      %add3A_1543 = arith.constant 1 : i32
      %add3A_1544 = arith.addi %mul3A_844, %add3A_1543 : i32
      %mul3A_1545 = arith.constant 8 : i32
      %mul3A_1546 = arith.muli %add3A_1544, %mul3A_1545 : i32
      %add3A_1547 = arith.addi %select_n3A, %mul3A_1546 : i32
      %add3A_1548 = arith.constant 0 : i32
      %add3A_1549 = arith.addi %add3A_1547, %add3A_1548 : i32
      %dma_wait3A_1550 = arith.constant 1 : i32
      %dma_wait3A_1551 = arith.constant 1 : i32
      %dma_wait3A_1552 = arith.constant 0 : i32
      %dma_wait3A_1553 = arith.constant 0 : i32
      %dma_wait3A_1554 = tpu.memref_slice %arg6[%dma_wait3A_1550, %dma_wait3A_1552, %dma_wait3A_1553] : memref<2x400x64xf32, #tpu.memory_space<vmem>> -> memref<1x50x64xf32, #tpu.memory_space<vmem>>
      %dma_wait3A_1555 = tpu.memref_squeeze %dma_wait3A_1554 : memref<1x50x64xf32, #tpu.memory_space<vmem>> -> memref<50x64xf32, #tpu.memory_space<vmem>>
      %dma_wait3A_1556 = arith.constant 0 : i32
      %dma_wait3A_1557 = arith.constant 0 : i32
      %dma_wait3A_1558 = tpu.memref_slice %arg4[%add3A_1549, %dma_wait3A_1556, %dma_wait3A_1557] : memref<16384x50x64xf32, #tpu.memory_space<hbm>> -> memref<1x50x64xf32, #tpu.memory_space<hbm>>
      %dma_wait3A_1559 = tpu.memref_squeeze %dma_wait3A_1558 : memref<1x50x64xf32, #tpu.memory_space<hbm>> -> memref<50x64xf32, #tpu.memory_space<hbm>>
      %dma_wait3A_1560 = tpu.memref_slice %arg8[%dma_wait3A_1551] : memref<2x!tpu.dma_semaphore, #tpu.memory_space<semaphore_mem>> -> memref<1x!tpu.dma_semaphore, #tpu.memory_space<semaphore_mem>>
      %dma_wait3A_1561 = tpu.memref_squeeze %dma_wait3A_1560 : memref<1x!tpu.dma_semaphore, #tpu.memory_space<semaphore_mem>> -> memref<!tpu.dma_semaphore, #tpu.memory_space<semaphore_mem>>
      %dma_wait3A_1562 = arith.constant 0 : i32
      %dma_wait3A_1563 = arith.constant 0 : i32
      %dma_wait3A_1564 = tpu.memref_slice %arg4[%add3A_1549, %dma_wait3A_1562, %dma_wait3A_1563] : memref<16384x50x64xf32, #tpu.memory_space<hbm>> -> memref<1x50x64xf32, #tpu.memory_space<hbm>>
      %dma_wait3A_1565 = tpu.memref_squeeze %dma_wait3A_1564 : memref<1x50x64xf32, #tpu.memory_space<hbm>> -> memref<50x64xf32, #tpu.memory_space<hbm>>
      %dma_wait3A_1566 = arith.constant 0 : i32
      %dma_wait3A_1567 = arith.constant 0 : i32
      %dma_wait3A_1568 = tpu.memref_slice %arg6[%dma_wait3A_1550, %dma_wait3A_1566, %dma_wait3A_1567] : memref<2x400x64xf32, #tpu.memory_space<vmem>> -> memref<1x50x64xf32, #tpu.memory_space<vmem>>
      %dma_wait3A_1569 = tpu.memref_squeeze %dma_wait3A_1568 : memref<1x50x64xf32, #tpu.memory_space<vmem>> -> memref<50x64xf32, #tpu.memory_space<vmem>>
      tpu.wait_dma2 semaphore(%dma_wait3A_1561 : memref<!tpu.dma_semaphore, #tpu.memory_space<semaphore_mem>>) src(%dma_wait3A_1569 : memref<50x64xf32, #tpu.memory_space<vmem>>) dst(%dma_wait3A_1565 : memref<50x64xf32, #tpu.memory_space<hbm>>)
      %add3A_1570 = arith.constant 1 : i32
      %add3A_1571 = arith.addi %mul3A_844, %add3A_1570 : i32
      %mul3A_1572 = arith.constant 8 : i32
      %mul3A_1573 = arith.muli %add3A_1571, %mul3A_1572 : i32
      %add3A_1574 = arith.addi %select_n3A, %mul3A_1573 : i32
      %add3A_1575 = arith.constant 1 : i32
      %add3A_1576 = arith.addi %add3A_1574, %add3A_1575 : i32
      %dma_wait3A_1577 = arith.constant 1 : i32
      %dma_wait3A_1578 = arith.constant 1 : i32
      %dma_wait3A_1579 = arith.constant 50 : i32
      %dma_wait3A_1580 = arith.constant 0 : i32
      %dma_wait3A_1581 = tpu.memref_slice %arg6[%dma_wait3A_1577, %dma_wait3A_1579, %dma_wait3A_1580] : memref<2x400x64xf32, #tpu.memory_space<vmem>> -> memref<1x50x64xf32, #tpu.memory_space<vmem>>
      %dma_wait3A_1582 = tpu.memref_squeeze %dma_wait3A_1581 : memref<1x50x64xf32, #tpu.memory_space<vmem>> -> memref<50x64xf32, #tpu.memory_space<vmem>>
      %dma_wait3A_1583 = arith.constant 0 : i32
      %dma_wait3A_1584 = arith.constant 0 : i32
      %dma_wait3A_1585 = tpu.memref_slice %arg4[%add3A_1576, %dma_wait3A_1583, %dma_wait3A_1584] : memref<16384x50x64xf32, #tpu.memory_space<hbm>> -> memref<1x50x64xf32, #tpu.memory_space<hbm>>
      %dma_wait3A_1586 = tpu.memref_squeeze %dma_wait3A_1585 : memref<1x50x64xf32, #tpu.memory_space<hbm>> -> memref<50x64xf32, #tpu.memory_space<hbm>>
      %dma_wait3A_1587 = tpu.memref_slice %arg8[%dma_wait3A_1578] : memref<2x!tpu.dma_semaphore, #tpu.memory_space<semaphore_mem>> -> memref<1x!tpu.dma_semaphore, #tpu.memory_space<semaphore_mem>>
      %dma_wait3A_1588 = tpu.memref_squeeze %dma_wait3A_1587 : memref<1x!tpu.dma_semaphore, #tpu.memory_space<semaphore_mem>> -> memref<!tpu.dma_semaphore, #tpu.memory_space<semaphore_mem>>
      %dma_wait3A_1589 = arith.constant 0 : i32
      %dma_wait3A_1590 = arith.constant 0 : i32
      %dma_wait3A_1591 = tpu.memref_slice %arg4[%add3A_1576, %dma_wait3A_1589, %dma_wait3A_1590] : memref<16384x50x64xf32, #tpu.memory_space<hbm>> -> memref<1x50x64xf32, #tpu.memory_space<hbm>>
      %dma_wait3A_1592 = tpu.memref_squeeze %dma_wait3A_1591 : memref<1x50x64xf32, #tpu.memory_space<hbm>> -> memref<50x64xf32, #tpu.memory_space<hbm>>
      %dma_wait3A_1593 = arith.constant 50 : i32
      %dma_wait3A_1594 = arith.constant 0 : i32
      %dma_wait3A_1595 = tpu.memref_slice %arg6[%dma_wait3A_1577, %dma_wait3A_1593, %dma_wait3A_1594] : memref<2x400x64xf32, #tpu.memory_space<vmem>> -> memref<1x50x64xf32, #tpu.memory_space<vmem>>
      %dma_wait3A_1596 = tpu.memref_squeeze %dma_wait3A_1595 : memref<1x50x64xf32, #tpu.memory_space<vmem>> -> memref<50x64xf32, #tpu.memory_space<vmem>>
      tpu.wait_dma2 semaphore(%dma_wait3A_1588 : memref<!tpu.dma_semaphore, #tpu.memory_space<semaphore_mem>>) src(%dma_wait3A_1596 : memref<50x64xf32, #tpu.memory_space<vmem>>) dst(%dma_wait3A_1592 : memref<50x64xf32, #tpu.memory_space<hbm>>)
      %add3A_1597 = arith.constant 1 : i32
      %add3A_1598 = arith.addi %mul3A_844, %add3A_1597 : i32
      %mul3A_1599 = arith.constant 8 : i32
      %mul3A_1600 = arith.muli %add3A_1598, %mul3A_1599 : i32
      %add3A_1601 = arith.addi %select_n3A, %mul3A_1600 : i32
      %add3A_1602 = arith.constant 2 : i32
      %add3A_1603 = arith.addi %add3A_1601, %add3A_1602 : i32
      %dma_wait3A_1604 = arith.constant 1 : i32
      %dma_wait3A_1605 = arith.constant 1 : i32
      %dma_wait3A_1606 = arith.constant 100 : i32
      %dma_wait3A_1607 = arith.constant 0 : i32
      %dma_wait3A_1608 = tpu.memref_slice %arg6[%dma_wait3A_1604, %dma_wait3A_1606, %dma_wait3A_1607] : memref<2x400x64xf32, #tpu.memory_space<vmem>> -> memref<1x50x64xf32, #tpu.memory_space<vmem>>
      %dma_wait3A_1609 = tpu.memref_squeeze %dma_wait3A_1608 : memref<1x50x64xf32, #tpu.memory_space<vmem>> -> memref<50x64xf32, #tpu.memory_space<vmem>>
      %dma_wait3A_1610 = arith.constant 0 : i32
      %dma_wait3A_1611 = arith.constant 0 : i32
      %dma_wait3A_1612 = tpu.memref_slice %arg4[%add3A_1603, %dma_wait3A_1610, %dma_wait3A_1611] : memref<16384x50x64xf32, #tpu.memory_space<hbm>> -> memref<1x50x64xf32, #tpu.memory_space<hbm>>
      %dma_wait3A_1613 = tpu.memref_squeeze %dma_wait3A_1612 : memref<1x50x64xf32, #tpu.memory_space<hbm>> -> memref<50x64xf32, #tpu.memory_space<hbm>>
      %dma_wait3A_1614 = tpu.memref_slice %arg8[%dma_wait3A_1605] : memref<2x!tpu.dma_semaphore, #tpu.memory_space<semaphore_mem>> -> memref<1x!tpu.dma_semaphore, #tpu.memory_space<semaphore_mem>>
      %dma_wait3A_1615 = tpu.memref_squeeze %dma_wait3A_1614 : memref<1x!tpu.dma_semaphore, #tpu.memory_space<semaphore_mem>> -> memref<!tpu.dma_semaphore, #tpu.memory_space<semaphore_mem>>
      %dma_wait3A_1616 = arith.constant 0 : i32
      %dma_wait3A_1617 = arith.constant 0 : i32
      %dma_wait3A_1618 = tpu.memref_slice %arg4[%add3A_1603, %dma_wait3A_1616, %dma_wait3A_1617] : memref<16384x50x64xf32, #tpu.memory_space<hbm>> -> memref<1x50x64xf32, #tpu.memory_space<hbm>>
      %dma_wait3A_1619 = tpu.memref_squeeze %dma_wait3A_1618 : memref<1x50x64xf32, #tpu.memory_space<hbm>> -> memref<50x64xf32, #tpu.memory_space<hbm>>
      %dma_wait3A_1620 = arith.constant 100 : i32
      %dma_wait3A_1621 = arith.constant 0 : i32
      %dma_wait3A_1622 = tpu.memref_slice %arg6[%dma_wait3A_1604, %dma_wait3A_1620, %dma_wait3A_1621] : memref<2x400x64xf32, #tpu.memory_space<vmem>> -> memref<1x50x64xf32, #tpu.memory_space<vmem>>
      %dma_wait3A_1623 = tpu.memref_squeeze %dma_wait3A_1622 : memref<1x50x64xf32, #tpu.memory_space<vmem>> -> memref<50x64xf32, #tpu.memory_space<vmem>>
      tpu.wait_dma2 semaphore(%dma_wait3A_1615 : memref<!tpu.dma_semaphore, #tpu.memory_space<semaphore_mem>>) src(%dma_wait3A_1623 : memref<50x64xf32, #tpu.memory_space<vmem>>) dst(%dma_wait3A_1619 : memref<50x64xf32, #tpu.memory_space<hbm>>)
      %add3A_1624 = arith.constant 1 : i32
      %add3A_1625 = arith.addi %mul3A_844, %add3A_1624 : i32
      %mul3A_1626 = arith.constant 8 : i32
      %mul3A_1627 = arith.muli %add3A_1625, %mul3A_1626 : i32
      %add3A_1628 = arith.addi %select_n3A, %mul3A_1627 : i32
      %add3A_1629 = arith.constant 3 : i32
      %add3A_1630 = arith.addi %add3A_1628, %add3A_1629 : i32
      %dma_wait3A_1631 = arith.constant 1 : i32
      %dma_wait3A_1632 = arith.constant 1 : i32
      %dma_wait3A_1633 = arith.constant 150 : i32
      %dma_wait3A_1634 = arith.constant 0 : i32
      %dma_wait3A_1635 = tpu.memref_slice %arg6[%dma_wait3A_1631, %dma_wait3A_1633, %dma_wait3A_1634] : memref<2x400x64xf32, #tpu.memory_space<vmem>> -> memref<1x50x64xf32, #tpu.memory_space<vmem>>
      %dma_wait3A_1636 = tpu.memref_squeeze %dma_wait3A_1635 : memref<1x50x64xf32, #tpu.memory_space<vmem>> -> memref<50x64xf32, #tpu.memory_space<vmem>>
      %dma_wait3A_1637 = arith.constant 0 : i32
      %dma_wait3A_1638 = arith.constant 0 : i32
      %dma_wait3A_1639 = tpu.memref_slice %arg4[%add3A_1630, %dma_wait3A_1637, %dma_wait3A_1638] : memref<16384x50x64xf32, #tpu.memory_space<hbm>> -> memref<1x50x64xf32, #tpu.memory_space<hbm>>
      %dma_wait3A_1640 = tpu.memref_squeeze %dma_wait3A_1639 : memref<1x50x64xf32, #tpu.memory_space<hbm>> -> memref<50x64xf32, #tpu.memory_space<hbm>>
      %dma_wait3A_1641 = tpu.memref_slice %arg8[%dma_wait3A_1632] : memref<2x!tpu.dma_semaphore, #tpu.memory_space<semaphore_mem>> -> memref<1x!tpu.dma_semaphore, #tpu.memory_space<semaphore_mem>>
      %dma_wait3A_1642 = tpu.memref_squeeze %dma_wait3A_1641 : memref<1x!tpu.dma_semaphore, #tpu.memory_space<semaphore_mem>> -> memref<!tpu.dma_semaphore, #tpu.memory_space<semaphore_mem>>
      %dma_wait3A_1643 = arith.constant 0 : i32
      %dma_wait3A_1644 = arith.constant 0 : i32
      %dma_wait3A_1645 = tpu.memref_slice %arg4[%add3A_1630, %dma_wait3A_1643, %dma_wait3A_1644] : memref<16384x50x64xf32, #tpu.memory_space<hbm>> -> memref<1x50x64xf32, #tpu.memory_space<hbm>>
      %dma_wait3A_1646 = tpu.memref_squeeze %dma_wait3A_1645 : memref<1x50x64xf32, #tpu.memory_space<hbm>> -> memref<50x64xf32, #tpu.memory_space<hbm>>
      %dma_wait3A_1647 = arith.constant 150 : i32
      %dma_wait3A_1648 = arith.constant 0 : i32
      %dma_wait3A_1649 = tpu.memref_slice %arg6[%dma_wait3A_1631, %dma_wait3A_1647, %dma_wait3A_1648] : memref<2x400x64xf32, #tpu.memory_space<vmem>> -> memref<1x50x64xf32, #tpu.memory_space<vmem>>
      %dma_wait3A_1650 = tpu.memref_squeeze %dma_wait3A_1649 : memref<1x50x64xf32, #tpu.memory_space<vmem>> -> memref<50x64xf32, #tpu.memory_space<vmem>>
      tpu.wait_dma2 semaphore(%dma_wait3A_1642 : memref<!tpu.dma_semaphore, #tpu.memory_space<semaphore_mem>>) src(%dma_wait3A_1650 : memref<50x64xf32, #tpu.memory_space<vmem>>) dst(%dma_wait3A_1646 : memref<50x64xf32, #tpu.memory_space<hbm>>)
      %add3A_1651 = arith.constant 1 : i32
      %add3A_1652 = arith.addi %mul3A_844, %add3A_1651 : i32
      %mul3A_1653 = arith.constant 8 : i32
      %mul3A_1654 = arith.muli %add3A_1652, %mul3A_1653 : i32
      %add3A_1655 = arith.addi %select_n3A, %mul3A_1654 : i32
      %add3A_1656 = arith.constant 4 : i32
      %add3A_1657 = arith.addi %add3A_1655, %add3A_1656 : i32
      %dma_wait3A_1658 = arith.constant 1 : i32
      %dma_wait3A_1659 = arith.constant 1 : i32
      %dma_wait3A_1660 = arith.constant 200 : i32
      %dma_wait3A_1661 = arith.constant 0 : i32
      %dma_wait3A_1662 = tpu.memref_slice %arg6[%dma_wait3A_1658, %dma_wait3A_1660, %dma_wait3A_1661] : memref<2x400x64xf32, #tpu.memory_space<vmem>> -> memref<1x50x64xf32, #tpu.memory_space<vmem>>
      %dma_wait3A_1663 = tpu.memref_squeeze %dma_wait3A_1662 : memref<1x50x64xf32, #tpu.memory_space<vmem>> -> memref<50x64xf32, #tpu.memory_space<vmem>>
      %dma_wait3A_1664 = arith.constant 0 : i32
      %dma_wait3A_1665 = arith.constant 0 : i32
      %dma_wait3A_1666 = tpu.memref_slice %arg4[%add3A_1657, %dma_wait3A_1664, %dma_wait3A_1665] : memref<16384x50x64xf32, #tpu.memory_space<hbm>> -> memref<1x50x64xf32, #tpu.memory_space<hbm>>
      %dma_wait3A_1667 = tpu.memref_squeeze %dma_wait3A_1666 : memref<1x50x64xf32, #tpu.memory_space<hbm>> -> memref<50x64xf32, #tpu.memory_space<hbm>>
      %dma_wait3A_1668 = tpu.memref_slice %arg8[%dma_wait3A_1659] : memref<2x!tpu.dma_semaphore, #tpu.memory_space<semaphore_mem>> -> memref<1x!tpu.dma_semaphore, #tpu.memory_space<semaphore_mem>>
      %dma_wait3A_1669 = tpu.memref_squeeze %dma_wait3A_1668 : memref<1x!tpu.dma_semaphore, #tpu.memory_space<semaphore_mem>> -> memref<!tpu.dma_semaphore, #tpu.memory_space<semaphore_mem>>
      %dma_wait3A_1670 = arith.constant 0 : i32
      %dma_wait3A_1671 = arith.constant 0 : i32
      %dma_wait3A_1672 = tpu.memref_slice %arg4[%add3A_1657, %dma_wait3A_1670, %dma_wait3A_1671] : memref<16384x50x64xf32, #tpu.memory_space<hbm>> -> memref<1x50x64xf32, #tpu.memory_space<hbm>>
      %dma_wait3A_1673 = tpu.memref_squeeze %dma_wait3A_1672 : memref<1x50x64xf32, #tpu.memory_space<hbm>> -> memref<50x64xf32, #tpu.memory_space<hbm>>
      %dma_wait3A_1674 = arith.constant 200 : i32
      %dma_wait3A_1675 = arith.constant 0 : i32
      %dma_wait3A_1676 = tpu.memref_slice %arg6[%dma_wait3A_1658, %dma_wait3A_1674, %dma_wait3A_1675] : memref<2x400x64xf32, #tpu.memory_space<vmem>> -> memref<1x50x64xf32, #tpu.memory_space<vmem>>
      %dma_wait3A_1677 = tpu.memref_squeeze %dma_wait3A_1676 : memref<1x50x64xf32, #tpu.memory_space<vmem>> -> memref<50x64xf32, #tpu.memory_space<vmem>>
      tpu.wait_dma2 semaphore(%dma_wait3A_1669 : memref<!tpu.dma_semaphore, #tpu.memory_space<semaphore_mem>>) src(%dma_wait3A_1677 : memref<50x64xf32, #tpu.memory_space<vmem>>) dst(%dma_wait3A_1673 : memref<50x64xf32, #tpu.memory_space<hbm>>)
      %add3A_1678 = arith.constant 1 : i32
      %add3A_1679 = arith.addi %mul3A_844, %add3A_1678 : i32
      %mul3A_1680 = arith.constant 8 : i32
      %mul3A_1681 = arith.muli %add3A_1679, %mul3A_1680 : i32
      %add3A_1682 = arith.addi %select_n3A, %mul3A_1681 : i32
      %add3A_1683 = arith.constant 5 : i32
      %add3A_1684 = arith.addi %add3A_1682, %add3A_1683 : i32
      %dma_wait3A_1685 = arith.constant 1 : i32
      %dma_wait3A_1686 = arith.constant 1 : i32
      %dma_wait3A_1687 = arith.constant 250 : i32
      %dma_wait3A_1688 = arith.constant 0 : i32
      %dma_wait3A_1689 = tpu.memref_slice %arg6[%dma_wait3A_1685, %dma_wait3A_1687, %dma_wait3A_1688] : memref<2x400x64xf32, #tpu.memory_space<vmem>> -> memref<1x50x64xf32, #tpu.memory_space<vmem>>
      %dma_wait3A_1690 = tpu.memref_squeeze %dma_wait3A_1689 : memref<1x50x64xf32, #tpu.memory_space<vmem>> -> memref<50x64xf32, #tpu.memory_space<vmem>>
      %dma_wait3A_1691 = arith.constant 0 : i32
      %dma_wait3A_1692 = arith.constant 0 : i32
      %dma_wait3A_1693 = tpu.memref_slice %arg4[%add3A_1684, %dma_wait3A_1691, %dma_wait3A_1692] : memref<16384x50x64xf32, #tpu.memory_space<hbm>> -> memref<1x50x64xf32, #tpu.memory_space<hbm>>
      %dma_wait3A_1694 = tpu.memref_squeeze %dma_wait3A_1693 : memref<1x50x64xf32, #tpu.memory_space<hbm>> -> memref<50x64xf32, #tpu.memory_space<hbm>>
      %dma_wait3A_1695 = tpu.memref_slice %arg8[%dma_wait3A_1686] : memref<2x!tpu.dma_semaphore, #tpu.memory_space<semaphore_mem>> -> memref<1x!tpu.dma_semaphore, #tpu.memory_space<semaphore_mem>>
      %dma_wait3A_1696 = tpu.memref_squeeze %dma_wait3A_1695 : memref<1x!tpu.dma_semaphore, #tpu.memory_space<semaphore_mem>> -> memref<!tpu.dma_semaphore, #tpu.memory_space<semaphore_mem>>
      %dma_wait3A_1697 = arith.constant 0 : i32
      %dma_wait3A_1698 = arith.constant 0 : i32
      %dma_wait3A_1699 = tpu.memref_slice %arg4[%add3A_1684, %dma_wait3A_1697, %dma_wait3A_1698] : memref<16384x50x64xf32, #tpu.memory_space<hbm>> -> memref<1x50x64xf32, #tpu.memory_space<hbm>>
      %dma_wait3A_1700 = tpu.memref_squeeze %dma_wait3A_1699 : memref<1x50x64xf32, #tpu.memory_space<hbm>> -> memref<50x64xf32, #tpu.memory_space<hbm>>
      %dma_wait3A_1701 = arith.constant 250 : i32
      %dma_wait3A_1702 = arith.constant 0 : i32
      %dma_wait3A_1703 = tpu.memref_slice %arg6[%dma_wait3A_1685, %dma_wait3A_1701, %dma_wait3A_1702] : memref<2x400x64xf32, #tpu.memory_space<vmem>> -> memref<1x50x64xf32, #tpu.memory_space<vmem>>
      %dma_wait3A_1704 = tpu.memref_squeeze %dma_wait3A_1703 : memref<1x50x64xf32, #tpu.memory_space<vmem>> -> memref<50x64xf32, #tpu.memory_space<vmem>>
      tpu.wait_dma2 semaphore(%dma_wait3A_1696 : memref<!tpu.dma_semaphore, #tpu.memory_space<semaphore_mem>>) src(%dma_wait3A_1704 : memref<50x64xf32, #tpu.memory_space<vmem>>) dst(%dma_wait3A_1700 : memref<50x64xf32, #tpu.memory_space<hbm>>)
      %add3A_1705 = arith.constant 1 : i32
      %add3A_1706 = arith.addi %mul3A_844, %add3A_1705 : i32
      %mul3A_1707 = arith.constant 8 : i32
      %mul3A_1708 = arith.muli %add3A_1706, %mul3A_1707 : i32
      %add3A_1709 = arith.addi %select_n3A, %mul3A_1708 : i32
      %add3A_1710 = arith.constant 6 : i32
      %add3A_1711 = arith.addi %add3A_1709, %add3A_1710 : i32
      %dma_wait3A_1712 = arith.constant 1 : i32
      %dma_wait3A_1713 = arith.constant 1 : i32
      %dma_wait3A_1714 = arith.constant 300 : i32
      %dma_wait3A_1715 = arith.constant 0 : i32
      %dma_wait3A_1716 = tpu.memref_slice %arg6[%dma_wait3A_1712, %dma_wait3A_1714, %dma_wait3A_1715] : memref<2x400x64xf32, #tpu.memory_space<vmem>> -> memref<1x50x64xf32, #tpu.memory_space<vmem>>
      %dma_wait3A_1717 = tpu.memref_squeeze %dma_wait3A_1716 : memref<1x50x64xf32, #tpu.memory_space<vmem>> -> memref<50x64xf32, #tpu.memory_space<vmem>>
      %dma_wait3A_1718 = arith.constant 0 : i32
      %dma_wait3A_1719 = arith.constant 0 : i32
      %dma_wait3A_1720 = tpu.memref_slice %arg4[%add3A_1711, %dma_wait3A_1718, %dma_wait3A_1719] : memref<16384x50x64xf32, #tpu.memory_space<hbm>> -> memref<1x50x64xf32, #tpu.memory_space<hbm>>
      %dma_wait3A_1721 = tpu.memref_squeeze %dma_wait3A_1720 : memref<1x50x64xf32, #tpu.memory_space<hbm>> -> memref<50x64xf32, #tpu.memory_space<hbm>>
      %dma_wait3A_1722 = tpu.memref_slice %arg8[%dma_wait3A_1713] : memref<2x!tpu.dma_semaphore, #tpu.memory_space<semaphore_mem>> -> memref<1x!tpu.dma_semaphore, #tpu.memory_space<semaphore_mem>>
      %dma_wait3A_1723 = tpu.memref_squeeze %dma_wait3A_1722 : memref<1x!tpu.dma_semaphore, #tpu.memory_space<semaphore_mem>> -> memref<!tpu.dma_semaphore, #tpu.memory_space<semaphore_mem>>
      %dma_wait3A_1724 = arith.constant 0 : i32
      %dma_wait3A_1725 = arith.constant 0 : i32
      %dma_wait3A_1726 = tpu.memref_slice %arg4[%add3A_1711, %dma_wait3A_1724, %dma_wait3A_1725] : memref<16384x50x64xf32, #tpu.memory_space<hbm>> -> memref<1x50x64xf32, #tpu.memory_space<hbm>>
      %dma_wait3A_1727 = tpu.memref_squeeze %dma_wait3A_1726 : memref<1x50x64xf32, #tpu.memory_space<hbm>> -> memref<50x64xf32, #tpu.memory_space<hbm>>
      %dma_wait3A_1728 = arith.constant 300 : i32
      %dma_wait3A_1729 = arith.constant 0 : i32
      %dma_wait3A_1730 = tpu.memref_slice %arg6[%dma_wait3A_1712, %dma_wait3A_1728, %dma_wait3A_1729] : memref<2x400x64xf32, #tpu.memory_space<vmem>> -> memref<1x50x64xf32, #tpu.memory_space<vmem>>
      %dma_wait3A_1731 = tpu.memref_squeeze %dma_wait3A_1730 : memref<1x50x64xf32, #tpu.memory_space<vmem>> -> memref<50x64xf32, #tpu.memory_space<vmem>>
      tpu.wait_dma2 semaphore(%dma_wait3A_1723 : memref<!tpu.dma_semaphore, #tpu.memory_space<semaphore_mem>>) src(%dma_wait3A_1731 : memref<50x64xf32, #tpu.memory_space<vmem>>) dst(%dma_wait3A_1727 : memref<50x64xf32, #tpu.memory_space<hbm>>)
      %add3A_1732 = arith.constant 1 : i32
      %add3A_1733 = arith.addi %mul3A_844, %add3A_1732 : i32
      %mul3A_1734 = arith.constant 8 : i32
      %mul3A_1735 = arith.muli %add3A_1733, %mul3A_1734 : i32
      %add3A_1736 = arith.addi %select_n3A, %mul3A_1735 : i32
      %add3A_1737 = arith.constant 7 : i32
      %add3A_1738 = arith.addi %add3A_1736, %add3A_1737 : i32
      %dma_wait3A_1739 = arith.constant 1 : i32
      %dma_wait3A_1740 = arith.constant 1 : i32
      %dma_wait3A_1741 = arith.constant 350 : i32
      %dma_wait3A_1742 = arith.constant 0 : i32
      %dma_wait3A_1743 = tpu.memref_slice %arg6[%dma_wait3A_1739, %dma_wait3A_1741, %dma_wait3A_1742] : memref<2x400x64xf32, #tpu.memory_space<vmem>> -> memref<1x50x64xf32, #tpu.memory_space<vmem>>
      %dma_wait3A_1744 = tpu.memref_squeeze %dma_wait3A_1743 : memref<1x50x64xf32, #tpu.memory_space<vmem>> -> memref<50x64xf32, #tpu.memory_space<vmem>>
      %dma_wait3A_1745 = arith.constant 0 : i32
      %dma_wait3A_1746 = arith.constant 0 : i32
      %dma_wait3A_1747 = tpu.memref_slice %arg4[%add3A_1738, %dma_wait3A_1745, %dma_wait3A_1746] : memref<16384x50x64xf32, #tpu.memory_space<hbm>> -> memref<1x50x64xf32, #tpu.memory_space<hbm>>
      %dma_wait3A_1748 = tpu.memref_squeeze %dma_wait3A_1747 : memref<1x50x64xf32, #tpu.memory_space<hbm>> -> memref<50x64xf32, #tpu.memory_space<hbm>>
      %dma_wait3A_1749 = tpu.memref_slice %arg8[%dma_wait3A_1740] : memref<2x!tpu.dma_semaphore, #tpu.memory_space<semaphore_mem>> -> memref<1x!tpu.dma_semaphore, #tpu.memory_space<semaphore_mem>>
      %dma_wait3A_1750 = tpu.memref_squeeze %dma_wait3A_1749 : memref<1x!tpu.dma_semaphore, #tpu.memory_space<semaphore_mem>> -> memref<!tpu.dma_semaphore, #tpu.memory_space<semaphore_mem>>
      %dma_wait3A_1751 = arith.constant 0 : i32
      %dma_wait3A_1752 = arith.constant 0 : i32
      %dma_wait3A_1753 = tpu.memref_slice %arg4[%add3A_1738, %dma_wait3A_1751, %dma_wait3A_1752] : memref<16384x50x64xf32, #tpu.memory_space<hbm>> -> memref<1x50x64xf32, #tpu.memory_space<hbm>>
      %dma_wait3A_1754 = tpu.memref_squeeze %dma_wait3A_1753 : memref<1x50x64xf32, #tpu.memory_space<hbm>> -> memref<50x64xf32, #tpu.memory_space<hbm>>
      %dma_wait3A_1755 = arith.constant 350 : i32
      %dma_wait3A_1756 = arith.constant 0 : i32
      %dma_wait3A_1757 = tpu.memref_slice %arg6[%dma_wait3A_1739, %dma_wait3A_1755, %dma_wait3A_1756] : memref<2x400x64xf32, #tpu.memory_space<vmem>> -> memref<1x50x64xf32, #tpu.memory_space<vmem>>
      %dma_wait3A_1758 = tpu.memref_squeeze %dma_wait3A_1757 : memref<1x50x64xf32, #tpu.memory_space<vmem>> -> memref<50x64xf32, #tpu.memory_space<vmem>>
      tpu.wait_dma2 semaphore(%dma_wait3A_1750 : memref<!tpu.dma_semaphore, #tpu.memory_space<semaphore_mem>>) src(%dma_wait3A_1758 : memref<50x64xf32, #tpu.memory_space<vmem>>) dst(%dma_wait3A_1754 : memref<50x64xf32, #tpu.memory_space<hbm>>)
      %add3A_1759 = arith.constant 1 : i32
      %add3A_1760 = arith.addi %mul3A_844, %add3A_1759 : i32
      %add3A_1761 = arith.constant 2 : i32
      %add3A_1762 = arith.addi %add3A_1760, %add3A_1761 : i32
      %mul3A_1763 = arith.constant 400 : i32
      %mul3A_1764 = arith.muli %add3A_1762, %mul3A_1763 : i32
      %dma_start3A_1765 = arith.constant 1 : i32
      %dma_start3A_1766 = arith.constant 1 : i32
      %dma_start3A_1767 = arith.constant 0 : i32
      %dma_start3A_1768 = arith.constant 0 : i32
      %dma_start3A_1769 = tpu.memref_slice %arg6[%dma_start3A_1765, %dma_start3A_1767, %dma_start3A_1768] : memref<2x400x64xf32, #tpu.memory_space<vmem>> -> memref<1x400x64xf32, #tpu.memory_space<vmem>>
      %dma_start3A_1770 = tpu.memref_squeeze %dma_start3A_1769 : memref<1x400x64xf32, #tpu.memory_space<vmem>> -> memref<400x64xf32, #tpu.memory_space<vmem>>
      %dma_start3A_1771 = tpu.memref_slice %arg5[%mul3A_1764] : memref<25600xi32, #tpu.memory_space<vmem>> -> memref<400xi32, #tpu.memory_space<vmem>>
      %dma_start3A_1772 = arith.constant 0 : i32
      %dma_start3A_1773 = arith.constant 0 : i32
      %dma_start3A_1774 = tpu.memref_slice %arg3[%dma_start3A_1772, %dma_start3A_1773] : memref<1000000x64xf32, #tpu.memory_space<hbm>> -> memref<1000000x64xf32, #tpu.memory_space<hbm>>
      %dma_start3A_1775 = tpu.memref_slice %arg7[%dma_start3A_1766] : memref<2x!tpu.dma_semaphore, #tpu.memory_space<semaphore_mem>> -> memref<1x!tpu.dma_semaphore, #tpu.memory_space<semaphore_mem>>
      %dma_start3A_1776 = tpu.memref_squeeze %dma_start3A_1775 : memref<1x!tpu.dma_semaphore, #tpu.memory_space<semaphore_mem>> -> memref<!tpu.dma_semaphore, #tpu.memory_space<semaphore_mem>>
      tpu.enqueue_indirect_dma source(%dma_start3A_1774 : memref<1000000x64xf32, #tpu.memory_space<hbm>>) target(%dma_start3A_1770 : memref<400x64xf32, #tpu.memory_space<vmem>>) offsets(%dma_start3A_1771 : memref<400xi32, #tpu.memory_space<vmem>>) semaphore(%dma_start3A_1776 : memref<!tpu.dma_semaphore, #tpu.memory_space<semaphore_mem>>)
    }
    %scan3A_48 = arith.constant 31 : i32
    %dma_wait3A = arith.constant 0 : i32
    %dma_wait3A_49 = arith.constant 0 : i32
    %dma_wait3A_50 = arith.constant 0 : i32
    %dma_wait3A_51 = arith.constant 0 : i32
    %dma_wait3A_52 = tpu.memref_slice %arg6[%dma_wait3A, %dma_wait3A_50, %dma_wait3A_51] : memref<2x400x64xf32, #tpu.memory_space<vmem>> -> memref<1x400x64xf32, #tpu.memory_space<vmem>>
    %dma_wait3A_53 = tpu.memref_squeeze %dma_wait3A_52 : memref<1x400x64xf32, #tpu.memory_space<vmem>> -> memref<400x64xf32, #tpu.memory_space<vmem>>
    %dma_wait3A_54 = arith.constant 24800 : i32
    %dma_wait3A_55 = tpu.memref_slice %arg5[%dma_wait3A_54] : memref<25600xi32, #tpu.memory_space<vmem>> -> memref<400xi32, #tpu.memory_space<vmem>>
    %dma_wait3A_56 = arith.constant 0 : i32
    %dma_wait3A_57 = arith.constant 0 : i32
    %dma_wait3A_58 = tpu.memref_slice %arg3[%dma_wait3A_56, %dma_wait3A_57] : memref<1000000x64xf32, #tpu.memory_space<hbm>> -> memref<1000000x64xf32, #tpu.memory_space<hbm>>
    %dma_wait3A_59 = tpu.memref_slice %arg7[%dma_wait3A_49] : memref<2x!tpu.dma_semaphore, #tpu.memory_space<semaphore_mem>> -> memref<1x!tpu.dma_semaphore, #tpu.memory_space<semaphore_mem>>
    %dma_wait3A_60 = tpu.memref_squeeze %dma_wait3A_59 : memref<1x!tpu.dma_semaphore, #tpu.memory_space<semaphore_mem>> -> memref<!tpu.dma_semaphore, #tpu.memory_space<semaphore_mem>>
    tpu.wait_indirect_dma semaphore(%dma_wait3A_60 : memref<!tpu.dma_semaphore, #tpu.memory_space<semaphore_mem>>) src(%dma_wait3A_58 : memref<1000000x64xf32, #tpu.memory_space<hbm>>) dst(%dma_wait3A_53 : memref<400x64xf32, #tpu.memory_space<vmem>>)
    %add3A_61 = arith.constant 496 : i32
    %add3A_62 = arith.addi %select_n3A, %add3A_61 : i32
    %add3A_63 = arith.constant 0 : i32
    %add3A_64 = arith.addi %add3A_62, %add3A_63 : i32
    %dma_start3A_65 = arith.constant 0 : i32
    %dma_start3A_66 = arith.constant 0 : i32
    %dma_start3A_67 = arith.constant 0 : i32
    %dma_start3A_68 = arith.constant 0 : i32
    %dma_start3A_69 = tpu.memref_slice %arg6[%dma_start3A_65, %dma_start3A_67, %dma_start3A_68] : memref<2x400x64xf32, #tpu.memory_space<vmem>> -> memref<1x50x64xf32, #tpu.memory_space<vmem>>
    %dma_start3A_70 = tpu.memref_squeeze %dma_start3A_69 : memref<1x50x64xf32, #tpu.memory_space<vmem>> -> memref<50x64xf32, #tpu.memory_space<vmem>>
    %dma_start3A_71 = arith.constant 0 : i32
    %dma_start3A_72 = arith.constant 0 : i32
    %dma_start3A_73 = tpu.memref_slice %arg4[%add3A_64, %dma_start3A_71, %dma_start3A_72] : memref<16384x50x64xf32, #tpu.memory_space<hbm>> -> memref<1x50x64xf32, #tpu.memory_space<hbm>>
    %dma_start3A_74 = tpu.memref_squeeze %dma_start3A_73 : memref<1x50x64xf32, #tpu.memory_space<hbm>> -> memref<50x64xf32, #tpu.memory_space<hbm>>
    %dma_start3A_75 = tpu.memref_slice %arg8[%dma_start3A_66] : memref<2x!tpu.dma_semaphore, #tpu.memory_space<semaphore_mem>> -> memref<1x!tpu.dma_semaphore, #tpu.memory_space<semaphore_mem>>
    %dma_start3A_76 = tpu.memref_squeeze %dma_start3A_75 : memref<1x!tpu.dma_semaphore, #tpu.memory_space<semaphore_mem>> -> memref<!tpu.dma_semaphore, #tpu.memory_space<semaphore_mem>>
    %dma_start3A_77 = arith.constant 0 : i32
    %dma_start3A_78 = arith.constant 0 : i32
    %dma_start3A_79 = tpu.memref_slice %arg4[%add3A_64, %dma_start3A_77, %dma_start3A_78] : memref<16384x50x64xf32, #tpu.memory_space<hbm>> -> memref<1x50x64xf32, #tpu.memory_space<hbm>>
    %dma_start3A_80 = tpu.memref_squeeze %dma_start3A_79 : memref<1x50x64xf32, #tpu.memory_space<hbm>> -> memref<50x64xf32, #tpu.memory_space<hbm>>
    %dma_start3A_81 = arith.constant 0 : i32
    %dma_start3A_82 = arith.constant 0 : i32
    %dma_start3A_83 = tpu.memref_slice %arg6[%dma_start3A_65, %dma_start3A_81, %dma_start3A_82] : memref<2x400x64xf32, #tpu.memory_space<vmem>> -> memref<1x50x64xf32, #tpu.memory_space<vmem>>
    %dma_start3A_84 = tpu.memref_squeeze %dma_start3A_83 : memref<1x50x64xf32, #tpu.memory_space<vmem>> -> memref<50x64xf32, #tpu.memory_space<vmem>>
    tpu.enqueue_dma source(%dma_start3A_84 : memref<50x64xf32, #tpu.memory_space<vmem>>) target(%dma_start3A_80 : memref<50x64xf32, #tpu.memory_space<hbm>>) target_semaphore(%dma_start3A_76 : memref<!tpu.dma_semaphore, #tpu.memory_space<semaphore_mem>>)
    %add3A_85 = arith.constant 496 : i32
    %add3A_86 = arith.addi %select_n3A, %add3A_85 : i32
    %add3A_87 = arith.constant 1 : i32
    %add3A_88 = arith.addi %add3A_86, %add3A_87 : i32
    %dma_start3A_89 = arith.constant 0 : i32
    %dma_start3A_90 = arith.constant 0 : i32
    %dma_start3A_91 = arith.constant 50 : i32
    %dma_start3A_92 = arith.constant 0 : i32
    %dma_start3A_93 = tpu.memref_slice %arg6[%dma_start3A_89, %dma_start3A_91, %dma_start3A_92] : memref<2x400x64xf32, #tpu.memory_space<vmem>> -> memref<1x50x64xf32, #tpu.memory_space<vmem>>
    %dma_start3A_94 = tpu.memref_squeeze %dma_start3A_93 : memref<1x50x64xf32, #tpu.memory_space<vmem>> -> memref<50x64xf32, #tpu.memory_space<vmem>>
    %dma_start3A_95 = arith.constant 0 : i32
    %dma_start3A_96 = arith.constant 0 : i32
    %dma_start3A_97 = tpu.memref_slice %arg4[%add3A_88, %dma_start3A_95, %dma_start3A_96] : memref<16384x50x64xf32, #tpu.memory_space<hbm>> -> memref<1x50x64xf32, #tpu.memory_space<hbm>>
    %dma_start3A_98 = tpu.memref_squeeze %dma_start3A_97 : memref<1x50x64xf32, #tpu.memory_space<hbm>> -> memref<50x64xf32, #tpu.memory_space<hbm>>
    %dma_start3A_99 = tpu.memref_slice %arg8[%dma_start3A_90] : memref<2x!tpu.dma_semaphore, #tpu.memory_space<semaphore_mem>> -> memref<1x!tpu.dma_semaphore, #tpu.memory_space<semaphore_mem>>
    %dma_start3A_100 = tpu.memref_squeeze %dma_start3A_99 : memref<1x!tpu.dma_semaphore, #tpu.memory_space<semaphore_mem>> -> memref<!tpu.dma_semaphore, #tpu.memory_space<semaphore_mem>>
    %dma_start3A_101 = arith.constant 0 : i32
    %dma_start3A_102 = arith.constant 0 : i32
    %dma_start3A_103 = tpu.memref_slice %arg4[%add3A_88, %dma_start3A_101, %dma_start3A_102] : memref<16384x50x64xf32, #tpu.memory_space<hbm>> -> memref<1x50x64xf32, #tpu.memory_space<hbm>>
    %dma_start3A_104 = tpu.memref_squeeze %dma_start3A_103 : memref<1x50x64xf32, #tpu.memory_space<hbm>> -> memref<50x64xf32, #tpu.memory_space<hbm>>
    %dma_start3A_105 = arith.constant 50 : i32
    %dma_start3A_106 = arith.constant 0 : i32
    %dma_start3A_107 = tpu.memref_slice %arg6[%dma_start3A_89, %dma_start3A_105, %dma_start3A_106] : memref<2x400x64xf32, #tpu.memory_space<vmem>> -> memref<1x50x64xf32, #tpu.memory_space<vmem>>
    %dma_start3A_108 = tpu.memref_squeeze %dma_start3A_107 : memref<1x50x64xf32, #tpu.memory_space<vmem>> -> memref<50x64xf32, #tpu.memory_space<vmem>>
    tpu.enqueue_dma source(%dma_start3A_108 : memref<50x64xf32, #tpu.memory_space<vmem>>) target(%dma_start3A_104 : memref<50x64xf32, #tpu.memory_space<hbm>>) target_semaphore(%dma_start3A_100 : memref<!tpu.dma_semaphore, #tpu.memory_space<semaphore_mem>>)
    %add3A_109 = arith.constant 496 : i32
    %add3A_110 = arith.addi %select_n3A, %add3A_109 : i32
    %add3A_111 = arith.constant 2 : i32
    %add3A_112 = arith.addi %add3A_110, %add3A_111 : i32
    %dma_start3A_113 = arith.constant 0 : i32
    %dma_start3A_114 = arith.constant 0 : i32
    %dma_start3A_115 = arith.constant 100 : i32
    %dma_start3A_116 = arith.constant 0 : i32
    %dma_start3A_117 = tpu.memref_slice %arg6[%dma_start3A_113, %dma_start3A_115, %dma_start3A_116] : memref<2x400x64xf32, #tpu.memory_space<vmem>> -> memref<1x50x64xf32, #tpu.memory_space<vmem>>
    %dma_start3A_118 = tpu.memref_squeeze %dma_start3A_117 : memref<1x50x64xf32, #tpu.memory_space<vmem>> -> memref<50x64xf32, #tpu.memory_space<vmem>>
    %dma_start3A_119 = arith.constant 0 : i32
    %dma_start3A_120 = arith.constant 0 : i32
    %dma_start3A_121 = tpu.memref_slice %arg4[%add3A_112, %dma_start3A_119, %dma_start3A_120] : memref<16384x50x64xf32, #tpu.memory_space<hbm>> -> memref<1x50x64xf32, #tpu.memory_space<hbm>>
    %dma_start3A_122 = tpu.memref_squeeze %dma_start3A_121 : memref<1x50x64xf32, #tpu.memory_space<hbm>> -> memref<50x64xf32, #tpu.memory_space<hbm>>
    %dma_start3A_123 = tpu.memref_slice %arg8[%dma_start3A_114] : memref<2x!tpu.dma_semaphore, #tpu.memory_space<semaphore_mem>> -> memref<1x!tpu.dma_semaphore, #tpu.memory_space<semaphore_mem>>
    %dma_start3A_124 = tpu.memref_squeeze %dma_start3A_123 : memref<1x!tpu.dma_semaphore, #tpu.memory_space<semaphore_mem>> -> memref<!tpu.dma_semaphore, #tpu.memory_space<semaphore_mem>>
    %dma_start3A_125 = arith.constant 0 : i32
    %dma_start3A_126 = arith.constant 0 : i32
    %dma_start3A_127 = tpu.memref_slice %arg4[%add3A_112, %dma_start3A_125, %dma_start3A_126] : memref<16384x50x64xf32, #tpu.memory_space<hbm>> -> memref<1x50x64xf32, #tpu.memory_space<hbm>>
    %dma_start3A_128 = tpu.memref_squeeze %dma_start3A_127 : memref<1x50x64xf32, #tpu.memory_space<hbm>> -> memref<50x64xf32, #tpu.memory_space<hbm>>
    %dma_start3A_129 = arith.constant 100 : i32
    %dma_start3A_130 = arith.constant 0 : i32
    %dma_start3A_131 = tpu.memref_slice %arg6[%dma_start3A_113, %dma_start3A_129, %dma_start3A_130] : memref<2x400x64xf32, #tpu.memory_space<vmem>> -> memref<1x50x64xf32, #tpu.memory_space<vmem>>
    %dma_start3A_132 = tpu.memref_squeeze %dma_start3A_131 : memref<1x50x64xf32, #tpu.memory_space<vmem>> -> memref<50x64xf32, #tpu.memory_space<vmem>>
    tpu.enqueue_dma source(%dma_start3A_132 : memref<50x64xf32, #tpu.memory_space<vmem>>) target(%dma_start3A_128 : memref<50x64xf32, #tpu.memory_space<hbm>>) target_semaphore(%dma_start3A_124 : memref<!tpu.dma_semaphore, #tpu.memory_space<semaphore_mem>>)
    %add3A_133 = arith.constant 496 : i32
    %add3A_134 = arith.addi %select_n3A, %add3A_133 : i32
    %add3A_135 = arith.constant 3 : i32
    %add3A_136 = arith.addi %add3A_134, %add3A_135 : i32
    %dma_start3A_137 = arith.constant 0 : i32
    %dma_start3A_138 = arith.constant 0 : i32
    %dma_start3A_139 = arith.constant 150 : i32
    %dma_start3A_140 = arith.constant 0 : i32
    %dma_start3A_141 = tpu.memref_slice %arg6[%dma_start3A_137, %dma_start3A_139, %dma_start3A_140] : memref<2x400x64xf32, #tpu.memory_space<vmem>> -> memref<1x50x64xf32, #tpu.memory_space<vmem>>
    %dma_start3A_142 = tpu.memref_squeeze %dma_start3A_141 : memref<1x50x64xf32, #tpu.memory_space<vmem>> -> memref<50x64xf32, #tpu.memory_space<vmem>>
    %dma_start3A_143 = arith.constant 0 : i32
    %dma_start3A_144 = arith.constant 0 : i32
    %dma_start3A_145 = tpu.memref_slice %arg4[%add3A_136, %dma_start3A_143, %dma_start3A_144] : memref<16384x50x64xf32, #tpu.memory_space<hbm>> -> memref<1x50x64xf32, #tpu.memory_space<hbm>>
    %dma_start3A_146 = tpu.memref_squeeze %dma_start3A_145 : memref<1x50x64xf32, #tpu.memory_space<hbm>> -> memref<50x64xf32, #tpu.memory_space<hbm>>
    %dma_start3A_147 = tpu.memref_slice %arg8[%dma_start3A_138] : memref<2x!tpu.dma_semaphore, #tpu.memory_space<semaphore_mem>> -> memref<1x!tpu.dma_semaphore, #tpu.memory_space<semaphore_mem>>
    %dma_start3A_148 = tpu.memref_squeeze %dma_start3A_147 : memref<1x!tpu.dma_semaphore, #tpu.memory_space<semaphore_mem>> -> memref<!tpu.dma_semaphore, #tpu.memory_space<semaphore_mem>>
    %dma_start3A_149 = arith.constant 0 : i32
    %dma_start3A_150 = arith.constant 0 : i32
    %dma_start3A_151 = tpu.memref_slice %arg4[%add3A_136, %dma_start3A_149, %dma_start3A_150] : memref<16384x50x64xf32, #tpu.memory_space<hbm>> -> memref<1x50x64xf32, #tpu.memory_space<hbm>>
    %dma_start3A_152 = tpu.memref_squeeze %dma_start3A_151 : memref<1x50x64xf32, #tpu.memory_space<hbm>> -> memref<50x64xf32, #tpu.memory_space<hbm>>
    %dma_start3A_153 = arith.constant 150 : i32
    %dma_start3A_154 = arith.constant 0 : i32
    %dma_start3A_155 = tpu.memref_slice %arg6[%dma_start3A_137, %dma_start3A_153, %dma_start3A_154] : memref<2x400x64xf32, #tpu.memory_space<vmem>> -> memref<1x50x64xf32, #tpu.memory_space<vmem>>
    %dma_start3A_156 = tpu.memref_squeeze %dma_start3A_155 : memref<1x50x64xf32, #tpu.memory_space<vmem>> -> memref<50x64xf32, #tpu.memory_space<vmem>>
    tpu.enqueue_dma source(%dma_start3A_156 : memref<50x64xf32, #tpu.memory_space<vmem>>) target(%dma_start3A_152 : memref<50x64xf32, #tpu.memory_space<hbm>>) target_semaphore(%dma_start3A_148 : memref<!tpu.dma_semaphore, #tpu.memory_space<semaphore_mem>>)
    %add3A_157 = arith.constant 496 : i32
    %add3A_158 = arith.addi %select_n3A, %add3A_157 : i32
    %add3A_159 = arith.constant 4 : i32
    %add3A_160 = arith.addi %add3A_158, %add3A_159 : i32
    %dma_start3A_161 = arith.constant 0 : i32
    %dma_start3A_162 = arith.constant 0 : i32
    %dma_start3A_163 = arith.constant 200 : i32
    %dma_start3A_164 = arith.constant 0 : i32
    %dma_start3A_165 = tpu.memref_slice %arg6[%dma_start3A_161, %dma_start3A_163, %dma_start3A_164] : memref<2x400x64xf32, #tpu.memory_space<vmem>> -> memref<1x50x64xf32, #tpu.memory_space<vmem>>
    %dma_start3A_166 = tpu.memref_squeeze %dma_start3A_165 : memref<1x50x64xf32, #tpu.memory_space<vmem>> -> memref<50x64xf32, #tpu.memory_space<vmem>>
    %dma_start3A_167 = arith.constant 0 : i32
    %dma_start3A_168 = arith.constant 0 : i32
    %dma_start3A_169 = tpu.memref_slice %arg4[%add3A_160, %dma_start3A_167, %dma_start3A_168] : memref<16384x50x64xf32, #tpu.memory_space<hbm>> -> memref<1x50x64xf32, #tpu.memory_space<hbm>>
    %dma_start3A_170 = tpu.memref_squeeze %dma_start3A_169 : memref<1x50x64xf32, #tpu.memory_space<hbm>> -> memref<50x64xf32, #tpu.memory_space<hbm>>
    %dma_start3A_171 = tpu.memref_slice %arg8[%dma_start3A_162] : memref<2x!tpu.dma_semaphore, #tpu.memory_space<semaphore_mem>> -> memref<1x!tpu.dma_semaphore, #tpu.memory_space<semaphore_mem>>
    %dma_start3A_172 = tpu.memref_squeeze %dma_start3A_171 : memref<1x!tpu.dma_semaphore, #tpu.memory_space<semaphore_mem>> -> memref<!tpu.dma_semaphore, #tpu.memory_space<semaphore_mem>>
    %dma_start3A_173 = arith.constant 0 : i32
    %dma_start3A_174 = arith.constant 0 : i32
    %dma_start3A_175 = tpu.memref_slice %arg4[%add3A_160, %dma_start3A_173, %dma_start3A_174] : memref<16384x50x64xf32, #tpu.memory_space<hbm>> -> memref<1x50x64xf32, #tpu.memory_space<hbm>>
    %dma_start3A_176 = tpu.memref_squeeze %dma_start3A_175 : memref<1x50x64xf32, #tpu.memory_space<hbm>> -> memref<50x64xf32, #tpu.memory_space<hbm>>
    %dma_start3A_177 = arith.constant 200 : i32
    %dma_start3A_178 = arith.constant 0 : i32
    %dma_start3A_179 = tpu.memref_slice %arg6[%dma_start3A_161, %dma_start3A_177, %dma_start3A_178] : memref<2x400x64xf32, #tpu.memory_space<vmem>> -> memref<1x50x64xf32, #tpu.memory_space<vmem>>
    %dma_start3A_180 = tpu.memref_squeeze %dma_start3A_179 : memref<1x50x64xf32, #tpu.memory_space<vmem>> -> memref<50x64xf32, #tpu.memory_space<vmem>>
    tpu.enqueue_dma source(%dma_start3A_180 : memref<50x64xf32, #tpu.memory_space<vmem>>) target(%dma_start3A_176 : memref<50x64xf32, #tpu.memory_space<hbm>>) target_semaphore(%dma_start3A_172 : memref<!tpu.dma_semaphore, #tpu.memory_space<semaphore_mem>>)
    %add3A_181 = arith.constant 496 : i32
    %add3A_182 = arith.addi %select_n3A, %add3A_181 : i32
    %add3A_183 = arith.constant 5 : i32
    %add3A_184 = arith.addi %add3A_182, %add3A_183 : i32
    %dma_start3A_185 = arith.constant 0 : i32
    %dma_start3A_186 = arith.constant 0 : i32
    %dma_start3A_187 = arith.constant 250 : i32
    %dma_start3A_188 = arith.constant 0 : i32
    %dma_start3A_189 = tpu.memref_slice %arg6[%dma_start3A_185, %dma_start3A_187, %dma_start3A_188] : memref<2x400x64xf32, #tpu.memory_space<vmem>> -> memref<1x50x64xf32, #tpu.memory_space<vmem>>
    %dma_start3A_190 = tpu.memref_squeeze %dma_start3A_189 : memref<1x50x64xf32, #tpu.memory_space<vmem>> -> memref<50x64xf32, #tpu.memory_space<vmem>>
    %dma_start3A_191 = arith.constant 0 : i32
    %dma_start3A_192 = arith.constant 0 : i32
    %dma_start3A_193 = tpu.memref_slice %arg4[%add3A_184, %dma_start3A_191, %dma_start3A_192] : memref<16384x50x64xf32, #tpu.memory_space<hbm>> -> memref<1x50x64xf32, #tpu.memory_space<hbm>>
    %dma_start3A_194 = tpu.memref_squeeze %dma_start3A_193 : memref<1x50x64xf32, #tpu.memory_space<hbm>> -> memref<50x64xf32, #tpu.memory_space<hbm>>
    %dma_start3A_195 = tpu.memref_slice %arg8[%dma_start3A_186] : memref<2x!tpu.dma_semaphore, #tpu.memory_space<semaphore_mem>> -> memref<1x!tpu.dma_semaphore, #tpu.memory_space<semaphore_mem>>
    %dma_start3A_196 = tpu.memref_squeeze %dma_start3A_195 : memref<1x!tpu.dma_semaphore, #tpu.memory_space<semaphore_mem>> -> memref<!tpu.dma_semaphore, #tpu.memory_space<semaphore_mem>>
    %dma_start3A_197 = arith.constant 0 : i32
    %dma_start3A_198 = arith.constant 0 : i32
    %dma_start3A_199 = tpu.memref_slice %arg4[%add3A_184, %dma_start3A_197, %dma_start3A_198] : memref<16384x50x64xf32, #tpu.memory_space<hbm>> -> memref<1x50x64xf32, #tpu.memory_space<hbm>>
    %dma_start3A_200 = tpu.memref_squeeze %dma_start3A_199 : memref<1x50x64xf32, #tpu.memory_space<hbm>> -> memref<50x64xf32, #tpu.memory_space<hbm>>
    %dma_start3A_201 = arith.constant 250 : i32
    %dma_start3A_202 = arith.constant 0 : i32
    %dma_start3A_203 = tpu.memref_slice %arg6[%dma_start3A_185, %dma_start3A_201, %dma_start3A_202] : memref<2x400x64xf32, #tpu.memory_space<vmem>> -> memref<1x50x64xf32, #tpu.memory_space<vmem>>
    %dma_start3A_204 = tpu.memref_squeeze %dma_start3A_203 : memref<1x50x64xf32, #tpu.memory_space<vmem>> -> memref<50x64xf32, #tpu.memory_space<vmem>>
    tpu.enqueue_dma source(%dma_start3A_204 : memref<50x64xf32, #tpu.memory_space<vmem>>) target(%dma_start3A_200 : memref<50x64xf32, #tpu.memory_space<hbm>>) target_semaphore(%dma_start3A_196 : memref<!tpu.dma_semaphore, #tpu.memory_space<semaphore_mem>>)
    %add3A_205 = arith.constant 496 : i32
    %add3A_206 = arith.addi %select_n3A, %add3A_205 : i32
    %add3A_207 = arith.constant 6 : i32
    %add3A_208 = arith.addi %add3A_206, %add3A_207 : i32
    %dma_start3A_209 = arith.constant 0 : i32
    %dma_start3A_210 = arith.constant 0 : i32
    %dma_start3A_211 = arith.constant 300 : i32
    %dma_start3A_212 = arith.constant 0 : i32
    %dma_start3A_213 = tpu.memref_slice %arg6[%dma_start3A_209, %dma_start3A_211, %dma_start3A_212] : memref<2x400x64xf32, #tpu.memory_space<vmem>> -> memref<1x50x64xf32, #tpu.memory_space<vmem>>
    %dma_start3A_214 = tpu.memref_squeeze %dma_start3A_213 : memref<1x50x64xf32, #tpu.memory_space<vmem>> -> memref<50x64xf32, #tpu.memory_space<vmem>>
    %dma_start3A_215 = arith.constant 0 : i32
    %dma_start3A_216 = arith.constant 0 : i32
    %dma_start3A_217 = tpu.memref_slice %arg4[%add3A_208, %dma_start3A_215, %dma_start3A_216] : memref<16384x50x64xf32, #tpu.memory_space<hbm>> -> memref<1x50x64xf32, #tpu.memory_space<hbm>>
    %dma_start3A_218 = tpu.memref_squeeze %dma_start3A_217 : memref<1x50x64xf32, #tpu.memory_space<hbm>> -> memref<50x64xf32, #tpu.memory_space<hbm>>
    %dma_start3A_219 = tpu.memref_slice %arg8[%dma_start3A_210] : memref<2x!tpu.dma_semaphore, #tpu.memory_space<semaphore_mem>> -> memref<1x!tpu.dma_semaphore, #tpu.memory_space<semaphore_mem>>
    %dma_start3A_220 = tpu.memref_squeeze %dma_start3A_219 : memref<1x!tpu.dma_semaphore, #tpu.memory_space<semaphore_mem>> -> memref<!tpu.dma_semaphore, #tpu.memory_space<semaphore_mem>>
    %dma_start3A_221 = arith.constant 0 : i32
    %dma_start3A_222 = arith.constant 0 : i32
    %dma_start3A_223 = tpu.memref_slice %arg4[%add3A_208, %dma_start3A_221, %dma_start3A_222] : memref<16384x50x64xf32, #tpu.memory_space<hbm>> -> memref<1x50x64xf32, #tpu.memory_space<hbm>>
    %dma_start3A_224 = tpu.memref_squeeze %dma_start3A_223 : memref<1x50x64xf32, #tpu.memory_space<hbm>> -> memref<50x64xf32, #tpu.memory_space<hbm>>
    %dma_start3A_225 = arith.constant 300 : i32
    %dma_start3A_226 = arith.constant 0 : i32
    %dma_start3A_227 = tpu.memref_slice %arg6[%dma_start3A_209, %dma_start3A_225, %dma_start3A_226] : memref<2x400x64xf32, #tpu.memory_space<vmem>> -> memref<1x50x64xf32, #tpu.memory_space<vmem>>
    %dma_start3A_228 = tpu.memref_squeeze %dma_start3A_227 : memref<1x50x64xf32, #tpu.memory_space<vmem>> -> memref<50x64xf32, #tpu.memory_space<vmem>>
    tpu.enqueue_dma source(%dma_start3A_228 : memref<50x64xf32, #tpu.memory_space<vmem>>) target(%dma_start3A_224 : memref<50x64xf32, #tpu.memory_space<hbm>>) target_semaphore(%dma_start3A_220 : memref<!tpu.dma_semaphore, #tpu.memory_space<semaphore_mem>>)
    %add3A_229 = arith.constant 496 : i32
    %add3A_230 = arith.addi %select_n3A, %add3A_229 : i32
    %add3A_231 = arith.constant 7 : i32
    %add3A_232 = arith.addi %add3A_230, %add3A_231 : i32
    %dma_start3A_233 = arith.constant 0 : i32
    %dma_start3A_234 = arith.constant 0 : i32
    %dma_start3A_235 = arith.constant 350 : i32
    %dma_start3A_236 = arith.constant 0 : i32
    %dma_start3A_237 = tpu.memref_slice %arg6[%dma_start3A_233, %dma_start3A_235, %dma_start3A_236] : memref<2x400x64xf32, #tpu.memory_space<vmem>> -> memref<1x50x64xf32, #tpu.memory_space<vmem>>
    %dma_start3A_238 = tpu.memref_squeeze %dma_start3A_237 : memref<1x50x64xf32, #tpu.memory_space<vmem>> -> memref<50x64xf32, #tpu.memory_space<vmem>>
    %dma_start3A_239 = arith.constant 0 : i32
    %dma_start3A_240 = arith.constant 0 : i32
    %dma_start3A_241 = tpu.memref_slice %arg4[%add3A_232, %dma_start3A_239, %dma_start3A_240] : memref<16384x50x64xf32, #tpu.memory_space<hbm>> -> memref<1x50x64xf32, #tpu.memory_space<hbm>>
    %dma_start3A_242 = tpu.memref_squeeze %dma_start3A_241 : memref<1x50x64xf32, #tpu.memory_space<hbm>> -> memref<50x64xf32, #tpu.memory_space<hbm>>
    %dma_start3A_243 = tpu.memref_slice %arg8[%dma_start3A_234] : memref<2x!tpu.dma_semaphore, #tpu.memory_space<semaphore_mem>> -> memref<1x!tpu.dma_semaphore, #tpu.memory_space<semaphore_mem>>
    %dma_start3A_244 = tpu.memref_squeeze %dma_start3A_243 : memref<1x!tpu.dma_semaphore, #tpu.memory_space<semaphore_mem>> -> memref<!tpu.dma_semaphore, #tpu.memory_space<semaphore_mem>>
    %dma_start3A_245 = arith.constant 0 : i32
    %dma_start3A_246 = arith.constant 0 : i32
    %dma_start3A_247 = tpu.memref_slice %arg4[%add3A_232, %dma_start3A_245, %dma_start3A_246] : memref<16384x50x64xf32, #tpu.memory_space<hbm>> -> memref<1x50x64xf32, #tpu.memory_space<hbm>>
    %dma_start3A_248 = tpu.memref_squeeze %dma_start3A_247 : memref<1x50x64xf32, #tpu.memory_space<hbm>> -> memref<50x64xf32, #tpu.memory_space<hbm>>
    %dma_start3A_249 = arith.constant 350 : i32
    %dma_start3A_250 = arith.constant 0 : i32
    %dma_start3A_251 = tpu.memref_slice %arg6[%dma_start3A_233, %dma_start3A_249, %dma_start3A_250] : memref<2x400x64xf32, #tpu.memory_space<vmem>> -> memref<1x50x64xf32, #tpu.memory_space<vmem>>
    %dma_start3A_252 = tpu.memref_squeeze %dma_start3A_251 : memref<1x50x64xf32, #tpu.memory_space<vmem>> -> memref<50x64xf32, #tpu.memory_space<vmem>>
    tpu.enqueue_dma source(%dma_start3A_252 : memref<50x64xf32, #tpu.memory_space<vmem>>) target(%dma_start3A_248 : memref<50x64xf32, #tpu.memory_space<hbm>>) target_semaphore(%dma_start3A_244 : memref<!tpu.dma_semaphore, #tpu.memory_space<semaphore_mem>>)
    %dma_wait3A_253 = arith.constant 1 : i32
    %dma_wait3A_254 = arith.constant 1 : i32
    %dma_wait3A_255 = arith.constant 0 : i32
    %dma_wait3A_256 = arith.constant 0 : i32
    %dma_wait3A_257 = tpu.memref_slice %arg6[%dma_wait3A_253, %dma_wait3A_255, %dma_wait3A_256] : memref<2x400x64xf32, #tpu.memory_space<vmem>> -> memref<1x400x64xf32, #tpu.memory_space<vmem>>
    %dma_wait3A_258 = tpu.memref_squeeze %dma_wait3A_257 : memref<1x400x64xf32, #tpu.memory_space<vmem>> -> memref<400x64xf32, #tpu.memory_space<vmem>>
    %dma_wait3A_259 = arith.constant 25200 : i32
    %dma_wait3A_260 = tpu.memref_slice %arg5[%dma_wait3A_259] : memref<25600xi32, #tpu.memory_space<vmem>> -> memref<400xi32, #tpu.memory_space<vmem>>
    %dma_wait3A_261 = arith.constant 0 : i32
    %dma_wait3A_262 = arith.constant 0 : i32
    %dma_wait3A_263 = tpu.memref_slice %arg3[%dma_wait3A_261, %dma_wait3A_262] : memref<1000000x64xf32, #tpu.memory_space<hbm>> -> memref<1000000x64xf32, #tpu.memory_space<hbm>>
    %dma_wait3A_264 = tpu.memref_slice %arg7[%dma_wait3A_254] : memref<2x!tpu.dma_semaphore, #tpu.memory_space<semaphore_mem>> -> memref<1x!tpu.dma_semaphore, #tpu.memory_space<semaphore_mem>>
    %dma_wait3A_265 = tpu.memref_squeeze %dma_wait3A_264 : memref<1x!tpu.dma_semaphore, #tpu.memory_space<semaphore_mem>> -> memref<!tpu.dma_semaphore, #tpu.memory_space<semaphore_mem>>
    tpu.wait_indirect_dma semaphore(%dma_wait3A_265 : memref<!tpu.dma_semaphore, #tpu.memory_space<semaphore_mem>>) src(%dma_wait3A_263 : memref<1000000x64xf32, #tpu.memory_space<hbm>>) dst(%dma_wait3A_258 : memref<400x64xf32, #tpu.memory_space<vmem>>)
    %add3A_266 = arith.constant 504 : i32
    %add3A_267 = arith.addi %select_n3A, %add3A_266 : i32
    %add3A_268 = arith.constant 0 : i32
    %add3A_269 = arith.addi %add3A_267, %add3A_268 : i32
    %dma_start3A_270 = arith.constant 1 : i32
    %dma_start3A_271 = arith.constant 1 : i32
    %dma_start3A_272 = arith.constant 0 : i32
    %dma_start3A_273 = arith.constant 0 : i32
    %dma_start3A_274 = tpu.memref_slice %arg6[%dma_start3A_270, %dma_start3A_272, %dma_start3A_273] : memref<2x400x64xf32, #tpu.memory_space<vmem>> -> memref<1x50x64xf32, #tpu.memory_space<vmem>>
    %dma_start3A_275 = tpu.memref_squeeze %dma_start3A_274 : memref<1x50x64xf32, #tpu.memory_space<vmem>> -> memref<50x64xf32, #tpu.memory_space<vmem>>
    %dma_start3A_276 = arith.constant 0 : i32
    %dma_start3A_277 = arith.constant 0 : i32
    %dma_start3A_278 = tpu.memref_slice %arg4[%add3A_269, %dma_start3A_276, %dma_start3A_277] : memref<16384x50x64xf32, #tpu.memory_space<hbm>> -> memref<1x50x64xf32, #tpu.memory_space<hbm>>
    %dma_start3A_279 = tpu.memref_squeeze %dma_start3A_278 : memref<1x50x64xf32, #tpu.memory_space<hbm>> -> memref<50x64xf32, #tpu.memory_space<hbm>>
    %dma_start3A_280 = tpu.memref_slice %arg8[%dma_start3A_271] : memref<2x!tpu.dma_semaphore, #tpu.memory_space<semaphore_mem>> -> memref<1x!tpu.dma_semaphore, #tpu.memory_space<semaphore_mem>>
    %dma_start3A_281 = tpu.memref_squeeze %dma_start3A_280 : memref<1x!tpu.dma_semaphore, #tpu.memory_space<semaphore_mem>> -> memref<!tpu.dma_semaphore, #tpu.memory_space<semaphore_mem>>
    %dma_start3A_282 = arith.constant 0 : i32
    %dma_start3A_283 = arith.constant 0 : i32
    %dma_start3A_284 = tpu.memref_slice %arg4[%add3A_269, %dma_start3A_282, %dma_start3A_283] : memref<16384x50x64xf32, #tpu.memory_space<hbm>> -> memref<1x50x64xf32, #tpu.memory_space<hbm>>
    %dma_start3A_285 = tpu.memref_squeeze %dma_start3A_284 : memref<1x50x64xf32, #tpu.memory_space<hbm>> -> memref<50x64xf32, #tpu.memory_space<hbm>>
    %dma_start3A_286 = arith.constant 0 : i32
    %dma_start3A_287 = arith.constant 0 : i32
    %dma_start3A_288 = tpu.memref_slice %arg6[%dma_start3A_270, %dma_start3A_286, %dma_start3A_287] : memref<2x400x64xf32, #tpu.memory_space<vmem>> -> memref<1x50x64xf32, #tpu.memory_space<vmem>>
    %dma_start3A_289 = tpu.memref_squeeze %dma_start3A_288 : memref<1x50x64xf32, #tpu.memory_space<vmem>> -> memref<50x64xf32, #tpu.memory_space<vmem>>
    tpu.enqueue_dma source(%dma_start3A_289 : memref<50x64xf32, #tpu.memory_space<vmem>>) target(%dma_start3A_285 : memref<50x64xf32, #tpu.memory_space<hbm>>) target_semaphore(%dma_start3A_281 : memref<!tpu.dma_semaphore, #tpu.memory_space<semaphore_mem>>)
    %add3A_290 = arith.constant 504 : i32
    %add3A_291 = arith.addi %select_n3A, %add3A_290 : i32
    %add3A_292 = arith.constant 1 : i32
    %add3A_293 = arith.addi %add3A_291, %add3A_292 : i32
    %dma_start3A_294 = arith.constant 1 : i32
    %dma_start3A_295 = arith.constant 1 : i32
    %dma_start3A_296 = arith.constant 50 : i32
    %dma_start3A_297 = arith.constant 0 : i32
    %dma_start3A_298 = tpu.memref_slice %arg6[%dma_start3A_294, %dma_start3A_296, %dma_start3A_297] : memref<2x400x64xf32, #tpu.memory_space<vmem>> -> memref<1x50x64xf32, #tpu.memory_space<vmem>>
    %dma_start3A_299 = tpu.memref_squeeze %dma_start3A_298 : memref<1x50x64xf32, #tpu.memory_space<vmem>> -> memref<50x64xf32, #tpu.memory_space<vmem>>
    %dma_start3A_300 = arith.constant 0 : i32
    %dma_start3A_301 = arith.constant 0 : i32
    %dma_start3A_302 = tpu.memref_slice %arg4[%add3A_293, %dma_start3A_300, %dma_start3A_301] : memref<16384x50x64xf32, #tpu.memory_space<hbm>> -> memref<1x50x64xf32, #tpu.memory_space<hbm>>
    %dma_start3A_303 = tpu.memref_squeeze %dma_start3A_302 : memref<1x50x64xf32, #tpu.memory_space<hbm>> -> memref<50x64xf32, #tpu.memory_space<hbm>>
    %dma_start3A_304 = tpu.memref_slice %arg8[%dma_start3A_295] : memref<2x!tpu.dma_semaphore, #tpu.memory_space<semaphore_mem>> -> memref<1x!tpu.dma_semaphore, #tpu.memory_space<semaphore_mem>>
    %dma_start3A_305 = tpu.memref_squeeze %dma_start3A_304 : memref<1x!tpu.dma_semaphore, #tpu.memory_space<semaphore_mem>> -> memref<!tpu.dma_semaphore, #tpu.memory_space<semaphore_mem>>
    %dma_start3A_306 = arith.constant 0 : i32
    %dma_start3A_307 = arith.constant 0 : i32
    %dma_start3A_308 = tpu.memref_slice %arg4[%add3A_293, %dma_start3A_306, %dma_start3A_307] : memref<16384x50x64xf32, #tpu.memory_space<hbm>> -> memref<1x50x64xf32, #tpu.memory_space<hbm>>
    %dma_start3A_309 = tpu.memref_squeeze %dma_start3A_308 : memref<1x50x64xf32, #tpu.memory_space<hbm>> -> memref<50x64xf32, #tpu.memory_space<hbm>>
    %dma_start3A_310 = arith.constant 50 : i32
    %dma_start3A_311 = arith.constant 0 : i32
    %dma_start3A_312 = tpu.memref_slice %arg6[%dma_start3A_294, %dma_start3A_310, %dma_start3A_311] : memref<2x400x64xf32, #tpu.memory_space<vmem>> -> memref<1x50x64xf32, #tpu.memory_space<vmem>>
    %dma_start3A_313 = tpu.memref_squeeze %dma_start3A_312 : memref<1x50x64xf32, #tpu.memory_space<vmem>> -> memref<50x64xf32, #tpu.memory_space<vmem>>
    tpu.enqueue_dma source(%dma_start3A_313 : memref<50x64xf32, #tpu.memory_space<vmem>>) target(%dma_start3A_309 : memref<50x64xf32, #tpu.memory_space<hbm>>) target_semaphore(%dma_start3A_305 : memref<!tpu.dma_semaphore, #tpu.memory_space<semaphore_mem>>)
    %add3A_314 = arith.constant 504 : i32
    %add3A_315 = arith.addi %select_n3A, %add3A_314 : i32
    %add3A_316 = arith.constant 2 : i32
    %add3A_317 = arith.addi %add3A_315, %add3A_316 : i32
    %dma_start3A_318 = arith.constant 1 : i32
    %dma_start3A_319 = arith.constant 1 : i32
    %dma_start3A_320 = arith.constant 100 : i32
    %dma_start3A_321 = arith.constant 0 : i32
    %dma_start3A_322 = tpu.memref_slice %arg6[%dma_start3A_318, %dma_start3A_320, %dma_start3A_321] : memref<2x400x64xf32, #tpu.memory_space<vmem>> -> memref<1x50x64xf32, #tpu.memory_space<vmem>>
    %dma_start3A_323 = tpu.memref_squeeze %dma_start3A_322 : memref<1x50x64xf32, #tpu.memory_space<vmem>> -> memref<50x64xf32, #tpu.memory_space<vmem>>
    %dma_start3A_324 = arith.constant 0 : i32
    %dma_start3A_325 = arith.constant 0 : i32
    %dma_start3A_326 = tpu.memref_slice %arg4[%add3A_317, %dma_start3A_324, %dma_start3A_325] : memref<16384x50x64xf32, #tpu.memory_space<hbm>> -> memref<1x50x64xf32, #tpu.memory_space<hbm>>
    %dma_start3A_327 = tpu.memref_squeeze %dma_start3A_326 : memref<1x50x64xf32, #tpu.memory_space<hbm>> -> memref<50x64xf32, #tpu.memory_space<hbm>>
    %dma_start3A_328 = tpu.memref_slice %arg8[%dma_start3A_319] : memref<2x!tpu.dma_semaphore, #tpu.memory_space<semaphore_mem>> -> memref<1x!tpu.dma_semaphore, #tpu.memory_space<semaphore_mem>>
    %dma_start3A_329 = tpu.memref_squeeze %dma_start3A_328 : memref<1x!tpu.dma_semaphore, #tpu.memory_space<semaphore_mem>> -> memref<!tpu.dma_semaphore, #tpu.memory_space<semaphore_mem>>
    %dma_start3A_330 = arith.constant 0 : i32
    %dma_start3A_331 = arith.constant 0 : i32
    %dma_start3A_332 = tpu.memref_slice %arg4[%add3A_317, %dma_start3A_330, %dma_start3A_331] : memref<16384x50x64xf32, #tpu.memory_space<hbm>> -> memref<1x50x64xf32, #tpu.memory_space<hbm>>
    %dma_start3A_333 = tpu.memref_squeeze %dma_start3A_332 : memref<1x50x64xf32, #tpu.memory_space<hbm>> -> memref<50x64xf32, #tpu.memory_space<hbm>>
    %dma_start3A_334 = arith.constant 100 : i32
    %dma_start3A_335 = arith.constant 0 : i32
    %dma_start3A_336 = tpu.memref_slice %arg6[%dma_start3A_318, %dma_start3A_334, %dma_start3A_335] : memref<2x400x64xf32, #tpu.memory_space<vmem>> -> memref<1x50x64xf32, #tpu.memory_space<vmem>>
    %dma_start3A_337 = tpu.memref_squeeze %dma_start3A_336 : memref<1x50x64xf32, #tpu.memory_space<vmem>> -> memref<50x64xf32, #tpu.memory_space<vmem>>
    tpu.enqueue_dma source(%dma_start3A_337 : memref<50x64xf32, #tpu.memory_space<vmem>>) target(%dma_start3A_333 : memref<50x64xf32, #tpu.memory_space<hbm>>) target_semaphore(%dma_start3A_329 : memref<!tpu.dma_semaphore, #tpu.memory_space<semaphore_mem>>)
    %add3A_338 = arith.constant 504 : i32
    %add3A_339 = arith.addi %select_n3A, %add3A_338 : i32
    %add3A_340 = arith.constant 3 : i32
    %add3A_341 = arith.addi %add3A_339, %add3A_340 : i32
    %dma_start3A_342 = arith.constant 1 : i32
    %dma_start3A_343 = arith.constant 1 : i32
    %dma_start3A_344 = arith.constant 150 : i32
    %dma_start3A_345 = arith.constant 0 : i32
    %dma_start3A_346 = tpu.memref_slice %arg6[%dma_start3A_342, %dma_start3A_344, %dma_start3A_345] : memref<2x400x64xf32, #tpu.memory_space<vmem>> -> memref<1x50x64xf32, #tpu.memory_space<vmem>>
    %dma_start3A_347 = tpu.memref_squeeze %dma_start3A_346 : memref<1x50x64xf32, #tpu.memory_space<vmem>> -> memref<50x64xf32, #tpu.memory_space<vmem>>
    %dma_start3A_348 = arith.constant 0 : i32
    %dma_start3A_349 = arith.constant 0 : i32
    %dma_start3A_350 = tpu.memref_slice %arg4[%add3A_341, %dma_start3A_348, %dma_start3A_349] : memref<16384x50x64xf32, #tpu.memory_space<hbm>> -> memref<1x50x64xf32, #tpu.memory_space<hbm>>
    %dma_start3A_351 = tpu.memref_squeeze %dma_start3A_350 : memref<1x50x64xf32, #tpu.memory_space<hbm>> -> memref<50x64xf32, #tpu.memory_space<hbm>>
    %dma_start3A_352 = tpu.memref_slice %arg8[%dma_start3A_343] : memref<2x!tpu.dma_semaphore, #tpu.memory_space<semaphore_mem>> -> memref<1x!tpu.dma_semaphore, #tpu.memory_space<semaphore_mem>>
    %dma_start3A_353 = tpu.memref_squeeze %dma_start3A_352 : memref<1x!tpu.dma_semaphore, #tpu.memory_space<semaphore_mem>> -> memref<!tpu.dma_semaphore, #tpu.memory_space<semaphore_mem>>
    %dma_start3A_354 = arith.constant 0 : i32
    %dma_start3A_355 = arith.constant 0 : i32
    %dma_start3A_356 = tpu.memref_slice %arg4[%add3A_341, %dma_start3A_354, %dma_start3A_355] : memref<16384x50x64xf32, #tpu.memory_space<hbm>> -> memref<1x50x64xf32, #tpu.memory_space<hbm>>
    %dma_start3A_357 = tpu.memref_squeeze %dma_start3A_356 : memref<1x50x64xf32, #tpu.memory_space<hbm>> -> memref<50x64xf32, #tpu.memory_space<hbm>>
    %dma_start3A_358 = arith.constant 150 : i32
    %dma_start3A_359 = arith.constant 0 : i32
    %dma_start3A_360 = tpu.memref_slice %arg6[%dma_start3A_342, %dma_start3A_358, %dma_start3A_359] : memref<2x400x64xf32, #tpu.memory_space<vmem>> -> memref<1x50x64xf32, #tpu.memory_space<vmem>>
    %dma_start3A_361 = tpu.memref_squeeze %dma_start3A_360 : memref<1x50x64xf32, #tpu.memory_space<vmem>> -> memref<50x64xf32, #tpu.memory_space<vmem>>
    tpu.enqueue_dma source(%dma_start3A_361 : memref<50x64xf32, #tpu.memory_space<vmem>>) target(%dma_start3A_357 : memref<50x64xf32, #tpu.memory_space<hbm>>) target_semaphore(%dma_start3A_353 : memref<!tpu.dma_semaphore, #tpu.memory_space<semaphore_mem>>)
    %add3A_362 = arith.constant 504 : i32
    %add3A_363 = arith.addi %select_n3A, %add3A_362 : i32
    %add3A_364 = arith.constant 4 : i32
    %add3A_365 = arith.addi %add3A_363, %add3A_364 : i32
    %dma_start3A_366 = arith.constant 1 : i32
    %dma_start3A_367 = arith.constant 1 : i32
    %dma_start3A_368 = arith.constant 200 : i32
    %dma_start3A_369 = arith.constant 0 : i32
    %dma_start3A_370 = tpu.memref_slice %arg6[%dma_start3A_366, %dma_start3A_368, %dma_start3A_369] : memref<2x400x64xf32, #tpu.memory_space<vmem>> -> memref<1x50x64xf32, #tpu.memory_space<vmem>>
    %dma_start3A_371 = tpu.memref_squeeze %dma_start3A_370 : memref<1x50x64xf32, #tpu.memory_space<vmem>> -> memref<50x64xf32, #tpu.memory_space<vmem>>
    %dma_start3A_372 = arith.constant 0 : i32
    %dma_start3A_373 = arith.constant 0 : i32
    %dma_start3A_374 = tpu.memref_slice %arg4[%add3A_365, %dma_start3A_372, %dma_start3A_373] : memref<16384x50x64xf32, #tpu.memory_space<hbm>> -> memref<1x50x64xf32, #tpu.memory_space<hbm>>
    %dma_start3A_375 = tpu.memref_squeeze %dma_start3A_374 : memref<1x50x64xf32, #tpu.memory_space<hbm>> -> memref<50x64xf32, #tpu.memory_space<hbm>>
    %dma_start3A_376 = tpu.memref_slice %arg8[%dma_start3A_367] : memref<2x!tpu.dma_semaphore, #tpu.memory_space<semaphore_mem>> -> memref<1x!tpu.dma_semaphore, #tpu.memory_space<semaphore_mem>>
    %dma_start3A_377 = tpu.memref_squeeze %dma_start3A_376 : memref<1x!tpu.dma_semaphore, #tpu.memory_space<semaphore_mem>> -> memref<!tpu.dma_semaphore, #tpu.memory_space<semaphore_mem>>
    %dma_start3A_378 = arith.constant 0 : i32
    %dma_start3A_379 = arith.constant 0 : i32
    %dma_start3A_380 = tpu.memref_slice %arg4[%add3A_365, %dma_start3A_378, %dma_start3A_379] : memref<16384x50x64xf32, #tpu.memory_space<hbm>> -> memref<1x50x64xf32, #tpu.memory_space<hbm>>
    %dma_start3A_381 = tpu.memref_squeeze %dma_start3A_380 : memref<1x50x64xf32, #tpu.memory_space<hbm>> -> memref<50x64xf32, #tpu.memory_space<hbm>>
    %dma_start3A_382 = arith.constant 200 : i32
    %dma_start3A_383 = arith.constant 0 : i32
    %dma_start3A_384 = tpu.memref_slice %arg6[%dma_start3A_366, %dma_start3A_382, %dma_start3A_383] : memref<2x400x64xf32, #tpu.memory_space<vmem>> -> memref<1x50x64xf32, #tpu.memory_space<vmem>>
    %dma_start3A_385 = tpu.memref_squeeze %dma_start3A_384 : memref<1x50x64xf32, #tpu.memory_space<vmem>> -> memref<50x64xf32, #tpu.memory_space<vmem>>
    tpu.enqueue_dma source(%dma_start3A_385 : memref<50x64xf32, #tpu.memory_space<vmem>>) target(%dma_start3A_381 : memref<50x64xf32, #tpu.memory_space<hbm>>) target_semaphore(%dma_start3A_377 : memref<!tpu.dma_semaphore, #tpu.memory_space<semaphore_mem>>)
    %add3A_386 = arith.constant 504 : i32
    %add3A_387 = arith.addi %select_n3A, %add3A_386 : i32
    %add3A_388 = arith.constant 5 : i32
    %add3A_389 = arith.addi %add3A_387, %add3A_388 : i32
    %dma_start3A_390 = arith.constant 1 : i32
    %dma_start3A_391 = arith.constant 1 : i32
    %dma_start3A_392 = arith.constant 250 : i32
    %dma_start3A_393 = arith.constant 0 : i32
    %dma_start3A_394 = tpu.memref_slice %arg6[%dma_start3A_390, %dma_start3A_392, %dma_start3A_393] : memref<2x400x64xf32, #tpu.memory_space<vmem>> -> memref<1x50x64xf32, #tpu.memory_space<vmem>>
    %dma_start3A_395 = tpu.memref_squeeze %dma_start3A_394 : memref<1x50x64xf32, #tpu.memory_space<vmem>> -> memref<50x64xf32, #tpu.memory_space<vmem>>
    %dma_start3A_396 = arith.constant 0 : i32
    %dma_start3A_397 = arith.constant 0 : i32
    %dma_start3A_398 = tpu.memref_slice %arg4[%add3A_389, %dma_start3A_396, %dma_start3A_397] : memref<16384x50x64xf32, #tpu.memory_space<hbm>> -> memref<1x50x64xf32, #tpu.memory_space<hbm>>
    %dma_start3A_399 = tpu.memref_squeeze %dma_start3A_398 : memref<1x50x64xf32, #tpu.memory_space<hbm>> -> memref<50x64xf32, #tpu.memory_space<hbm>>
    %dma_start3A_400 = tpu.memref_slice %arg8[%dma_start3A_391] : memref<2x!tpu.dma_semaphore, #tpu.memory_space<semaphore_mem>> -> memref<1x!tpu.dma_semaphore, #tpu.memory_space<semaphore_mem>>
    %dma_start3A_401 = tpu.memref_squeeze %dma_start3A_400 : memref<1x!tpu.dma_semaphore, #tpu.memory_space<semaphore_mem>> -> memref<!tpu.dma_semaphore, #tpu.memory_space<semaphore_mem>>
    %dma_start3A_402 = arith.constant 0 : i32
    %dma_start3A_403 = arith.constant 0 : i32
    %dma_start3A_404 = tpu.memref_slice %arg4[%add3A_389, %dma_start3A_402, %dma_start3A_403] : memref<16384x50x64xf32, #tpu.memory_space<hbm>> -> memref<1x50x64xf32, #tpu.memory_space<hbm>>
    %dma_start3A_405 = tpu.memref_squeeze %dma_start3A_404 : memref<1x50x64xf32, #tpu.memory_space<hbm>> -> memref<50x64xf32, #tpu.memory_space<hbm>>
    %dma_start3A_406 = arith.constant 250 : i32
    %dma_start3A_407 = arith.constant 0 : i32
    %dma_start3A_408 = tpu.memref_slice %arg6[%dma_start3A_390, %dma_start3A_406, %dma_start3A_407] : memref<2x400x64xf32, #tpu.memory_space<vmem>> -> memref<1x50x64xf32, #tpu.memory_space<vmem>>
    %dma_start3A_409 = tpu.memref_squeeze %dma_start3A_408 : memref<1x50x64xf32, #tpu.memory_space<vmem>> -> memref<50x64xf32, #tpu.memory_space<vmem>>
    tpu.enqueue_dma source(%dma_start3A_409 : memref<50x64xf32, #tpu.memory_space<vmem>>) target(%dma_start3A_405 : memref<50x64xf32, #tpu.memory_space<hbm>>) target_semaphore(%dma_start3A_401 : memref<!tpu.dma_semaphore, #tpu.memory_space<semaphore_mem>>)
    %add3A_410 = arith.constant 504 : i32
    %add3A_411 = arith.addi %select_n3A, %add3A_410 : i32
    %add3A_412 = arith.constant 6 : i32
    %add3A_413 = arith.addi %add3A_411, %add3A_412 : i32
    %dma_start3A_414 = arith.constant 1 : i32
    %dma_start3A_415 = arith.constant 1 : i32
    %dma_start3A_416 = arith.constant 300 : i32
    %dma_start3A_417 = arith.constant 0 : i32
    %dma_start3A_418 = tpu.memref_slice %arg6[%dma_start3A_414, %dma_start3A_416, %dma_start3A_417] : memref<2x400x64xf32, #tpu.memory_space<vmem>> -> memref<1x50x64xf32, #tpu.memory_space<vmem>>
    %dma_start3A_419 = tpu.memref_squeeze %dma_start3A_418 : memref<1x50x64xf32, #tpu.memory_space<vmem>> -> memref<50x64xf32, #tpu.memory_space<vmem>>
    %dma_start3A_420 = arith.constant 0 : i32
    %dma_start3A_421 = arith.constant 0 : i32
    %dma_start3A_422 = tpu.memref_slice %arg4[%add3A_413, %dma_start3A_420, %dma_start3A_421] : memref<16384x50x64xf32, #tpu.memory_space<hbm>> -> memref<1x50x64xf32, #tpu.memory_space<hbm>>
    %dma_start3A_423 = tpu.memref_squeeze %dma_start3A_422 : memref<1x50x64xf32, #tpu.memory_space<hbm>> -> memref<50x64xf32, #tpu.memory_space<hbm>>
    %dma_start3A_424 = tpu.memref_slice %arg8[%dma_start3A_415] : memref<2x!tpu.dma_semaphore, #tpu.memory_space<semaphore_mem>> -> memref<1x!tpu.dma_semaphore, #tpu.memory_space<semaphore_mem>>
    %dma_start3A_425 = tpu.memref_squeeze %dma_start3A_424 : memref<1x!tpu.dma_semaphore, #tpu.memory_space<semaphore_mem>> -> memref<!tpu.dma_semaphore, #tpu.memory_space<semaphore_mem>>
    %dma_start3A_426 = arith.constant 0 : i32
    %dma_start3A_427 = arith.constant 0 : i32
    %dma_start3A_428 = tpu.memref_slice %arg4[%add3A_413, %dma_start3A_426, %dma_start3A_427] : memref<16384x50x64xf32, #tpu.memory_space<hbm>> -> memref<1x50x64xf32, #tpu.memory_space<hbm>>
    %dma_start3A_429 = tpu.memref_squeeze %dma_start3A_428 : memref<1x50x64xf32, #tpu.memory_space<hbm>> -> memref<50x64xf32, #tpu.memory_space<hbm>>
    %dma_start3A_430 = arith.constant 300 : i32
    %dma_start3A_431 = arith.constant 0 : i32
    %dma_start3A_432 = tpu.memref_slice %arg6[%dma_start3A_414, %dma_start3A_430, %dma_start3A_431] : memref<2x400x64xf32, #tpu.memory_space<vmem>> -> memref<1x50x64xf32, #tpu.memory_space<vmem>>
    %dma_start3A_433 = tpu.memref_squeeze %dma_start3A_432 : memref<1x50x64xf32, #tpu.memory_space<vmem>> -> memref<50x64xf32, #tpu.memory_space<vmem>>
    tpu.enqueue_dma source(%dma_start3A_433 : memref<50x64xf32, #tpu.memory_space<vmem>>) target(%dma_start3A_429 : memref<50x64xf32, #tpu.memory_space<hbm>>) target_semaphore(%dma_start3A_425 : memref<!tpu.dma_semaphore, #tpu.memory_space<semaphore_mem>>)
    %add3A_434 = arith.constant 504 : i32
    %add3A_435 = arith.addi %select_n3A, %add3A_434 : i32
    %add3A_436 = arith.constant 7 : i32
    %add3A_437 = arith.addi %add3A_435, %add3A_436 : i32
    %dma_start3A_438 = arith.constant 1 : i32
    %dma_start3A_439 = arith.constant 1 : i32
    %dma_start3A_440 = arith.constant 350 : i32
    %dma_start3A_441 = arith.constant 0 : i32
    %dma_start3A_442 = tpu.memref_slice %arg6[%dma_start3A_438, %dma_start3A_440, %dma_start3A_441] : memref<2x400x64xf32, #tpu.memory_space<vmem>> -> memref<1x50x64xf32, #tpu.memory_space<vmem>>
    %dma_start3A_443 = tpu.memref_squeeze %dma_start3A_442 : memref<1x50x64xf32, #tpu.memory_space<vmem>> -> memref<50x64xf32, #tpu.memory_space<vmem>>
    %dma_start3A_444 = arith.constant 0 : i32
    %dma_start3A_445 = arith.constant 0 : i32
    %dma_start3A_446 = tpu.memref_slice %arg4[%add3A_437, %dma_start3A_444, %dma_start3A_445] : memref<16384x50x64xf32, #tpu.memory_space<hbm>> -> memref<1x50x64xf32, #tpu.memory_space<hbm>>
    %dma_start3A_447 = tpu.memref_squeeze %dma_start3A_446 : memref<1x50x64xf32, #tpu.memory_space<hbm>> -> memref<50x64xf32, #tpu.memory_space<hbm>>
    %dma_start3A_448 = tpu.memref_slice %arg8[%dma_start3A_439] : memref<2x!tpu.dma_semaphore, #tpu.memory_space<semaphore_mem>> -> memref<1x!tpu.dma_semaphore, #tpu.memory_space<semaphore_mem>>
    %dma_start3A_449 = tpu.memref_squeeze %dma_start3A_448 : memref<1x!tpu.dma_semaphore, #tpu.memory_space<semaphore_mem>> -> memref<!tpu.dma_semaphore, #tpu.memory_space<semaphore_mem>>
    %dma_start3A_450 = arith.constant 0 : i32
    %dma_start3A_451 = arith.constant 0 : i32
    %dma_start3A_452 = tpu.memref_slice %arg4[%add3A_437, %dma_start3A_450, %dma_start3A_451] : memref<16384x50x64xf32, #tpu.memory_space<hbm>> -> memref<1x50x64xf32, #tpu.memory_space<hbm>>
    %dma_start3A_453 = tpu.memref_squeeze %dma_start3A_452 : memref<1x50x64xf32, #tpu.memory_space<hbm>> -> memref<50x64xf32, #tpu.memory_space<hbm>>
    %dma_start3A_454 = arith.constant 350 : i32
    %dma_start3A_455 = arith.constant 0 : i32
    %dma_start3A_456 = tpu.memref_slice %arg6[%dma_start3A_438, %dma_start3A_454, %dma_start3A_455] : memref<2x400x64xf32, #tpu.memory_space<vmem>> -> memref<1x50x64xf32, #tpu.memory_space<vmem>>
    %dma_start3A_457 = tpu.memref_squeeze %dma_start3A_456 : memref<1x50x64xf32, #tpu.memory_space<vmem>> -> memref<50x64xf32, #tpu.memory_space<vmem>>
    tpu.enqueue_dma source(%dma_start3A_457 : memref<50x64xf32, #tpu.memory_space<vmem>>) target(%dma_start3A_453 : memref<50x64xf32, #tpu.memory_space<hbm>>) target_semaphore(%dma_start3A_449 : memref<!tpu.dma_semaphore, #tpu.memory_space<semaphore_mem>>)
    %add3A_458 = arith.constant 496 : i32
    %add3A_459 = arith.addi %select_n3A, %add3A_458 : i32
    %add3A_460 = arith.constant 0 : i32
    %add3A_461 = arith.addi %add3A_459, %add3A_460 : i32
    %dma_wait3A_462 = arith.constant 0 : i32
    %dma_wait3A_463 = arith.constant 0 : i32
    %dma_wait3A_464 = arith.constant 0 : i32
    %dma_wait3A_465 = arith.constant 0 : i32
    %dma_wait3A_466 = tpu.memref_slice %arg6[%dma_wait3A_462, %dma_wait3A_464, %dma_wait3A_465] : memref<2x400x64xf32, #tpu.memory_space<vmem>> -> memref<1x50x64xf32, #tpu.memory_space<vmem>>
    %dma_wait3A_467 = tpu.memref_squeeze %dma_wait3A_466 : memref<1x50x64xf32, #tpu.memory_space<vmem>> -> memref<50x64xf32, #tpu.memory_space<vmem>>
    %dma_wait3A_468 = arith.constant 0 : i32
    %dma_wait3A_469 = arith.constant 0 : i32
    %dma_wait3A_470 = tpu.memref_slice %arg4[%add3A_461, %dma_wait3A_468, %dma_wait3A_469] : memref<16384x50x64xf32, #tpu.memory_space<hbm>> -> memref<1x50x64xf32, #tpu.memory_space<hbm>>
    %dma_wait3A_471 = tpu.memref_squeeze %dma_wait3A_470 : memref<1x50x64xf32, #tpu.memory_space<hbm>> -> memref<50x64xf32, #tpu.memory_space<hbm>>
    %dma_wait3A_472 = tpu.memref_slice %arg8[%dma_wait3A_463] : memref<2x!tpu.dma_semaphore, #tpu.memory_space<semaphore_mem>> -> memref<1x!tpu.dma_semaphore, #tpu.memory_space<semaphore_mem>>
    %dma_wait3A_473 = tpu.memref_squeeze %dma_wait3A_472 : memref<1x!tpu.dma_semaphore, #tpu.memory_space<semaphore_mem>> -> memref<!tpu.dma_semaphore, #tpu.memory_space<semaphore_mem>>
    %dma_wait3A_474 = arith.constant 0 : i32
    %dma_wait3A_475 = arith.constant 0 : i32
    %dma_wait3A_476 = tpu.memref_slice %arg4[%add3A_461, %dma_wait3A_474, %dma_wait3A_475] : memref<16384x50x64xf32, #tpu.memory_space<hbm>> -> memref<1x50x64xf32, #tpu.memory_space<hbm>>
    %dma_wait3A_477 = tpu.memref_squeeze %dma_wait3A_476 : memref<1x50x64xf32, #tpu.memory_space<hbm>> -> memref<50x64xf32, #tpu.memory_space<hbm>>
    %dma_wait3A_478 = arith.constant 0 : i32
    %dma_wait3A_479 = arith.constant 0 : i32
    %dma_wait3A_480 = tpu.memref_slice %arg6[%dma_wait3A_462, %dma_wait3A_478, %dma_wait3A_479] : memref<2x400x64xf32, #tpu.memory_space<vmem>> -> memref<1x50x64xf32, #tpu.memory_space<vmem>>
    %dma_wait3A_481 = tpu.memref_squeeze %dma_wait3A_480 : memref<1x50x64xf32, #tpu.memory_space<vmem>> -> memref<50x64xf32, #tpu.memory_space<vmem>>
    tpu.wait_dma2 semaphore(%dma_wait3A_473 : memref<!tpu.dma_semaphore, #tpu.memory_space<semaphore_mem>>) src(%dma_wait3A_481 : memref<50x64xf32, #tpu.memory_space<vmem>>) dst(%dma_wait3A_477 : memref<50x64xf32, #tpu.memory_space<hbm>>)
    %add3A_482 = arith.constant 496 : i32
    %add3A_483 = arith.addi %select_n3A, %add3A_482 : i32
    %add3A_484 = arith.constant 1 : i32
    %add3A_485 = arith.addi %add3A_483, %add3A_484 : i32
    %dma_wait3A_486 = arith.constant 0 : i32
    %dma_wait3A_487 = arith.constant 0 : i32
    %dma_wait3A_488 = arith.constant 50 : i32
    %dma_wait3A_489 = arith.constant 0 : i32
    %dma_wait3A_490 = tpu.memref_slice %arg6[%dma_wait3A_486, %dma_wait3A_488, %dma_wait3A_489] : memref<2x400x64xf32, #tpu.memory_space<vmem>> -> memref<1x50x64xf32, #tpu.memory_space<vmem>>
    %dma_wait3A_491 = tpu.memref_squeeze %dma_wait3A_490 : memref<1x50x64xf32, #tpu.memory_space<vmem>> -> memref<50x64xf32, #tpu.memory_space<vmem>>
    %dma_wait3A_492 = arith.constant 0 : i32
    %dma_wait3A_493 = arith.constant 0 : i32
    %dma_wait3A_494 = tpu.memref_slice %arg4[%add3A_485, %dma_wait3A_492, %dma_wait3A_493] : memref<16384x50x64xf32, #tpu.memory_space<hbm>> -> memref<1x50x64xf32, #tpu.memory_space<hbm>>
    %dma_wait3A_495 = tpu.memref_squeeze %dma_wait3A_494 : memref<1x50x64xf32, #tpu.memory_space<hbm>> -> memref<50x64xf32, #tpu.memory_space<hbm>>
    %dma_wait3A_496 = tpu.memref_slice %arg8[%dma_wait3A_487] : memref<2x!tpu.dma_semaphore, #tpu.memory_space<semaphore_mem>> -> memref<1x!tpu.dma_semaphore, #tpu.memory_space<semaphore_mem>>
    %dma_wait3A_497 = tpu.memref_squeeze %dma_wait3A_496 : memref<1x!tpu.dma_semaphore, #tpu.memory_space<semaphore_mem>> -> memref<!tpu.dma_semaphore, #tpu.memory_space<semaphore_mem>>
    %dma_wait3A_498 = arith.constant 0 : i32
    %dma_wait3A_499 = arith.constant 0 : i32
    %dma_wait3A_500 = tpu.memref_slice %arg4[%add3A_485, %dma_wait3A_498, %dma_wait3A_499] : memref<16384x50x64xf32, #tpu.memory_space<hbm>> -> memref<1x50x64xf32, #tpu.memory_space<hbm>>
    %dma_wait3A_501 = tpu.memref_squeeze %dma_wait3A_500 : memref<1x50x64xf32, #tpu.memory_space<hbm>> -> memref<50x64xf32, #tpu.memory_space<hbm>>
    %dma_wait3A_502 = arith.constant 50 : i32
    %dma_wait3A_503 = arith.constant 0 : i32
    %dma_wait3A_504 = tpu.memref_slice %arg6[%dma_wait3A_486, %dma_wait3A_502, %dma_wait3A_503] : memref<2x400x64xf32, #tpu.memory_space<vmem>> -> memref<1x50x64xf32, #tpu.memory_space<vmem>>
    %dma_wait3A_505 = tpu.memref_squeeze %dma_wait3A_504 : memref<1x50x64xf32, #tpu.memory_space<vmem>> -> memref<50x64xf32, #tpu.memory_space<vmem>>
    tpu.wait_dma2 semaphore(%dma_wait3A_497 : memref<!tpu.dma_semaphore, #tpu.memory_space<semaphore_mem>>) src(%dma_wait3A_505 : memref<50x64xf32, #tpu.memory_space<vmem>>) dst(%dma_wait3A_501 : memref<50x64xf32, #tpu.memory_space<hbm>>)
    %add3A_506 = arith.constant 496 : i32
    %add3A_507 = arith.addi %select_n3A, %add3A_506 : i32
    %add3A_508 = arith.constant 2 : i32
    %add3A_509 = arith.addi %add3A_507, %add3A_508 : i32
    %dma_wait3A_510 = arith.constant 0 : i32
    %dma_wait3A_511 = arith.constant 0 : i32
    %dma_wait3A_512 = arith.constant 100 : i32
    %dma_wait3A_513 = arith.constant 0 : i32
    %dma_wait3A_514 = tpu.memref_slice %arg6[%dma_wait3A_510, %dma_wait3A_512, %dma_wait3A_513] : memref<2x400x64xf32, #tpu.memory_space<vmem>> -> memref<1x50x64xf32, #tpu.memory_space<vmem>>
    %dma_wait3A_515 = tpu.memref_squeeze %dma_wait3A_514 : memref<1x50x64xf32, #tpu.memory_space<vmem>> -> memref<50x64xf32, #tpu.memory_space<vmem>>
    %dma_wait3A_516 = arith.constant 0 : i32
    %dma_wait3A_517 = arith.constant 0 : i32
    %dma_wait3A_518 = tpu.memref_slice %arg4[%add3A_509, %dma_wait3A_516, %dma_wait3A_517] : memref<16384x50x64xf32, #tpu.memory_space<hbm>> -> memref<1x50x64xf32, #tpu.memory_space<hbm>>
    %dma_wait3A_519 = tpu.memref_squeeze %dma_wait3A_518 : memref<1x50x64xf32, #tpu.memory_space<hbm>> -> memref<50x64xf32, #tpu.memory_space<hbm>>
    %dma_wait3A_520 = tpu.memref_slice %arg8[%dma_wait3A_511] : memref<2x!tpu.dma_semaphore, #tpu.memory_space<semaphore_mem>> -> memref<1x!tpu.dma_semaphore, #tpu.memory_space<semaphore_mem>>
    %dma_wait3A_521 = tpu.memref_squeeze %dma_wait3A_520 : memref<1x!tpu.dma_semaphore, #tpu.memory_space<semaphore_mem>> -> memref<!tpu.dma_semaphore, #tpu.memory_space<semaphore_mem>>
    %dma_wait3A_522 = arith.constant 0 : i32
    %dma_wait3A_523 = arith.constant 0 : i32
    %dma_wait3A_524 = tpu.memref_slice %arg4[%add3A_509, %dma_wait3A_522, %dma_wait3A_523] : memref<16384x50x64xf32, #tpu.memory_space<hbm>> -> memref<1x50x64xf32, #tpu.memory_space<hbm>>
    %dma_wait3A_525 = tpu.memref_squeeze %dma_wait3A_524 : memref<1x50x64xf32, #tpu.memory_space<hbm>> -> memref<50x64xf32, #tpu.memory_space<hbm>>
    %dma_wait3A_526 = arith.constant 100 : i32
    %dma_wait3A_527 = arith.constant 0 : i32
    %dma_wait3A_528 = tpu.memref_slice %arg6[%dma_wait3A_510, %dma_wait3A_526, %dma_wait3A_527] : memref<2x400x64xf32, #tpu.memory_space<vmem>> -> memref<1x50x64xf32, #tpu.memory_space<vmem>>
    %dma_wait3A_529 = tpu.memref_squeeze %dma_wait3A_528 : memref<1x50x64xf32, #tpu.memory_space<vmem>> -> memref<50x64xf32, #tpu.memory_space<vmem>>
    tpu.wait_dma2 semaphore(%dma_wait3A_521 : memref<!tpu.dma_semaphore, #tpu.memory_space<semaphore_mem>>) src(%dma_wait3A_529 : memref<50x64xf32, #tpu.memory_space<vmem>>) dst(%dma_wait3A_525 : memref<50x64xf32, #tpu.memory_space<hbm>>)
    %add3A_530 = arith.constant 496 : i32
    %add3A_531 = arith.addi %select_n3A, %add3A_530 : i32
    %add3A_532 = arith.constant 3 : i32
    %add3A_533 = arith.addi %add3A_531, %add3A_532 : i32
    %dma_wait3A_534 = arith.constant 0 : i32
    %dma_wait3A_535 = arith.constant 0 : i32
    %dma_wait3A_536 = arith.constant 150 : i32
    %dma_wait3A_537 = arith.constant 0 : i32
    %dma_wait3A_538 = tpu.memref_slice %arg6[%dma_wait3A_534, %dma_wait3A_536, %dma_wait3A_537] : memref<2x400x64xf32, #tpu.memory_space<vmem>> -> memref<1x50x64xf32, #tpu.memory_space<vmem>>
    %dma_wait3A_539 = tpu.memref_squeeze %dma_wait3A_538 : memref<1x50x64xf32, #tpu.memory_space<vmem>> -> memref<50x64xf32, #tpu.memory_space<vmem>>
    %dma_wait3A_540 = arith.constant 0 : i32
    %dma_wait3A_541 = arith.constant 0 : i32
    %dma_wait3A_542 = tpu.memref_slice %arg4[%add3A_533, %dma_wait3A_540, %dma_wait3A_541] : memref<16384x50x64xf32, #tpu.memory_space<hbm>> -> memref<1x50x64xf32, #tpu.memory_space<hbm>>
    %dma_wait3A_543 = tpu.memref_squeeze %dma_wait3A_542 : memref<1x50x64xf32, #tpu.memory_space<hbm>> -> memref<50x64xf32, #tpu.memory_space<hbm>>
    %dma_wait3A_544 = tpu.memref_slice %arg8[%dma_wait3A_535] : memref<2x!tpu.dma_semaphore, #tpu.memory_space<semaphore_mem>> -> memref<1x!tpu.dma_semaphore, #tpu.memory_space<semaphore_mem>>
    %dma_wait3A_545 = tpu.memref_squeeze %dma_wait3A_544 : memref<1x!tpu.dma_semaphore, #tpu.memory_space<semaphore_mem>> -> memref<!tpu.dma_semaphore, #tpu.memory_space<semaphore_mem>>
    %dma_wait3A_546 = arith.constant 0 : i32
    %dma_wait3A_547 = arith.constant 0 : i32
    %dma_wait3A_548 = tpu.memref_slice %arg4[%add3A_533, %dma_wait3A_546, %dma_wait3A_547] : memref<16384x50x64xf32, #tpu.memory_space<hbm>> -> memref<1x50x64xf32, #tpu.memory_space<hbm>>
    %dma_wait3A_549 = tpu.memref_squeeze %dma_wait3A_548 : memref<1x50x64xf32, #tpu.memory_space<hbm>> -> memref<50x64xf32, #tpu.memory_space<hbm>>
    %dma_wait3A_550 = arith.constant 150 : i32
    %dma_wait3A_551 = arith.constant 0 : i32
    %dma_wait3A_552 = tpu.memref_slice %arg6[%dma_wait3A_534, %dma_wait3A_550, %dma_wait3A_551] : memref<2x400x64xf32, #tpu.memory_space<vmem>> -> memref<1x50x64xf32, #tpu.memory_space<vmem>>
    %dma_wait3A_553 = tpu.memref_squeeze %dma_wait3A_552 : memref<1x50x64xf32, #tpu.memory_space<vmem>> -> memref<50x64xf32, #tpu.memory_space<vmem>>
    tpu.wait_dma2 semaphore(%dma_wait3A_545 : memref<!tpu.dma_semaphore, #tpu.memory_space<semaphore_mem>>) src(%dma_wait3A_553 : memref<50x64xf32, #tpu.memory_space<vmem>>) dst(%dma_wait3A_549 : memref<50x64xf32, #tpu.memory_space<hbm>>)
    %add3A_554 = arith.constant 496 : i32
    %add3A_555 = arith.addi %select_n3A, %add3A_554 : i32
    %add3A_556 = arith.constant 4 : i32
    %add3A_557 = arith.addi %add3A_555, %add3A_556 : i32
    %dma_wait3A_558 = arith.constant 0 : i32
    %dma_wait3A_559 = arith.constant 0 : i32
    %dma_wait3A_560 = arith.constant 200 : i32
    %dma_wait3A_561 = arith.constant 0 : i32
    %dma_wait3A_562 = tpu.memref_slice %arg6[%dma_wait3A_558, %dma_wait3A_560, %dma_wait3A_561] : memref<2x400x64xf32, #tpu.memory_space<vmem>> -> memref<1x50x64xf32, #tpu.memory_space<vmem>>
    %dma_wait3A_563 = tpu.memref_squeeze %dma_wait3A_562 : memref<1x50x64xf32, #tpu.memory_space<vmem>> -> memref<50x64xf32, #tpu.memory_space<vmem>>
    %dma_wait3A_564 = arith.constant 0 : i32
    %dma_wait3A_565 = arith.constant 0 : i32
    %dma_wait3A_566 = tpu.memref_slice %arg4[%add3A_557, %dma_wait3A_564, %dma_wait3A_565] : memref<16384x50x64xf32, #tpu.memory_space<hbm>> -> memref<1x50x64xf32, #tpu.memory_space<hbm>>
    %dma_wait3A_567 = tpu.memref_squeeze %dma_wait3A_566 : memref<1x50x64xf32, #tpu.memory_space<hbm>> -> memref<50x64xf32, #tpu.memory_space<hbm>>
    %dma_wait3A_568 = tpu.memref_slice %arg8[%dma_wait3A_559] : memref<2x!tpu.dma_semaphore, #tpu.memory_space<semaphore_mem>> -> memref<1x!tpu.dma_semaphore, #tpu.memory_space<semaphore_mem>>
    %dma_wait3A_569 = tpu.memref_squeeze %dma_wait3A_568 : memref<1x!tpu.dma_semaphore, #tpu.memory_space<semaphore_mem>> -> memref<!tpu.dma_semaphore, #tpu.memory_space<semaphore_mem>>
    %dma_wait3A_570 = arith.constant 0 : i32
    %dma_wait3A_571 = arith.constant 0 : i32
    %dma_wait3A_572 = tpu.memref_slice %arg4[%add3A_557, %dma_wait3A_570, %dma_wait3A_571] : memref<16384x50x64xf32, #tpu.memory_space<hbm>> -> memref<1x50x64xf32, #tpu.memory_space<hbm>>
    %dma_wait3A_573 = tpu.memref_squeeze %dma_wait3A_572 : memref<1x50x64xf32, #tpu.memory_space<hbm>> -> memref<50x64xf32, #tpu.memory_space<hbm>>
    %dma_wait3A_574 = arith.constant 200 : i32
    %dma_wait3A_575 = arith.constant 0 : i32
    %dma_wait3A_576 = tpu.memref_slice %arg6[%dma_wait3A_558, %dma_wait3A_574, %dma_wait3A_575] : memref<2x400x64xf32, #tpu.memory_space<vmem>> -> memref<1x50x64xf32, #tpu.memory_space<vmem>>
    %dma_wait3A_577 = tpu.memref_squeeze %dma_wait3A_576 : memref<1x50x64xf32, #tpu.memory_space<vmem>> -> memref<50x64xf32, #tpu.memory_space<vmem>>
    tpu.wait_dma2 semaphore(%dma_wait3A_569 : memref<!tpu.dma_semaphore, #tpu.memory_space<semaphore_mem>>) src(%dma_wait3A_577 : memref<50x64xf32, #tpu.memory_space<vmem>>) dst(%dma_wait3A_573 : memref<50x64xf32, #tpu.memory_space<hbm>>)
    %add3A_578 = arith.constant 496 : i32
    %add3A_579 = arith.addi %select_n3A, %add3A_578 : i32
    %add3A_580 = arith.constant 5 : i32
    %add3A_581 = arith.addi %add3A_579, %add3A_580 : i32
    %dma_wait3A_582 = arith.constant 0 : i32
    %dma_wait3A_583 = arith.constant 0 : i32
    %dma_wait3A_584 = arith.constant 250 : i32
    %dma_wait3A_585 = arith.constant 0 : i32
    %dma_wait3A_586 = tpu.memref_slice %arg6[%dma_wait3A_582, %dma_wait3A_584, %dma_wait3A_585] : memref<2x400x64xf32, #tpu.memory_space<vmem>> -> memref<1x50x64xf32, #tpu.memory_space<vmem>>
    %dma_wait3A_587 = tpu.memref_squeeze %dma_wait3A_586 : memref<1x50x64xf32, #tpu.memory_space<vmem>> -> memref<50x64xf32, #tpu.memory_space<vmem>>
    %dma_wait3A_588 = arith.constant 0 : i32
    %dma_wait3A_589 = arith.constant 0 : i32
    %dma_wait3A_590 = tpu.memref_slice %arg4[%add3A_581, %dma_wait3A_588, %dma_wait3A_589] : memref<16384x50x64xf32, #tpu.memory_space<hbm>> -> memref<1x50x64xf32, #tpu.memory_space<hbm>>
    %dma_wait3A_591 = tpu.memref_squeeze %dma_wait3A_590 : memref<1x50x64xf32, #tpu.memory_space<hbm>> -> memref<50x64xf32, #tpu.memory_space<hbm>>
    %dma_wait3A_592 = tpu.memref_slice %arg8[%dma_wait3A_583] : memref<2x!tpu.dma_semaphore, #tpu.memory_space<semaphore_mem>> -> memref<1x!tpu.dma_semaphore, #tpu.memory_space<semaphore_mem>>
    %dma_wait3A_593 = tpu.memref_squeeze %dma_wait3A_592 : memref<1x!tpu.dma_semaphore, #tpu.memory_space<semaphore_mem>> -> memref<!tpu.dma_semaphore, #tpu.memory_space<semaphore_mem>>
    %dma_wait3A_594 = arith.constant 0 : i32
    %dma_wait3A_595 = arith.constant 0 : i32
    %dma_wait3A_596 = tpu.memref_slice %arg4[%add3A_581, %dma_wait3A_594, %dma_wait3A_595] : memref<16384x50x64xf32, #tpu.memory_space<hbm>> -> memref<1x50x64xf32, #tpu.memory_space<hbm>>
    %dma_wait3A_597 = tpu.memref_squeeze %dma_wait3A_596 : memref<1x50x64xf32, #tpu.memory_space<hbm>> -> memref<50x64xf32, #tpu.memory_space<hbm>>
    %dma_wait3A_598 = arith.constant 250 : i32
    %dma_wait3A_599 = arith.constant 0 : i32
    %dma_wait3A_600 = tpu.memref_slice %arg6[%dma_wait3A_582, %dma_wait3A_598, %dma_wait3A_599] : memref<2x400x64xf32, #tpu.memory_space<vmem>> -> memref<1x50x64xf32, #tpu.memory_space<vmem>>
    %dma_wait3A_601 = tpu.memref_squeeze %dma_wait3A_600 : memref<1x50x64xf32, #tpu.memory_space<vmem>> -> memref<50x64xf32, #tpu.memory_space<vmem>>
    tpu.wait_dma2 semaphore(%dma_wait3A_593 : memref<!tpu.dma_semaphore, #tpu.memory_space<semaphore_mem>>) src(%dma_wait3A_601 : memref<50x64xf32, #tpu.memory_space<vmem>>) dst(%dma_wait3A_597 : memref<50x64xf32, #tpu.memory_space<hbm>>)
    %add3A_602 = arith.constant 496 : i32
    %add3A_603 = arith.addi %select_n3A, %add3A_602 : i32
    %add3A_604 = arith.constant 6 : i32
    %add3A_605 = arith.addi %add3A_603, %add3A_604 : i32
    %dma_wait3A_606 = arith.constant 0 : i32
    %dma_wait3A_607 = arith.constant 0 : i32
    %dma_wait3A_608 = arith.constant 300 : i32
    %dma_wait3A_609 = arith.constant 0 : i32
    %dma_wait3A_610 = tpu.memref_slice %arg6[%dma_wait3A_606, %dma_wait3A_608, %dma_wait3A_609] : memref<2x400x64xf32, #tpu.memory_space<vmem>> -> memref<1x50x64xf32, #tpu.memory_space<vmem>>
    %dma_wait3A_611 = tpu.memref_squeeze %dma_wait3A_610 : memref<1x50x64xf32, #tpu.memory_space<vmem>> -> memref<50x64xf32, #tpu.memory_space<vmem>>
    %dma_wait3A_612 = arith.constant 0 : i32
    %dma_wait3A_613 = arith.constant 0 : i32
    %dma_wait3A_614 = tpu.memref_slice %arg4[%add3A_605, %dma_wait3A_612, %dma_wait3A_613] : memref<16384x50x64xf32, #tpu.memory_space<hbm>> -> memref<1x50x64xf32, #tpu.memory_space<hbm>>
    %dma_wait3A_615 = tpu.memref_squeeze %dma_wait3A_614 : memref<1x50x64xf32, #tpu.memory_space<hbm>> -> memref<50x64xf32, #tpu.memory_space<hbm>>
    %dma_wait3A_616 = tpu.memref_slice %arg8[%dma_wait3A_607] : memref<2x!tpu.dma_semaphore, #tpu.memory_space<semaphore_mem>> -> memref<1x!tpu.dma_semaphore, #tpu.memory_space<semaphore_mem>>
    %dma_wait3A_617 = tpu.memref_squeeze %dma_wait3A_616 : memref<1x!tpu.dma_semaphore, #tpu.memory_space<semaphore_mem>> -> memref<!tpu.dma_semaphore, #tpu.memory_space<semaphore_mem>>
    %dma_wait3A_618 = arith.constant 0 : i32
    %dma_wait3A_619 = arith.constant 0 : i32
    %dma_wait3A_620 = tpu.memref_slice %arg4[%add3A_605, %dma_wait3A_618, %dma_wait3A_619] : memref<16384x50x64xf32, #tpu.memory_space<hbm>> -> memref<1x50x64xf32, #tpu.memory_space<hbm>>
    %dma_wait3A_621 = tpu.memref_squeeze %dma_wait3A_620 : memref<1x50x64xf32, #tpu.memory_space<hbm>> -> memref<50x64xf32, #tpu.memory_space<hbm>>
    %dma_wait3A_622 = arith.constant 300 : i32
    %dma_wait3A_623 = arith.constant 0 : i32
    %dma_wait3A_624 = tpu.memref_slice %arg6[%dma_wait3A_606, %dma_wait3A_622, %dma_wait3A_623] : memref<2x400x64xf32, #tpu.memory_space<vmem>> -> memref<1x50x64xf32, #tpu.memory_space<vmem>>
    %dma_wait3A_625 = tpu.memref_squeeze %dma_wait3A_624 : memref<1x50x64xf32, #tpu.memory_space<vmem>> -> memref<50x64xf32, #tpu.memory_space<vmem>>
    tpu.wait_dma2 semaphore(%dma_wait3A_617 : memref<!tpu.dma_semaphore, #tpu.memory_space<semaphore_mem>>) src(%dma_wait3A_625 : memref<50x64xf32, #tpu.memory_space<vmem>>) dst(%dma_wait3A_621 : memref<50x64xf32, #tpu.memory_space<hbm>>)
    %add3A_626 = arith.constant 496 : i32
    %add3A_627 = arith.addi %select_n3A, %add3A_626 : i32
    %add3A_628 = arith.constant 7 : i32
    %add3A_629 = arith.addi %add3A_627, %add3A_628 : i32
    %dma_wait3A_630 = arith.constant 0 : i32
    %dma_wait3A_631 = arith.constant 0 : i32
    %dma_wait3A_632 = arith.constant 350 : i32
    %dma_wait3A_633 = arith.constant 0 : i32
    %dma_wait3A_634 = tpu.memref_slice %arg6[%dma_wait3A_630, %dma_wait3A_632, %dma_wait3A_633] : memref<2x400x64xf32, #tpu.memory_space<vmem>> -> memref<1x50x64xf32, #tpu.memory_space<vmem>>
    %dma_wait3A_635 = tpu.memref_squeeze %dma_wait3A_634 : memref<1x50x64xf32, #tpu.memory_space<vmem>> -> memref<50x64xf32, #tpu.memory_space<vmem>>
    %dma_wait3A_636 = arith.constant 0 : i32
    %dma_wait3A_637 = arith.constant 0 : i32
    %dma_wait3A_638 = tpu.memref_slice %arg4[%add3A_629, %dma_wait3A_636, %dma_wait3A_637] : memref<16384x50x64xf32, #tpu.memory_space<hbm>> -> memref<1x50x64xf32, #tpu.memory_space<hbm>>
    %dma_wait3A_639 = tpu.memref_squeeze %dma_wait3A_638 : memref<1x50x64xf32, #tpu.memory_space<hbm>> -> memref<50x64xf32, #tpu.memory_space<hbm>>
    %dma_wait3A_640 = tpu.memref_slice %arg8[%dma_wait3A_631] : memref<2x!tpu.dma_semaphore, #tpu.memory_space<semaphore_mem>> -> memref<1x!tpu.dma_semaphore, #tpu.memory_space<semaphore_mem>>
    %dma_wait3A_641 = tpu.memref_squeeze %dma_wait3A_640 : memref<1x!tpu.dma_semaphore, #tpu.memory_space<semaphore_mem>> -> memref<!tpu.dma_semaphore, #tpu.memory_space<semaphore_mem>>
    %dma_wait3A_642 = arith.constant 0 : i32
    %dma_wait3A_643 = arith.constant 0 : i32
    %dma_wait3A_644 = tpu.memref_slice %arg4[%add3A_629, %dma_wait3A_642, %dma_wait3A_643] : memref<16384x50x64xf32, #tpu.memory_space<hbm>> -> memref<1x50x64xf32, #tpu.memory_space<hbm>>
    %dma_wait3A_645 = tpu.memref_squeeze %dma_wait3A_644 : memref<1x50x64xf32, #tpu.memory_space<hbm>> -> memref<50x64xf32, #tpu.memory_space<hbm>>
    %dma_wait3A_646 = arith.constant 350 : i32
    %dma_wait3A_647 = arith.constant 0 : i32
    %dma_wait3A_648 = tpu.memref_slice %arg6[%dma_wait3A_630, %dma_wait3A_646, %dma_wait3A_647] : memref<2x400x64xf32, #tpu.memory_space<vmem>> -> memref<1x50x64xf32, #tpu.memory_space<vmem>>
    %dma_wait3A_649 = tpu.memref_squeeze %dma_wait3A_648 : memref<1x50x64xf32, #tpu.memory_space<vmem>> -> memref<50x64xf32, #tpu.memory_space<vmem>>
    tpu.wait_dma2 semaphore(%dma_wait3A_641 : memref<!tpu.dma_semaphore, #tpu.memory_space<semaphore_mem>>) src(%dma_wait3A_649 : memref<50x64xf32, #tpu.memory_space<vmem>>) dst(%dma_wait3A_645 : memref<50x64xf32, #tpu.memory_space<hbm>>)
    %add3A_650 = arith.constant 504 : i32
    %add3A_651 = arith.addi %select_n3A, %add3A_650 : i32
    %add3A_652 = arith.constant 0 : i32
    %add3A_653 = arith.addi %add3A_651, %add3A_652 : i32
    %dma_wait3A_654 = arith.constant 1 : i32
    %dma_wait3A_655 = arith.constant 1 : i32
    %dma_wait3A_656 = arith.constant 0 : i32
    %dma_wait3A_657 = arith.constant 0 : i32
    %dma_wait3A_658 = tpu.memref_slice %arg6[%dma_wait3A_654, %dma_wait3A_656, %dma_wait3A_657] : memref<2x400x64xf32, #tpu.memory_space<vmem>> -> memref<1x50x64xf32, #tpu.memory_space<vmem>>
    %dma_wait3A_659 = tpu.memref_squeeze %dma_wait3A_658 : memref<1x50x64xf32, #tpu.memory_space<vmem>> -> memref<50x64xf32, #tpu.memory_space<vmem>>
    %dma_wait3A_660 = arith.constant 0 : i32
    %dma_wait3A_661 = arith.constant 0 : i32
    %dma_wait3A_662 = tpu.memref_slice %arg4[%add3A_653, %dma_wait3A_660, %dma_wait3A_661] : memref<16384x50x64xf32, #tpu.memory_space<hbm>> -> memref<1x50x64xf32, #tpu.memory_space<hbm>>
    %dma_wait3A_663 = tpu.memref_squeeze %dma_wait3A_662 : memref<1x50x64xf32, #tpu.memory_space<hbm>> -> memref<50x64xf32, #tpu.memory_space<hbm>>
    %dma_wait3A_664 = tpu.memref_slice %arg8[%dma_wait3A_655] : memref<2x!tpu.dma_semaphore, #tpu.memory_space<semaphore_mem>> -> memref<1x!tpu.dma_semaphore, #tpu.memory_space<semaphore_mem>>
    %dma_wait3A_665 = tpu.memref_squeeze %dma_wait3A_664 : memref<1x!tpu.dma_semaphore, #tpu.memory_space<semaphore_mem>> -> memref<!tpu.dma_semaphore, #tpu.memory_space<semaphore_mem>>
    %dma_wait3A_666 = arith.constant 0 : i32
    %dma_wait3A_667 = arith.constant 0 : i32
    %dma_wait3A_668 = tpu.memref_slice %arg4[%add3A_653, %dma_wait3A_666, %dma_wait3A_667] : memref<16384x50x64xf32, #tpu.memory_space<hbm>> -> memref<1x50x64xf32, #tpu.memory_space<hbm>>
    %dma_wait3A_669 = tpu.memref_squeeze %dma_wait3A_668 : memref<1x50x64xf32, #tpu.memory_space<hbm>> -> memref<50x64xf32, #tpu.memory_space<hbm>>
    %dma_wait3A_670 = arith.constant 0 : i32
    %dma_wait3A_671 = arith.constant 0 : i32
    %dma_wait3A_672 = tpu.memref_slice %arg6[%dma_wait3A_654, %dma_wait3A_670, %dma_wait3A_671] : memref<2x400x64xf32, #tpu.memory_space<vmem>> -> memref<1x50x64xf32, #tpu.memory_space<vmem>>
    %dma_wait3A_673 = tpu.memref_squeeze %dma_wait3A_672 : memref<1x50x64xf32, #tpu.memory_space<vmem>> -> memref<50x64xf32, #tpu.memory_space<vmem>>
    tpu.wait_dma2 semaphore(%dma_wait3A_665 : memref<!tpu.dma_semaphore, #tpu.memory_space<semaphore_mem>>) src(%dma_wait3A_673 : memref<50x64xf32, #tpu.memory_space<vmem>>) dst(%dma_wait3A_669 : memref<50x64xf32, #tpu.memory_space<hbm>>)
    %add3A_674 = arith.constant 504 : i32
    %add3A_675 = arith.addi %select_n3A, %add3A_674 : i32
    %add3A_676 = arith.constant 1 : i32
    %add3A_677 = arith.addi %add3A_675, %add3A_676 : i32
    %dma_wait3A_678 = arith.constant 1 : i32
    %dma_wait3A_679 = arith.constant 1 : i32
    %dma_wait3A_680 = arith.constant 50 : i32
    %dma_wait3A_681 = arith.constant 0 : i32
    %dma_wait3A_682 = tpu.memref_slice %arg6[%dma_wait3A_678, %dma_wait3A_680, %dma_wait3A_681] : memref<2x400x64xf32, #tpu.memory_space<vmem>> -> memref<1x50x64xf32, #tpu.memory_space<vmem>>
    %dma_wait3A_683 = tpu.memref_squeeze %dma_wait3A_682 : memref<1x50x64xf32, #tpu.memory_space<vmem>> -> memref<50x64xf32, #tpu.memory_space<vmem>>
    %dma_wait3A_684 = arith.constant 0 : i32
    %dma_wait3A_685 = arith.constant 0 : i32
    %dma_wait3A_686 = tpu.memref_slice %arg4[%add3A_677, %dma_wait3A_684, %dma_wait3A_685] : memref<16384x50x64xf32, #tpu.memory_space<hbm>> -> memref<1x50x64xf32, #tpu.memory_space<hbm>>
    %dma_wait3A_687 = tpu.memref_squeeze %dma_wait3A_686 : memref<1x50x64xf32, #tpu.memory_space<hbm>> -> memref<50x64xf32, #tpu.memory_space<hbm>>
    %dma_wait3A_688 = tpu.memref_slice %arg8[%dma_wait3A_679] : memref<2x!tpu.dma_semaphore, #tpu.memory_space<semaphore_mem>> -> memref<1x!tpu.dma_semaphore, #tpu.memory_space<semaphore_mem>>
    %dma_wait3A_689 = tpu.memref_squeeze %dma_wait3A_688 : memref<1x!tpu.dma_semaphore, #tpu.memory_space<semaphore_mem>> -> memref<!tpu.dma_semaphore, #tpu.memory_space<semaphore_mem>>
    %dma_wait3A_690 = arith.constant 0 : i32
    %dma_wait3A_691 = arith.constant 0 : i32
    %dma_wait3A_692 = tpu.memref_slice %arg4[%add3A_677, %dma_wait3A_690, %dma_wait3A_691] : memref<16384x50x64xf32, #tpu.memory_space<hbm>> -> memref<1x50x64xf32, #tpu.memory_space<hbm>>
    %dma_wait3A_693 = tpu.memref_squeeze %dma_wait3A_692 : memref<1x50x64xf32, #tpu.memory_space<hbm>> -> memref<50x64xf32, #tpu.memory_space<hbm>>
    %dma_wait3A_694 = arith.constant 50 : i32
    %dma_wait3A_695 = arith.constant 0 : i32
    %dma_wait3A_696 = tpu.memref_slice %arg6[%dma_wait3A_678, %dma_wait3A_694, %dma_wait3A_695] : memref<2x400x64xf32, #tpu.memory_space<vmem>> -> memref<1x50x64xf32, #tpu.memory_space<vmem>>
    %dma_wait3A_697 = tpu.memref_squeeze %dma_wait3A_696 : memref<1x50x64xf32, #tpu.memory_space<vmem>> -> memref<50x64xf32, #tpu.memory_space<vmem>>
    tpu.wait_dma2 semaphore(%dma_wait3A_689 : memref<!tpu.dma_semaphore, #tpu.memory_space<semaphore_mem>>) src(%dma_wait3A_697 : memref<50x64xf32, #tpu.memory_space<vmem>>) dst(%dma_wait3A_693 : memref<50x64xf32, #tpu.memory_space<hbm>>)
    %add3A_698 = arith.constant 504 : i32
    %add3A_699 = arith.addi %select_n3A, %add3A_698 : i32
    %add3A_700 = arith.constant 2 : i32
    %add3A_701 = arith.addi %add3A_699, %add3A_700 : i32
    %dma_wait3A_702 = arith.constant 1 : i32
    %dma_wait3A_703 = arith.constant 1 : i32
    %dma_wait3A_704 = arith.constant 100 : i32
    %dma_wait3A_705 = arith.constant 0 : i32
    %dma_wait3A_706 = tpu.memref_slice %arg6[%dma_wait3A_702, %dma_wait3A_704, %dma_wait3A_705] : memref<2x400x64xf32, #tpu.memory_space<vmem>> -> memref<1x50x64xf32, #tpu.memory_space<vmem>>
    %dma_wait3A_707 = tpu.memref_squeeze %dma_wait3A_706 : memref<1x50x64xf32, #tpu.memory_space<vmem>> -> memref<50x64xf32, #tpu.memory_space<vmem>>
    %dma_wait3A_708 = arith.constant 0 : i32
    %dma_wait3A_709 = arith.constant 0 : i32
    %dma_wait3A_710 = tpu.memref_slice %arg4[%add3A_701, %dma_wait3A_708, %dma_wait3A_709] : memref<16384x50x64xf32, #tpu.memory_space<hbm>> -> memref<1x50x64xf32, #tpu.memory_space<hbm>>
    %dma_wait3A_711 = tpu.memref_squeeze %dma_wait3A_710 : memref<1x50x64xf32, #tpu.memory_space<hbm>> -> memref<50x64xf32, #tpu.memory_space<hbm>>
    %dma_wait3A_712 = tpu.memref_slice %arg8[%dma_wait3A_703] : memref<2x!tpu.dma_semaphore, #tpu.memory_space<semaphore_mem>> -> memref<1x!tpu.dma_semaphore, #tpu.memory_space<semaphore_mem>>
    %dma_wait3A_713 = tpu.memref_squeeze %dma_wait3A_712 : memref<1x!tpu.dma_semaphore, #tpu.memory_space<semaphore_mem>> -> memref<!tpu.dma_semaphore, #tpu.memory_space<semaphore_mem>>
    %dma_wait3A_714 = arith.constant 0 : i32
    %dma_wait3A_715 = arith.constant 0 : i32
    %dma_wait3A_716 = tpu.memref_slice %arg4[%add3A_701, %dma_wait3A_714, %dma_wait3A_715] : memref<16384x50x64xf32, #tpu.memory_space<hbm>> -> memref<1x50x64xf32, #tpu.memory_space<hbm>>
    %dma_wait3A_717 = tpu.memref_squeeze %dma_wait3A_716 : memref<1x50x64xf32, #tpu.memory_space<hbm>> -> memref<50x64xf32, #tpu.memory_space<hbm>>
    %dma_wait3A_718 = arith.constant 100 : i32
    %dma_wait3A_719 = arith.constant 0 : i32
    %dma_wait3A_720 = tpu.memref_slice %arg6[%dma_wait3A_702, %dma_wait3A_718, %dma_wait3A_719] : memref<2x400x64xf32, #tpu.memory_space<vmem>> -> memref<1x50x64xf32, #tpu.memory_space<vmem>>
    %dma_wait3A_721 = tpu.memref_squeeze %dma_wait3A_720 : memref<1x50x64xf32, #tpu.memory_space<vmem>> -> memref<50x64xf32, #tpu.memory_space<vmem>>
    tpu.wait_dma2 semaphore(%dma_wait3A_713 : memref<!tpu.dma_semaphore, #tpu.memory_space<semaphore_mem>>) src(%dma_wait3A_721 : memref<50x64xf32, #tpu.memory_space<vmem>>) dst(%dma_wait3A_717 : memref<50x64xf32, #tpu.memory_space<hbm>>)
    %add3A_722 = arith.constant 504 : i32
    %add3A_723 = arith.addi %select_n3A, %add3A_722 : i32
    %add3A_724 = arith.constant 3 : i32
    %add3A_725 = arith.addi %add3A_723, %add3A_724 : i32
    %dma_wait3A_726 = arith.constant 1 : i32
    %dma_wait3A_727 = arith.constant 1 : i32
    %dma_wait3A_728 = arith.constant 150 : i32
    %dma_wait3A_729 = arith.constant 0 : i32
    %dma_wait3A_730 = tpu.memref_slice %arg6[%dma_wait3A_726, %dma_wait3A_728, %dma_wait3A_729] : memref<2x400x64xf32, #tpu.memory_space<vmem>> -> memref<1x50x64xf32, #tpu.memory_space<vmem>>
    %dma_wait3A_731 = tpu.memref_squeeze %dma_wait3A_730 : memref<1x50x64xf32, #tpu.memory_space<vmem>> -> memref<50x64xf32, #tpu.memory_space<vmem>>
    %dma_wait3A_732 = arith.constant 0 : i32
    %dma_wait3A_733 = arith.constant 0 : i32
    %dma_wait3A_734 = tpu.memref_slice %arg4[%add3A_725, %dma_wait3A_732, %dma_wait3A_733] : memref<16384x50x64xf32, #tpu.memory_space<hbm>> -> memref<1x50x64xf32, #tpu.memory_space<hbm>>
    %dma_wait3A_735 = tpu.memref_squeeze %dma_wait3A_734 : memref<1x50x64xf32, #tpu.memory_space<hbm>> -> memref<50x64xf32, #tpu.memory_space<hbm>>
    %dma_wait3A_736 = tpu.memref_slice %arg8[%dma_wait3A_727] : memref<2x!tpu.dma_semaphore, #tpu.memory_space<semaphore_mem>> -> memref<1x!tpu.dma_semaphore, #tpu.memory_space<semaphore_mem>>
    %dma_wait3A_737 = tpu.memref_squeeze %dma_wait3A_736 : memref<1x!tpu.dma_semaphore, #tpu.memory_space<semaphore_mem>> -> memref<!tpu.dma_semaphore, #tpu.memory_space<semaphore_mem>>
    %dma_wait3A_738 = arith.constant 0 : i32
    %dma_wait3A_739 = arith.constant 0 : i32
    %dma_wait3A_740 = tpu.memref_slice %arg4[%add3A_725, %dma_wait3A_738, %dma_wait3A_739] : memref<16384x50x64xf32, #tpu.memory_space<hbm>> -> memref<1x50x64xf32, #tpu.memory_space<hbm>>
    %dma_wait3A_741 = tpu.memref_squeeze %dma_wait3A_740 : memref<1x50x64xf32, #tpu.memory_space<hbm>> -> memref<50x64xf32, #tpu.memory_space<hbm>>
    %dma_wait3A_742 = arith.constant 150 : i32
    %dma_wait3A_743 = arith.constant 0 : i32
    %dma_wait3A_744 = tpu.memref_slice %arg6[%dma_wait3A_726, %dma_wait3A_742, %dma_wait3A_743] : memref<2x400x64xf32, #tpu.memory_space<vmem>> -> memref<1x50x64xf32, #tpu.memory_space<vmem>>
    %dma_wait3A_745 = tpu.memref_squeeze %dma_wait3A_744 : memref<1x50x64xf32, #tpu.memory_space<vmem>> -> memref<50x64xf32, #tpu.memory_space<vmem>>
    tpu.wait_dma2 semaphore(%dma_wait3A_737 : memref<!tpu.dma_semaphore, #tpu.memory_space<semaphore_mem>>) src(%dma_wait3A_745 : memref<50x64xf32, #tpu.memory_space<vmem>>) dst(%dma_wait3A_741 : memref<50x64xf32, #tpu.memory_space<hbm>>)
    %add3A_746 = arith.constant 504 : i32
    %add3A_747 = arith.addi %select_n3A, %add3A_746 : i32
    %add3A_748 = arith.constant 4 : i32
    %add3A_749 = arith.addi %add3A_747, %add3A_748 : i32
    %dma_wait3A_750 = arith.constant 1 : i32
    %dma_wait3A_751 = arith.constant 1 : i32
    %dma_wait3A_752 = arith.constant 200 : i32
    %dma_wait3A_753 = arith.constant 0 : i32
    %dma_wait3A_754 = tpu.memref_slice %arg6[%dma_wait3A_750, %dma_wait3A_752, %dma_wait3A_753] : memref<2x400x64xf32, #tpu.memory_space<vmem>> -> memref<1x50x64xf32, #tpu.memory_space<vmem>>
    %dma_wait3A_755 = tpu.memref_squeeze %dma_wait3A_754 : memref<1x50x64xf32, #tpu.memory_space<vmem>> -> memref<50x64xf32, #tpu.memory_space<vmem>>
    %dma_wait3A_756 = arith.constant 0 : i32
    %dma_wait3A_757 = arith.constant 0 : i32
    %dma_wait3A_758 = tpu.memref_slice %arg4[%add3A_749, %dma_wait3A_756, %dma_wait3A_757] : memref<16384x50x64xf32, #tpu.memory_space<hbm>> -> memref<1x50x64xf32, #tpu.memory_space<hbm>>
    %dma_wait3A_759 = tpu.memref_squeeze %dma_wait3A_758 : memref<1x50x64xf32, #tpu.memory_space<hbm>> -> memref<50x64xf32, #tpu.memory_space<hbm>>
    %dma_wait3A_760 = tpu.memref_slice %arg8[%dma_wait3A_751] : memref<2x!tpu.dma_semaphore, #tpu.memory_space<semaphore_mem>> -> memref<1x!tpu.dma_semaphore, #tpu.memory_space<semaphore_mem>>
    %dma_wait3A_761 = tpu.memref_squeeze %dma_wait3A_760 : memref<1x!tpu.dma_semaphore, #tpu.memory_space<semaphore_mem>> -> memref<!tpu.dma_semaphore, #tpu.memory_space<semaphore_mem>>
    %dma_wait3A_762 = arith.constant 0 : i32
    %dma_wait3A_763 = arith.constant 0 : i32
    %dma_wait3A_764 = tpu.memref_slice %arg4[%add3A_749, %dma_wait3A_762, %dma_wait3A_763] : memref<16384x50x64xf32, #tpu.memory_space<hbm>> -> memref<1x50x64xf32, #tpu.memory_space<hbm>>
    %dma_wait3A_765 = tpu.memref_squeeze %dma_wait3A_764 : memref<1x50x64xf32, #tpu.memory_space<hbm>> -> memref<50x64xf32, #tpu.memory_space<hbm>>
    %dma_wait3A_766 = arith.constant 200 : i32
    %dma_wait3A_767 = arith.constant 0 : i32
    %dma_wait3A_768 = tpu.memref_slice %arg6[%dma_wait3A_750, %dma_wait3A_766, %dma_wait3A_767] : memref<2x400x64xf32, #tpu.memory_space<vmem>> -> memref<1x50x64xf32, #tpu.memory_space<vmem>>
    %dma_wait3A_769 = tpu.memref_squeeze %dma_wait3A_768 : memref<1x50x64xf32, #tpu.memory_space<vmem>> -> memref<50x64xf32, #tpu.memory_space<vmem>>
    tpu.wait_dma2 semaphore(%dma_wait3A_761 : memref<!tpu.dma_semaphore, #tpu.memory_space<semaphore_mem>>) src(%dma_wait3A_769 : memref<50x64xf32, #tpu.memory_space<vmem>>) dst(%dma_wait3A_765 : memref<50x64xf32, #tpu.memory_space<hbm>>)
    %add3A_770 = arith.constant 504 : i32
    %add3A_771 = arith.addi %select_n3A, %add3A_770 : i32
    %add3A_772 = arith.constant 5 : i32
    %add3A_773 = arith.addi %add3A_771, %add3A_772 : i32
    %dma_wait3A_774 = arith.constant 1 : i32
    %dma_wait3A_775 = arith.constant 1 : i32
    %dma_wait3A_776 = arith.constant 250 : i32
    %dma_wait3A_777 = arith.constant 0 : i32
    %dma_wait3A_778 = tpu.memref_slice %arg6[%dma_wait3A_774, %dma_wait3A_776, %dma_wait3A_777] : memref<2x400x64xf32, #tpu.memory_space<vmem>> -> memref<1x50x64xf32, #tpu.memory_space<vmem>>
    %dma_wait3A_779 = tpu.memref_squeeze %dma_wait3A_778 : memref<1x50x64xf32, #tpu.memory_space<vmem>> -> memref<50x64xf32, #tpu.memory_space<vmem>>
    %dma_wait3A_780 = arith.constant 0 : i32
    %dma_wait3A_781 = arith.constant 0 : i32
    %dma_wait3A_782 = tpu.memref_slice %arg4[%add3A_773, %dma_wait3A_780, %dma_wait3A_781] : memref<16384x50x64xf32, #tpu.memory_space<hbm>> -> memref<1x50x64xf32, #tpu.memory_space<hbm>>
    %dma_wait3A_783 = tpu.memref_squeeze %dma_wait3A_782 : memref<1x50x64xf32, #tpu.memory_space<hbm>> -> memref<50x64xf32, #tpu.memory_space<hbm>>
    %dma_wait3A_784 = tpu.memref_slice %arg8[%dma_wait3A_775] : memref<2x!tpu.dma_semaphore, #tpu.memory_space<semaphore_mem>> -> memref<1x!tpu.dma_semaphore, #tpu.memory_space<semaphore_mem>>
    %dma_wait3A_785 = tpu.memref_squeeze %dma_wait3A_784 : memref<1x!tpu.dma_semaphore, #tpu.memory_space<semaphore_mem>> -> memref<!tpu.dma_semaphore, #tpu.memory_space<semaphore_mem>>
    %dma_wait3A_786 = arith.constant 0 : i32
    %dma_wait3A_787 = arith.constant 0 : i32
    %dma_wait3A_788 = tpu.memref_slice %arg4[%add3A_773, %dma_wait3A_786, %dma_wait3A_787] : memref<16384x50x64xf32, #tpu.memory_space<hbm>> -> memref<1x50x64xf32, #tpu.memory_space<hbm>>
    %dma_wait3A_789 = tpu.memref_squeeze %dma_wait3A_788 : memref<1x50x64xf32, #tpu.memory_space<hbm>> -> memref<50x64xf32, #tpu.memory_space<hbm>>
    %dma_wait3A_790 = arith.constant 250 : i32
    %dma_wait3A_791 = arith.constant 0 : i32
    %dma_wait3A_792 = tpu.memref_slice %arg6[%dma_wait3A_774, %dma_wait3A_790, %dma_wait3A_791] : memref<2x400x64xf32, #tpu.memory_space<vmem>> -> memref<1x50x64xf32, #tpu.memory_space<vmem>>
    %dma_wait3A_793 = tpu.memref_squeeze %dma_wait3A_792 : memref<1x50x64xf32, #tpu.memory_space<vmem>> -> memref<50x64xf32, #tpu.memory_space<vmem>>
    tpu.wait_dma2 semaphore(%dma_wait3A_785 : memref<!tpu.dma_semaphore, #tpu.memory_space<semaphore_mem>>) src(%dma_wait3A_793 : memref<50x64xf32, #tpu.memory_space<vmem>>) dst(%dma_wait3A_789 : memref<50x64xf32, #tpu.memory_space<hbm>>)
    %add3A_794 = arith.constant 504 : i32
    %add3A_795 = arith.addi %select_n3A, %add3A_794 : i32
    %add3A_796 = arith.constant 6 : i32
    %add3A_797 = arith.addi %add3A_795, %add3A_796 : i32
    %dma_wait3A_798 = arith.constant 1 : i32
    %dma_wait3A_799 = arith.constant 1 : i32
    %dma_wait3A_800 = arith.constant 300 : i32
    %dma_wait3A_801 = arith.constant 0 : i32
    %dma_wait3A_802 = tpu.memref_slice %arg6[%dma_wait3A_798, %dma_wait3A_800, %dma_wait3A_801] : memref<2x400x64xf32, #tpu.memory_space<vmem>> -> memref<1x50x64xf32, #tpu.memory_space<vmem>>
    %dma_wait3A_803 = tpu.memref_squeeze %dma_wait3A_802 : memref<1x50x64xf32, #tpu.memory_space<vmem>> -> memref<50x64xf32, #tpu.memory_space<vmem>>
    %dma_wait3A_804 = arith.constant 0 : i32
    %dma_wait3A_805 = arith.constant 0 : i32
    %dma_wait3A_806 = tpu.memref_slice %arg4[%add3A_797, %dma_wait3A_804, %dma_wait3A_805] : memref<16384x50x64xf32, #tpu.memory_space<hbm>> -> memref<1x50x64xf32, #tpu.memory_space<hbm>>
    %dma_wait3A_807 = tpu.memref_squeeze %dma_wait3A_806 : memref<1x50x64xf32, #tpu.memory_space<hbm>> -> memref<50x64xf32, #tpu.memory_space<hbm>>
    %dma_wait3A_808 = tpu.memref_slice %arg8[%dma_wait3A_799] : memref<2x!tpu.dma_semaphore, #tpu.memory_space<semaphore_mem>> -> memref<1x!tpu.dma_semaphore, #tpu.memory_space<semaphore_mem>>
    %dma_wait3A_809 = tpu.memref_squeeze %dma_wait3A_808 : memref<1x!tpu.dma_semaphore, #tpu.memory_space<semaphore_mem>> -> memref<!tpu.dma_semaphore, #tpu.memory_space<semaphore_mem>>
    %dma_wait3A_810 = arith.constant 0 : i32
    %dma_wait3A_811 = arith.constant 0 : i32
    %dma_wait3A_812 = tpu.memref_slice %arg4[%add3A_797, %dma_wait3A_810, %dma_wait3A_811] : memref<16384x50x64xf32, #tpu.memory_space<hbm>> -> memref<1x50x64xf32, #tpu.memory_space<hbm>>
    %dma_wait3A_813 = tpu.memref_squeeze %dma_wait3A_812 : memref<1x50x64xf32, #tpu.memory_space<hbm>> -> memref<50x64xf32, #tpu.memory_space<hbm>>
    %dma_wait3A_814 = arith.constant 300 : i32
    %dma_wait3A_815 = arith.constant 0 : i32
    %dma_wait3A_816 = tpu.memref_slice %arg6[%dma_wait3A_798, %dma_wait3A_814, %dma_wait3A_815] : memref<2x400x64xf32, #tpu.memory_space<vmem>> -> memref<1x50x64xf32, #tpu.memory_space<vmem>>
    %dma_wait3A_817 = tpu.memref_squeeze %dma_wait3A_816 : memref<1x50x64xf32, #tpu.memory_space<vmem>> -> memref<50x64xf32, #tpu.memory_space<vmem>>
    tpu.wait_dma2 semaphore(%dma_wait3A_809 : memref<!tpu.dma_semaphore, #tpu.memory_space<semaphore_mem>>) src(%dma_wait3A_817 : memref<50x64xf32, #tpu.memory_space<vmem>>) dst(%dma_wait3A_813 : memref<50x64xf32, #tpu.memory_space<hbm>>)
    %add3A_818 = arith.constant 504 : i32
    %add3A_819 = arith.addi %select_n3A, %add3A_818 : i32
    %add3A_820 = arith.constant 7 : i32
    %add3A_821 = arith.addi %add3A_819, %add3A_820 : i32
    %dma_wait3A_822 = arith.constant 1 : i32
    %dma_wait3A_823 = arith.constant 1 : i32
    %dma_wait3A_824 = arith.constant 350 : i32
    %dma_wait3A_825 = arith.constant 0 : i32
    %dma_wait3A_826 = tpu.memref_slice %arg6[%dma_wait3A_822, %dma_wait3A_824, %dma_wait3A_825] : memref<2x400x64xf32, #tpu.memory_space<vmem>> -> memref<1x50x64xf32, #tpu.memory_space<vmem>>
    %dma_wait3A_827 = tpu.memref_squeeze %dma_wait3A_826 : memref<1x50x64xf32, #tpu.memory_space<vmem>> -> memref<50x64xf32, #tpu.memory_space<vmem>>
    %dma_wait3A_828 = arith.constant 0 : i32
    %dma_wait3A_829 = arith.constant 0 : i32
    %dma_wait3A_830 = tpu.memref_slice %arg4[%add3A_821, %dma_wait3A_828, %dma_wait3A_829] : memref<16384x50x64xf32, #tpu.memory_space<hbm>> -> memref<1x50x64xf32, #tpu.memory_space<hbm>>
    %dma_wait3A_831 = tpu.memref_squeeze %dma_wait3A_830 : memref<1x50x64xf32, #tpu.memory_space<hbm>> -> memref<50x64xf32, #tpu.memory_space<hbm>>
    %dma_wait3A_832 = tpu.memref_slice %arg8[%dma_wait3A_823] : memref<2x!tpu.dma_semaphore, #tpu.memory_space<semaphore_mem>> -> memref<1x!tpu.dma_semaphore, #tpu.memory_space<semaphore_mem>>
    %dma_wait3A_833 = tpu.memref_squeeze %dma_wait3A_832 : memref<1x!tpu.dma_semaphore, #tpu.memory_space<semaphore_mem>> -> memref<!tpu.dma_semaphore, #tpu.memory_space<semaphore_mem>>
    %dma_wait3A_834 = arith.constant 0 : i32
    %dma_wait3A_835 = arith.constant 0 : i32
    %dma_wait3A_836 = tpu.memref_slice %arg4[%add3A_821, %dma_wait3A_834, %dma_wait3A_835] : memref<16384x50x64xf32, #tpu.memory_space<hbm>> -> memref<1x50x64xf32, #tpu.memory_space<hbm>>
    %dma_wait3A_837 = tpu.memref_squeeze %dma_wait3A_836 : memref<1x50x64xf32, #tpu.memory_space<hbm>> -> memref<50x64xf32, #tpu.memory_space<hbm>>
    %dma_wait3A_838 = arith.constant 350 : i32
    %dma_wait3A_839 = arith.constant 0 : i32
    %dma_wait3A_840 = tpu.memref_slice %arg6[%dma_wait3A_822, %dma_wait3A_838, %dma_wait3A_839] : memref<2x400x64xf32, #tpu.memory_space<vmem>> -> memref<1x50x64xf32, #tpu.memory_space<vmem>>
    %dma_wait3A_841 = tpu.memref_squeeze %dma_wait3A_840 : memref<1x50x64xf32, #tpu.memory_space<vmem>> -> memref<50x64xf32, #tpu.memory_space<vmem>>
    tpu.wait_dma2 semaphore(%dma_wait3A_833 : memref<!tpu.dma_semaphore, #tpu.memory_space<semaphore_mem>>) src(%dma_wait3A_841 : memref<50x64xf32, #tpu.memory_space<vmem>>) dst(%dma_wait3A_837 : memref<50x64xf32, #tpu.memory_space<hbm>>)
    return
  }
}

</mosaic_0001>

<sc_bundles>
// kernel: kernel.3.cloned.1.call-start
scs
__scs_entry_jumppad:
0x0: {  	(pc) =	sbr.rel $0x88, $3  }
0x1: {  	(tag) =	ssettag $0x0;
	lr =	simm.s32 $0x1  }
0x2: {  	[smem:$0x3F9F] =	sst lr;
	_ =	strace $0xD0000000  }
0x3: {  	_ = 	snop  }
0x4: {  	_ = 	snop  }
0x5: {  	_ = 	snop  }
0x6: {  	_ = 	snop  }
0x7: {  	_ = 	snop  }
__scs_overlays_trampoline_lowered:
0x8: {  	[smem:$0x3FAE] =	sst s0  }
0x9: {  	[smem:$0x3FAF] =	sst s1  }
0xa: {  	[smem:$0x3FB0] =	sst s2  }
0xb: {  	[smem:$0x3FB1] =	sst s3  }
0xc: {  	[smem:$0x3FB2] =	sst s4  }
0xd: {  	[smem:$0x3FB3] =	sst s5  }
0xe: {  	[smem:$0x3FB4] =	sst s6  }
0xf: {  	[smem:$0x3FB5] =	sst s7  }
0x10: {  	[smem:$0x3FB6] =	sst s8  }
0x11: {  	[smem:$0x3FB7] =	sst s9;
	s0 =	simm.s32 @!p0 $0x0  }
0x12: {  	s1 =	sld [smem:$0x3F9D];
	s0 =	simm.s32 @p0 $0x1  }
0x13: {  	[smem:$0x3FB8] =	sst s0;
	s0 =	simm.s32 @!p1 $0x0  }
0x14: {  	s2 =	sld [smem:$0x3F9C];
	s0 =	simm.s32 @p1 $0x1  }
0x15: {  	[smem:$0x3FB9] =	sst s0;
	s0 =	simm.s32 @!p2 $0x0  }
0x16: {  	s3 =	sld [smem:$0x3FDB];
	s0 =	simm.s32 @p2 $0x1  }
0x17: {  	s4 =	simm.s32 $0x1BF5;
	[smem:$0x3FBB] =	sst s0  }
0x18: {  	s0 =	sld [smem:$0x3F9E];
	_ =	swait.ge [sflag:s4], $0x0  }
0x19: {  	s7 =	sld [smem:$0x3F9F]  }
0x1a: {  	s8 =	sadd.s32 $0xFFFFE003, lr  }
0x1b: {  	s9 =	sadd.s32 $0xFFFFFEF7, lr;
	s5 =	simm.s32 $0xFFFFFFFF;
	p2 =	slt.u32 s8, $0xFFFFF086  }
0x1c: {  	p1 =	slt.u32 s9, $0xF7A;
	s5 =	simm.s32 @!p2 $0x0  }
0x1d: {  	s5 =	simm.s32 @p1 $0x1;
	p0 =	seq.s32 s7, s2  }
0x1e: {  	s7 =	smul.u32 @!p0 $0xF7A, s2;
	p2 =	seq.s32 @!p0 s5, $0x0  }
0x1f: {  	s9 =	smul.u32 $0xF7A, s1;
	s8 =	simm.s32 @!p0 $0x1BF5;
	p2 =	por !p2, p0  }
0x20: {  	[sflag:s8] =	ssyncset.s32 @!p0 $0xFFFFF086;
	s6 =	sadd.s32 @!p0 s3, s7;
	s7 =	simm.s32 @!p0 $0x108  }
0x21: {  	s3 =	sadd.s32 s3, s9;
	s6 =	sadd.s32 @!p0 $0x88, s6;
	s7 =	simm.s32 @p2 $0x1082  }
0x22: {  	[simem:s7], [sflag:s8] =	dma.local @!p0 [hbm:s6], $0xF7A  }
0x23: {  	s9 =	sor.u32 $0xD0000000, s2;
	s6 =	simm.s32 $0x108;
	_ =	swait.ge @!p0 [sflag:s8], $0x0  }
0x24: {  	s3 =	sadd.s32 $0x88, s3;
	s6 =	simm.s32 @!p1 $0x1082;
	[sflag:s4] =	ssyncset.s32 $0xFFFFF086  }
0x25: {  	[simem:s6], [sflag:s4] =	dma.local [hbm:s3], $0xF7A  }
0x26: {  	[smem:$0x3F9F] =	sst s1;
	(tag) =	ssettag s2;
	_ =	strace s9  }
0x27: {  	s1 =	sld [smem:$0x3FAF]  }
0x28: {  	s2 =	sld [smem:$0x3FB0]  }
0x29: {  	s4 =	sld [smem:$0x3FB2]  }
0x2a: {  	p0 =	seq.s32 s5, $0x0;
	s5 =	sld [smem:$0x3FB3]  }
0x2b: {  	s6 =	sld [smem:$0x3FB4]  }
0x2c: {  	s7 =	sld [smem:$0x3FB5]  }
0x2d: {  	s3 =	simm.s32 $0x108;
	s8 =	sld [smem:$0x3FB6]  }
0x2e: {  	s3 =	simm.s32 @!p0 $0x1082;
	s9 =	sld [smem:$0x3FB7]  }
0x2f: {  	lr =	sadd.s32 s0, s3;
	s0 =	sld [smem:$0x3FAE]  }
0x30: {  	s3 =	sld [smem:$0x3FB1]  }
0x31: {  	[smem:$0x3FBA] =	sst s10  }
0x32: {  	s10 =	sld [smem:$0x3FB8];
	_ =	sdelay $0x3  }
0x33: {  	p0 =	seq.s32 s10, $0x1;
	s10 =	sld [smem:$0x3FBA];
	_ =	sdelay $0x3  }
0x34: {  	[smem:$0x3FBA] =	sst s10  }
0x35: {  	s10 =	sld [smem:$0x3FB9];
	_ =	sdelay $0x3  }
0x36: {  	p1 =	seq.s32 s10, $0x1;
	s10 =	sld [smem:$0x3FBA];
	_ =	sdelay $0x3  }
0x37: {  	[smem:$0x3FBA] =	sst s10  }
0x38: {  	s10 =	sld [smem:$0x3FBB]  }
0x39: {  	_ = 	snop;
	(pc) =	sbr.ind lr, $3  }
0x3a: {  	_ = 	snop  }
0x3b: {  	_ = 	snop  }
0x3c: {  	p2 =	seq.s32 s10, $0x1;
	s10 =	sld [smem:$0x3FBA]  }
0x3d: {  	_ =	shalt  }
0x3e: {  	_ =	shalt  }
0x3f: {  	_ =	shalt  }
0x40: {  	_ =	shalt  }
0x41: {  	_ =	shalt  }
0x42: {  	_ =	shalt  }
0x43: {  	_ =	shalt  }
0x44: {  	_ =	shalt  }
0x45: {  	_ =	shalt  }
0x46: {  	_ =	shalt  }
0x47: {  	_ =	shalt  }
0x48: {  	_ =	shalt  }
0x49: {  	_ =	shalt  }
0x4a: {  	_ =	shalt  }
0x4b: {  	_ =	shalt  }
0x4c: {  	_ =	shalt  }
0x4d: {  	_ =	shalt  }
0x4e: {  	_ =	shalt  }
0x4f: {  	_ =	shalt  }
0x50: {  	_ =	shalt  }
0x51: {  	_ =	shalt  }
0x52: {  	_ =	shalt  }
0x53: {  	_ =	shalt  }
0x54: {  	_ =	shalt  }
0x55: {  	_ =	shalt  }
0x56: {  	_ =	shalt  }
0x57: {  	_ =	shalt  }
0x58: {  	_ =	shalt  }
0x59: {  	_ =	shalt  }
0x5a: {  	_ =	shalt  }
0x5b: {  	_ =	shalt  }
0x5c: {  	_ =	shalt  }
0x5d: {  	_ =	shalt  }
0x5e: {  	_ =	shalt  }
0x5f: {  	_ =	shalt  }
0x60: {  	_ =	shalt  }
0x61: {  	_ =	shalt  }
0x62: {  	_ =	shalt  }
0x63: {  	_ =	shalt  }
0x64: {  	_ =	shalt  }
0x65: {  	_ =	shalt  }
0x66: {  	_ =	shalt  }
0x67: {  	_ =	shalt  }
0x68: {  	_ =	shalt  }
0x69: {  	_ =	shalt  }
0x6a: {  	_ =	shalt  }
0x6b: {  	_ =	shalt  }
0x6c: {  	_ =	shalt  }
0x6d: {  	_ =	shalt  }
0x6e: {  	_ =	shalt  }
0x6f: {  	_ =	shalt  }
0x70: {  	_ =	shalt  }
0x71: {  	_ =	shalt  }
0x72: {  	_ =	shalt  }
0x73: {  	_ =	shalt  }
0x74: {  	_ =	shalt  }
0x75: {  	_ =	shalt  }
0x76: {  	_ =	shalt  }
0x77: {  	_ =	shalt  }
0x78: {  	_ =	shalt  }
0x79: {  	_ =	shalt  }
0x7a: {  	_ =	shalt  }
0x7b: {  	_ =	shalt  }
0x7c: {  	_ =	shalt  }
0x7d: {  	_ =	shalt  }
0x7e: {  	_ =	shalt  }
0x7f: {  	_ =	shalt  }
0x80: {  	_ =	shalt  }
0x81: {  	_ =	shalt  }
0x82: {  	_ =	shalt  }
0x83: {  	_ =	shalt  }
0x84: {  	_ =	shalt  }
0x85: {  	_ =	shalt  }
0x86: {  	_ =	shalt  }
0x87: {  	_ =	shalt  }
.Lfunc_end0:
.L_simem_size_0:
called_computation.1_lowered:
.L_overlay_start_0:
0x88: {  	s2 =	sld [smem:$0x3FD9]  }
0x89: {  	s3 =	sld [smem:$0x3FFE];
	_ =	sdelay $0x1  }
0x8a: {  	s1 =	srdreg.scid  }
0x8b: {  	s0 =	sand.u32 $0x1, s1  }
0x8c: {  	s17 =	sshll.u32 s0, $0xA;
	s2 =	sadd.s32 s3, s2  }
0x8d: {  	s2 =	sadd.s32 s2, s17  }
0x8e: {  	[smem:$0x3FC6] =	sst s2  }
0x8f: {  	_ = 	snop  }
0x90: {  	s2 =	sld [smem:$0x3FD0];
	(tm) =	ssettm $0x1  }
0x91: {  	s18 =	sld [smem:$0x3FFB];
	_ =	sdelay $0x3  }
0x92: {  	_ =	strace s18  }
0x93: {  	s3 =	sld [smem:$0x3FFC];
	_ =	sdelay $0x3  }
0x94: {  	_ =	strace s3  }
0x95: {  	s3 =	sld [smem:$0x3FFD];
	_ =	sdelay $0x3  }
0x96: {  	_ =	strace s3  }
0x97: {  	_ =	strace $0x8FFFFFFF  }
0x98: {  	s19 =	sld [smem:$0x3FDB];
	_ =	sdelay $0x1  }
0x99: {  	s4 =	simm.s32 $_scs_section_size  }
0x9a: {  	s5 =	simm.s32 $_size__tile_overlayer_lowered;
	s6 =	simm.s32 $_tile_overlayer_lowered  }
0x9b: {  	s22 =	simm.s32 $0x1BFF;
	s21 =	sshll.u32 s6, $0x1;
	s3 =	sadd.s32 s4, s19  }
0x9c: {  	s7 =	simm.s32 $0x0;
	s20 =	sshll.u32 s5, $0x1;
	s5 =	sadd.s32 s21, s3  }
0x9d: {  	[timem:s7], [sflag:s22] =	dma.local [hbm:s5], s20  }
0x9e: {  	_ =	swait.ge [sflag:s22], s20  }
0x9f: {  	s4 =	ssub.s32 $0x0, s20;
	[sflag:s22] =	ssyncset.done $0x0  }
0xa0: {  	[sflag:s22] =	ssyncadd.s32 s4;
	_ =	sdelay $0x1  }
0xa1: {  	s23 =	simm.s32 $0x1B8B  }
0xa2: {  	_ =	swait.ge [sflag:s23], $0x1  }
0xa3: {  	[sflag:s23] =	ssyncset.done $0x0  }
0xa4: {  	s25 =	simm.s32 $0x1B8E;
	s24 =	sld [smem:$0x3FFE];
	[sflag:s23] =	ssyncadd.s32 $0xFFFFFFFF  }
0xa5: {  	s26 =	simm.s32 $execute0_lowered;
	[smem:$0x3FD2] =	sst s25  }
0xa6: {  	s5 =	sshll.u32 s26, $0x1;
	_ =	strace $0x80000046;
	[dreg:$0x1] =	wrdreg $0xFFFFFFFF  }
0xa7: {  	s28 =	simm.s32 $_size_execute0_lowered;
	s3 =	sadd.s32 s3, s5;
	[dreg:$0x0] =	wrdreg $0x0  }
0xa8: {  	s5 =	sshll.u32 s28, $0x1;
	[dreg:$0x2] =	wrdreg s3  }
0xa9: {  	[dreg:$0x3] =	wrdreg s5  }
0xaa: {  	[dreg:$0x4] =	wrdreg $0xC0  }
0xab: {  	_ =	task [dreg:s7], $0x5FFFF  }
0xac: {  	[dreg:$0x1] =	wrdreg $0xFFFFFFFF  }
0xad: {  	[dreg:$0x0] =	wrdreg $0x60  }
0xae: {  	[dreg:$0x2] =	wrdreg s24  }
0xaf: {  	[dreg:$0x3] =	wrdreg s2  }
0xb0: {  	[dreg:$0x4] =	wrdreg $0x9  }
0xb1: {  	_ =	task.clear_ibuf [dreg:s7], $0x5FFFF;
	_ =	strace $0x90000046  }
0xb2: {  	s29 =	simm.s32 $0x9;
	_ =	strace $0x80000048  }
0xb3: {  	_ =	swait.ge [sflag:s29], $0x1  }
0xb4: {  	[sflag:s29] =	ssyncadd.s32 $0xFFFFFFFF  }
0xb5: {  	_ =	strace $0x90000048  }
0xb6: {  	_ =	sfence  }
0xb7: {  	s30 =	sld [smem:$0x0];
	_ =	sdelay $0x2  }
0xb8: {  	s31 =	sshll.u32 s1, $0xD;
	s1 =	sshrl.u32 s1, $0x2  }
0xb9: {  	s3 =	sand.u32 $0x4000, s31;
	s1 =	sadd.s32 s1, s30  }
0xba: {  	s0 =	sor.u32 s3, s0;
	s1 =	sshll.u32 s1, $0x11  }
0xbb: {  	s0 =	sor.u32 s1, s0  }
0xbc: {  	s0 =	sadd.s32 $0x8F2B, s0  }
0xbd: {  	[sflag:s0] =	ssyncadd.remote.s32 $0x1  }
0xbe: {  	_ =	sfence.sel $0xFFFF  }
0xbf: {  	[dreg:$0x0] =	wrdreg $0xFFFFFFFF;
	(pc) =	sbr.abs _section_cstart, $3  }
0xc0: {  	[dreg:$0x1] =	wrdreg $0xFFFFFFFF  }
0xc1: {  	_ =	task.clear_ibuf [dreg:s7], $0x2FFFF;
	_ =	strace $0x9FFFFFFF  }
0xc2: {  	(tm) =	ssettm $0x7FFFFFFF  }
0xc3: {  	_ =	shalt  }
tec
execute0_lowered:
.L_overlay_start_1:
0x0: {  	(tag) =	ssettag $0x1  }
0x1: {  	s0 =	srdreg.scid  }
0x2: {  	s10 =	stileid.u32;
	s1 =	rddreg [dreg:$0x0]  }
0x3: {  	s28 =	simm.s32 $0x7080;
	s6 =	sand.u32 $0x1, s0;
	s2 =	sshll.u32 s10, $0x1  }
0x4: {  	s29 =	simm.s32 $0x7D00;
	s30 =	simm.s32 $0x8980;
	s3 =	sor.u32 s6, s2  }
0x5: {  	s31 =	simm.s32 $0x9600;
	s0 =	rddreg [dreg:$0x1];
	s4 =	smul.u32 $0xC80, s3  }
0x6: {  	s2 =	simm.s32 $0x0;
	s5 =	ssub.s32 $0x2, s6;
	s3 =	smul.u32 $0x190000, s3  }
0x7: {  	s18 =	smul.u32 $0x320000, s10;
	[smem:$0x7FF] =	sst s2;
	s15 =	sshrl.u32 s5, $0x1  }
0x8: {  	_ =	strace $0x80000047;
	s7 =	sadd.s32 s4, s1;
	s8 =	sshrl.u32 s3, $0x3  }
0x9: {  	s3 =	sadd.s32 $0xF42E00, s1;
	s1 =	ssub.s32 s5, s15;
	s16 =	sadd.s32 $0xA00, s7  }
0xa: {  	s4 =	sadd.s32 s0, s8;
	s1 =	smax.u32 s1, $0x1;
	[dreg:$0x12] =	wrdreg s16  }
0xb: {  	s21 =	smul.u32 $0x190000, s6;
	s17 =	sadd.s32 $0x30700, s4;
	[smem:$0x7FD] =	sst s1  }
0xc: {  	s6 =	smul.u32 $0x32000, s6;
	s19 =	sadd.s32 $0x30890, s4;
	[dreg:$0x13] =	wrdreg s17  }
0xd: {  	s5 =	sadd.s32 s21, s18;
	s20 =	sadd.s32 $0x30A20, s4;
	[dreg:$0x14] =	wrdreg s19  }
0xe: {  	s9 =	sor.u32 $0xBB80, s5;
	s8 =	sadd.s32 $0x30BB0, s4;
	[dreg:$0x15] =	wrdreg s20  }
0xf: {  	s12 =	sor.u32 $0xAF00, s5;
	s22 =	sadd.s32 $0x30D40, s4;
	[dreg:$0x16] =	wrdreg s8  }
0x10: {  	s14 =	sor.u32 $0xA280, s5;
	s23 =	sadd.s32 $0x30ED0, s4;
	[dreg:$0x17] =	wrdreg s22  }
0x11: {  	s21 =	sor.u32 $0x7D00, s5;
	s24 =	sadd.s32 $0x31060, s4;
	[dreg:$0x18] =	wrdreg s23  }
0x12: {  	s25 =	sadd.s32 $0x311F0, s4;
	s26 =	sadd.s32 $0x31380, s4;
	[dreg:$0x19] =	wrdreg s24  }
0x13: {  	s11 =	sadd.s32 $0x316A0, s4;
	s7 =	sshrl.u32 s9, $0x3;
	[dreg:$0x1a] =	wrdreg s25  }
0x14: {  	s9 =	sadd.s32 $0x31830, s4;
	s15 =	sshrl.u32 s14, $0x3;
	[dreg:$0x1b] =	wrdreg s26  }
0x15: {  	s16 =	sor.u32 $0x9600, s5;
	s14 =	sor.u32 $0x4B00, s5;
	[dreg:$0x1d] =	wrdreg s11  }
0x16: {  	s1 =	simm.s32 $0xA280;
	s8 =	sadd.s32 $0x31510, s4;
	[dreg:$0x1e] =	wrdreg s9  }
0x17: {  	s7 =	sadd.s32 s7, s0;
	s17 =	sor.u32 $0x8980, s5;
	s22 =	sadd.s32 $0x319C0, s4  }
0x18: {  	s23 =	sshrl.u32 s21, $0x3;
	s24 =	sor.u32 $0x7080, s5;
	s25 =	smul.u32 $0x64000, s10  }
0x19: {  	s10 =	sadd.s32 $0x31B50, s4;
	s9 =	simm.s32 $0xFA00;
	[dreg:$0x1c] =	wrdreg s8  }
0x1a: {  	s8 =	sshrl.u32 s12, $0x3;
	[dreg:$0x3] =	wrdreg s7;
	s7 =	sadd.s32 s15, s0  }
0x1b: {  	s19 =	sshrl.u32 s17, $0x3;
	[dreg:$0x1f] =	wrdreg s22;
	s26 =	sshrl.u32 s24, $0x3  }
0x1c: {  	[smem:$0x7FA] =	sst s10;
	s12 =	sor.u32 $0x5780, s5;
	s15 =	sadd.s32 $0x31CE0, s4  }
0x1d: {  	s17 =	sor.u32 $0x3E80, s5;
	s4 =	sadd.s32 $0x31E70, s4;
	s10 =	simm.s32 $0x10680  }
0x1e: {  	s13 =	sadd.s32 s8, s0;
	s8 =	sshrl.u32 s16, $0x3;
	[dreg:$0x5] =	wrdreg s7  }
0x1f: {  	s20 =	sadd.s32 s19, s0;
	s7 =	sadd.s32 s23, s0;
	[smem:$0x7FB] =	sst s15  }
0x20: {  	s11 =	sadd.s32 s25, s0;
	s19 =	sor.u32 $0x3200, s5;
	[smem:$0x7FC] =	sst s4  }
0x21: {  	s23 =	sor.u32 $0x2580, s5;
	s25 =	sor.u32 $0x1900, s5;
	[dreg:$0x4] =	wrdreg s13  }
0x22: {  	s5 =	sor.u32 $0xC80, s5;
	s18 =	sadd.s32 s8, s0;
	[dreg:$0x7] =	wrdreg s20  }
0x23: {  	[dreg:$0x8] =	wrdreg s7;
	s7 =	sadd.s32 s26, s0;
	s6 =	sadd.s32 s6, s11  }
0x24: {  	s13 =	sshrl.u32 s12, $0x3;
	s21 =	sshrl.u32 s19, $0x3;
	s24 =	sshrl.u32 s23, $0x3  }
0x25: {  	s5 =	sshrl.u32 s5, $0x3;
	s23 =	simm.s32 $0x190;
	[dreg:$0x6] =	wrdreg s18  }
0x26: {  	s8 =	simm.s32 $0xED80;
	s11 =	simm.s32 $0x11300;
	[dreg:$0x9] =	wrdreg s7  }
0x27: {  	s12 =	simm.s32 $0x11F80;
	[dreg:$0xa] =	wrdreg s6;
	s6 =	sadd.s32 s13, s0  }
0x28: {  	s7 =	sshrl.u32 s14, $0x3;
	s18 =	sshrl.u32 s17, $0x3;
	s22 =	sadd.s32 s21, s0  }
0x29: {  	s4 =	sadd.s32 s24, s0;
	s24 =	simm.s32 $0x6400;
	[dreg:$0xb] =	wrdreg s6  }
0x2a: {  	s13 =	simm.s32 $0x3;
	s14 =	simm.s32 $0x4;
	[dreg:$0xe] =	wrdreg s22  }
0x2b: {  	s16 =	sadd.s32 s7, s0;
	s20 =	sadd.s32 s18, s0;
	[dreg:$0xf] =	wrdreg s4  }
0x2c: {  	s6 =	sshrl.u32 s25, $0x3;
	s25 =	simm.s32 $0xC800;
	[dreg:$0xc] =	wrdreg s16  }
0x2d: {  	s4 =	simm.s32 $0xBB80;
	s7 =	simm.s32 $0xE100;
	[dreg:$0xd] =	wrdreg s20  }
0x2e: {  	s26 =	sadd.s32 s6, s0;
	s0 =	sadd.s32 s5, s0;
	s5 =	simm.s32 $0x2  }
0x2f: {  	s6 =	simm.s32 $0xD480;
	s16 =	simm.s32 $0x0;
	[dreg:$0x10] =	wrdreg s26  }
0x30: {  	[dreg:$0x11] =	wrdreg s0;
	s26 =	simm.s32 $0x1;
	s0 =	simm.s32 $0xAF00  }
.LBB2_1:
0x31: {  	[smem:$0x7F9] =	sst s16  }
0x32: {  	s15 =	rddreg [dreg:$0x12];
	s18 =	simm.s32 $0x5  }
0x33: {  	[tilespmem:s2], [sflag:$0x5] =	stream.linear.gather [hbm4b:s15+s2], $0x6400, $0x38;
	[tilespmem:$0x12C00] =	vst v63  }
0x34: {  	_ =	swait.ge [sflag:s18], $0x6400  }
0x35: {  	[sflag:s18] =	ssyncset.done $0x0  }
0x36: {  	[sflag:s18] =	ssyncadd.s32 $0xFFFF9C00  }
0x37: {  	[tilespmem:s24], [sflag:$0x1] =	stream.indirect.gather [hbm4b:s3+s23], $0x40, s2, s23, $0xb8;
	[tilespmem:$0x12C00] =	vst v63  }
0x38: {  	_ = 	snop  }
0x39: {  	[tilespmem:s25], [sflag:$0x2] =	stream.indirect.gather [hbm4b:s3+s23], $0x40, s23, s23, $0xb8;
	[tilespmem:$0x12C00] =	vst v63  }
0x3a: {  	_ =	swait.ge [sflag:s26], $0x6400  }
0x3b: {  	s19 =	rddreg [dreg:$0xa];
	[sflag:s26] =	ssyncset.done $0x0  }
0x3c: {  	s17 =	rddreg [dreg:$0x11];
	[sflag:s26] =	ssyncadd.s32 $0xFFFF9C00;
	s16 =	sadd.s32 $0x0, s19  }
0x3d: {  	[hbm4b:s16+s2] =	stream.linear.scatter [tilespmem:s24], [sflag:$0x3], $0xC80, $0x38;
	[tilespmem:$0x12C00] =	vst v63  }
0x3e: {  	s18 =	rddreg [dreg:$0x10];
	s17 =	sadd.s32 $0x0, s17  }
0x3f: {  	[hbm4b:s17+s2] =	stream.linear.scatter [tilespmem:s28], [sflag:$0x3], $0xC80, $0x38;
	[tilespmem:$0x12C00] =	vst v63  }
0x40: {  	s20 =	rddreg [dreg:$0xf];
	s18 =	sadd.s32 $0x0, s18  }
0x41: {  	[hbm4b:s18+s2] =	stream.linear.scatter [tilespmem:s29], [sflag:$0x3], $0xC80, $0x38;
	[tilespmem:$0x12C00] =	vst v63  }
0x42: {  	s21 =	rddreg [dreg:$0xe];
	s17 =	sadd.s32 $0x0, s20  }
0x43: {  	[hbm4b:s17+s2] =	stream.linear.scatter [tilespmem:s30], [sflag:$0x3], $0xC80, $0x38;
	[tilespmem:$0x12C00] =	vst v63  }
0x44: {  	s22 =	rddreg [dreg:$0xd];
	s18 =	sadd.s32 $0x0, s21  }
0x45: {  	[hbm4b:s18+s2] =	stream.linear.scatter [tilespmem:s31], [sflag:$0x3], $0xC80, $0x38;
	[tilespmem:$0x12C00] =	vst v63  }
0x46: {  	s15 =	rddreg [dreg:$0xc];
	s17 =	sadd.s32 $0x0, s22  }
0x47: {  	[hbm4b:s17+s2] =	stream.linear.scatter [tilespmem:s1], [sflag:$0x3], $0xC80, $0x38;
	[tilespmem:$0x12C00] =	vst v63  }
0x48: {  	s19 =	rddreg [dreg:$0xb];
	s18 =	sadd.s32 $0x0, s15  }
0x49: {  	[hbm4b:s18+s2] =	stream.linear.scatter [tilespmem:s0], [sflag:$0x3], $0xC80, $0x38;
	[tilespmem:$0x12C00] =	vst v63  }
0x4a: {  	s17 =	sadd.s32 $0x0, s19  }
0x4b: {  	[hbm4b:s17+s2] =	stream.linear.scatter [tilespmem:s4], [sflag:$0x3], $0xC80, $0x38;
	[tilespmem:$0x12C00] =	vst v63  }
0x4c: {  	_ =	swait.ge [sflag:s5], $0x6400  }
0x4d: {  	[sflag:s5] =	ssyncset.done $0x0  }
0x4e: {  	s16 =	sadd.s32 $0xC80, s16;
	s20 =	rddreg [dreg:$0x9];
	[sflag:s5] =	ssyncadd.s32 $0xFFFF9C00  }
0x4f: {  	[hbm4b:s16+s2] =	stream.linear.scatter [tilespmem:s25], [sflag:$0x4], $0xC80, $0x38;
	[tilespmem:$0x12C00] =	vst v63  }
0x50: {  	s21 =	rddreg [dreg:$0x8];
	s22 =	sadd.s32 $0x0, s20  }
0x51: {  	[hbm4b:s22+s2] =	stream.linear.scatter [tilespmem:s6], [sflag:$0x4], $0xC80, $0x38;
	[tilespmem:$0x12C00] =	vst v63  }
0x52: {  	s15 =	rddreg [dreg:$0x7];
	s18 =	sadd.s32 $0x0, s21  }
0x53: {  	[hbm4b:s18+s2] =	stream.linear.scatter [tilespmem:s7], [sflag:$0x4], $0xC80, $0x38;
	[tilespmem:$0x12C00] =	vst v63  }
0x54: {  	s19 =	rddreg [dreg:$0x6];
	s20 =	sadd.s32 $0x0, s15  }
0x55: {  	[hbm4b:s20+s2] =	stream.linear.scatter [tilespmem:s8], [sflag:$0x4], $0xC80, $0x38;
	[tilespmem:$0x12C00] =	vst v63  }
0x56: {  	s21 =	rddreg [dreg:$0x5];
	s22 =	sadd.s32 $0x0, s19  }
0x57: {  	[hbm4b:s22+s2] =	stream.linear.scatter [tilespmem:s9], [sflag:$0x4], $0xC80, $0x38;
	[tilespmem:$0x12C00] =	vst v63  }
0x58: {  	s15 =	rddreg [dreg:$0x4];
	s17 =	sadd.s32 $0x0, s21  }
0x59: {  	[hbm4b:s17+s2] =	stream.linear.scatter [tilespmem:s10], [sflag:$0x4], $0xC80, $0x38;
	[tilespmem:$0x12C00] =	vst v63  }
0x5a: {  	s19 =	rddreg [dreg:$0x3];
	s20 =	sadd.s32 $0x0, s15  }
0x5b: {  	[hbm4b:s20+s2] =	stream.linear.scatter [tilespmem:s11], [sflag:$0x4], $0xC80, $0x38;
	[tilespmem:$0x12C00] =	vst v63  }
0x5c: {  	s21 =	sadd.s32 $0x0, s19  }
0x5d: {  	[hbm4b:s21+s2] =	stream.linear.scatter [tilespmem:s12], [sflag:$0x4], $0xC80, $0x38;
	[tilespmem:$0x12C00] =	vst v63  }
0x5e: {  	_ =	swait.ge [sflag:s13], $0xC80  }
0x5f: {  	[sflag:s13] =	ssyncset.done $0x0  }
0x60: {  	[sflag:s13] =	ssyncadd.s32 $0xFFFFF380  }
0x61: {  	_ =	swait.ge [sflag:s13], $0xC80  }
0x62: {  	[sflag:s13] =	ssyncset.done $0x0  }
0x63: {  	[sflag:s13] =	ssyncadd.s32 $0xFFFFF380  }
0x64: {  	_ =	swait.ge [sflag:s13], $0xC80  }
0x65: {  	[sflag:s13] =	ssyncset.done $0x0  }
0x66: {  	[sflag:s13] =	ssyncadd.s32 $0xFFFFF380  }
0x67: {  	_ =	swait.ge [sflag:s13], $0xC80  }
0x68: {  	[sflag:s13] =	ssyncset.done $0x0  }
0x69: {  	[sflag:s13] =	ssyncadd.s32 $0xFFFFF380  }
0x6a: {  	_ =	swait.ge [sflag:s13], $0xC80  }
0x6b: {  	[sflag:s13] =	ssyncset.done $0x0  }
0x6c: {  	[sflag:s13] =	ssyncadd.s32 $0xFFFFF380  }
0x6d: {  	_ =	swait.ge [sflag:s13], $0xC80  }
0x6e: {  	[sflag:s13] =	ssyncset.done $0x0  }
0x6f: {  	[sflag:s13] =	ssyncadd.s32 $0xFFFFF380  }
0x70: {  	_ =	swait.ge [sflag:s13], $0xC80  }
0x71: {  	[sflag:s13] =	ssyncset.done $0x0  }
0x72: {  	[sflag:s13] =	ssyncadd.s32 $0xFFFFF380  }
0x73: {  	_ =	swait.ge [sflag:s13], $0xC80  }
0x74: {  	[sflag:s13] =	ssyncset.done $0x0  }
0x75: {  	s22 =	simm.s32 $0x320;
	[sflag:s13] =	ssyncadd.s32 $0xFFFFF380  }
0x76: {  	[tilespmem:s24], [sflag:$0x1] =	stream.indirect.gather [hbm4b:s3+s23], $0x40, s22, s23, $0xb8;
	[tilespmem:$0x12C00] =	vst v63  }
0x77: {  	_ =	swait.ge [sflag:s14], $0xC80  }
0x78: {  	[sflag:s14] =	ssyncset.done $0x0  }
0x79: {  	[sflag:s14] =	ssyncadd.s32 $0xFFFFF380  }
0x7a: {  	_ =	swait.ge [sflag:s14], $0xC80  }
0x7b: {  	[sflag:s14] =	ssyncset.done $0x0  }
0x7c: {  	[sflag:s14] =	ssyncadd.s32 $0xFFFFF380  }
0x7d: {  	_ =	swait.ge [sflag:s14], $0xC80  }
0x7e: {  	[sflag:s14] =	ssyncset.done $0x0  }
0x7f: {  	[sflag:s14] =	ssyncadd.s32 $0xFFFFF380  }
0x80: {  	_ =	swait.ge [sflag:s14], $0xC80  }
0x81: {  	[sflag:s14] =	ssyncset.done $0x0  }
0x82: {  	[sflag:s14] =	ssyncadd.s32 $0xFFFFF380  }
0x83: {  	_ =	swait.ge [sflag:s14], $0xC80  }
0x84: {  	[sflag:s14] =	ssyncset.done $0x0  }
0x85: {  	[sflag:s14] =	ssyncadd.s32 $0xFFFFF380  }
0x86: {  	_ =	swait.ge [sflag:s14], $0xC80  }
0x87: {  	[sflag:s14] =	ssyncset.done $0x0  }
0x88: {  	[sflag:s14] =	ssyncadd.s32 $0xFFFFF380  }
0x89: {  	_ =	swait.ge [sflag:s14], $0xC80  }
0x8a: {  	[sflag:s14] =	ssyncset.done $0x0  }
0x8b: {  	[sflag:s14] =	ssyncadd.s32 $0xFFFFF380  }
0x8c: {  	_ =	swait.ge [sflag:s14], $0xC80  }
0x8d: {  	s16 =	simm.s32 $0x4B0;
	[sflag:s14] =	ssyncset.done $0x0  }
0x8e: {  	s18 =	simm.s32 $0x7D0;
	s17 =	simm.s32 $0x1900;
	[sflag:s14] =	ssyncadd.s32 $0xFFFFF380  }
.LBB2_2:
0x8f: {  	[tilespmem:s25], [sflag:$0x2] =	stream.indirect.gather [hbm4b:s3+s23], $0x40, s16, s23, $0xb8;
	[tilespmem:$0x12C00] =	vst v63  }
0x90: {  	_ =	swait.ge [sflag:s26], $0x6400  }
0x91: {  	s19 =	smov.u32 s17;
	s20 =	rddreg [dreg:$0xa];
	[sflag:s26] =	ssyncset.done $0x0  }
0x92: {  	s21 =	rddreg [dreg:$0x11];
	[sflag:s26] =	ssyncadd.s32 $0xFFFF9C00;
	s20 =	sadd.s32 s19, s20  }
0x93: {  	[hbm4b:s20+s2] =	stream.linear.scatter [tilespmem:s24], [sflag:$0x3], $0xC80, $0x38;
	[tilespmem:$0x12C00] =	vst v63  }
0x94: {  	s22 =	rddreg [dreg:$0x10];
	s21 =	sadd.s32 s19, s21  }
0x95: {  	[hbm4b:s21+s2] =	stream.linear.scatter [tilespmem:s28], [sflag:$0x3], $0xC80, $0x38;
	[tilespmem:$0x12C00] =	vst v63  }
0x96: {  	s15 =	rddreg [dreg:$0xf];
	s21 =	sadd.s32 s19, s22  }
0x97: {  	[hbm4b:s21+s2] =	stream.linear.scatter [tilespmem:s29], [sflag:$0x3], $0xC80, $0x38;
	[tilespmem:$0x12C00] =	vst v63  }
0x98: {  	s15 =	sadd.s32 s19, s15;
	s22 =	rddreg [dreg:$0xe]  }
0x99: {  	[hbm4b:s15+s2] =	stream.linear.scatter [tilespmem:s30], [sflag:$0x3], $0xC80, $0x38;
	[tilespmem:$0x12C00] =	vst v63  }
0x9a: {  	s21 =	rddreg [dreg:$0xd];
	s15 =	sadd.s32 s19, s22  }
0x9b: {  	[hbm4b:s15+s2] =	stream.linear.scatter [tilespmem:s31], [sflag:$0x3], $0xC80, $0x38;
	[tilespmem:$0x12C00] =	vst v63  }
0x9c: {  	s22 =	rddreg [dreg:$0xc];
	s15 =	sadd.s32 s19, s21  }
0x9d: {  	[hbm4b:s15+s2] =	stream.linear.scatter [tilespmem:s1], [sflag:$0x3], $0xC80, $0x38;
	[tilespmem:$0x12C00] =	vst v63  }
0x9e: {  	s22 =	sadd.s32 s19, s22;
	s21 =	rddreg [dreg:$0xb]  }
0x9f: {  	[hbm4b:s22+s2] =	stream.linear.scatter [tilespmem:s0], [sflag:$0x3], $0xC80, $0x38;
	[tilespmem:$0x12C00] =	vst v63  }
0xa0: {  	s22 =	sadd.s32 s19, s21  }
0xa1: {  	[hbm4b:s22+s2] =	stream.linear.scatter [tilespmem:s4], [sflag:$0x3], $0xC80, $0x38;
	[tilespmem:$0x12C00] =	vst v63  }
0xa2: {  	_ =	swait.ge [sflag:s5], $0x6400  }
0xa3: {  	[sflag:s5] =	ssyncset.done $0x0  }
0xa4: {  	s20 =	sadd.s32 $0xC80, s20;
	s21 =	rddreg [dreg:$0x9];
	[sflag:s5] =	ssyncadd.s32 $0xFFFF9C00  }
0xa5: {  	[hbm4b:s20+s2] =	stream.linear.scatter [tilespmem:s25], [sflag:$0x4], $0xC80, $0x38;
	[tilespmem:$0x12C00] =	vst v63  }
0xa6: {  	s22 =	rddreg [dreg:$0x8];
	s15 =	sadd.s32 s19, s21  }
0xa7: {  	[hbm4b:s15+s2] =	stream.linear.scatter [tilespmem:s6], [sflag:$0x4], $0xC80, $0x38;
	[tilespmem:$0x12C00] =	vst v63  }
0xa8: {  	s22 =	sadd.s32 s19, s22;
	s20 =	rddreg [dreg:$0x7]  }
0xa9: {  	[hbm4b:s22+s2] =	stream.linear.scatter [tilespmem:s7], [sflag:$0x4], $0xC80, $0x38;
	[tilespmem:$0x12C00] =	vst v63  }
0xaa: {  	s21 =	rddreg [dreg:$0x6];
	s22 =	sadd.s32 s19, s20  }
0xab: {  	[hbm4b:s22+s2] =	stream.linear.scatter [tilespmem:s8], [sflag:$0x4], $0xC80, $0x38;
	[tilespmem:$0x12C00] =	vst v63  }
0xac: {  	s20 =	rddreg [dreg:$0x5];
	s22 =	sadd.s32 s19, s21  }
0xad: {  	[hbm4b:s22+s2] =	stream.linear.scatter [tilespmem:s9], [sflag:$0x4], $0xC80, $0x38;
	[tilespmem:$0x12C00] =	vst v63  }
0xae: {  	s21 =	rddreg [dreg:$0x4];
	s22 =	sadd.s32 s19, s20  }
0xaf: {  	[hbm4b:s22+s2] =	stream.linear.scatter [tilespmem:s10], [sflag:$0x4], $0xC80, $0x38;
	[tilespmem:$0x12C00] =	vst v63  }
0xb0: {  	s20 =	rddreg [dreg:$0x3];
	s22 =	sadd.s32 s19, s21  }
0xb1: {  	[hbm4b:s22+s2] =	stream.linear.scatter [tilespmem:s11], [sflag:$0x4], $0xC80, $0x38;
	[tilespmem:$0x12C00] =	vst v63  }
0xb2: {  	s21 =	sadd.s32 s19, s20  }
0xb3: {  	[hbm4b:s21+s2] =	stream.linear.scatter [tilespmem:s12], [sflag:$0x4], $0xC80, $0x38;
	[tilespmem:$0x12C00] =	vst v63  }
0xb4: {  	_ =	swait.ge [sflag:s13], $0xC80  }
0xb5: {  	[sflag:s13] =	ssyncset.done $0x0  }
0xb6: {  	[sflag:s13] =	ssyncadd.s32 $0xFFFFF380  }
0xb7: {  	_ =	swait.ge [sflag:s13], $0xC80  }
0xb8: {  	[sflag:s13] =	ssyncset.done $0x0  }
0xb9: {  	[sflag:s13] =	ssyncadd.s32 $0xFFFFF380  }
0xba: {  	_ =	swait.ge [sflag:s13], $0xC80  }
0xbb: {  	[sflag:s13] =	ssyncset.done $0x0  }
0xbc: {  	[sflag:s13] =	ssyncadd.s32 $0xFFFFF380  }
0xbd: {  	_ =	swait.ge [sflag:s13], $0xC80  }
0xbe: {  	[sflag:s13] =	ssyncset.done $0x0  }
0xbf: {  	[sflag:s13] =	ssyncadd.s32 $0xFFFFF380  }
0xc0: {  	_ =	swait.ge [sflag:s13], $0xC80  }
0xc1: {  	[sflag:s13] =	ssyncset.done $0x0  }
0xc2: {  	[sflag:s13] =	ssyncadd.s32 $0xFFFFF380  }
0xc3: {  	_ =	swait.ge [sflag:s13], $0xC80  }
0xc4: {  	[sflag:s13] =	ssyncset.done $0x0  }
0xc5: {  	[sflag:s13] =	ssyncadd.s32 $0xFFFFF380  }
0xc6: {  	_ =	swait.ge [sflag:s13], $0xC80  }
0xc7: {  	[sflag:s13] =	ssyncset.done $0x0  }
0xc8: {  	[sflag:s13] =	ssyncadd.s32 $0xFFFFF380  }
0xc9: {  	_ =	swait.ge [sflag:s13], $0xC80  }
0xca: {  	[sflag:s13] =	ssyncset.done $0x0  }
0xcb: {  	s22 =	sadd.s32 $0xFFFFFE70, s18;
	[sflag:s13] =	ssyncadd.s32 $0xFFFFF380  }
0xcc: {  	[tilespmem:s24], [sflag:$0x1] =	stream.indirect.gather [hbm4b:s3+s23], $0x40, s22, s23, $0xb8;
	[tilespmem:$0x12C00] =	vst v63  }
0xcd: {  	_ =	swait.ge [sflag:s14], $0xC80  }
0xce: {  	[sflag:s14] =	ssyncset.done $0x0  }
0xcf: {  	[sflag:s14] =	ssyncadd.s32 $0xFFFFF380  }
0xd0: {  	_ =	swait.ge [sflag:s14], $0xC80  }
0xd1: {  	[sflag:s14] =	ssyncset.done $0x0  }
0xd2: {  	[sflag:s14] =	ssyncadd.s32 $0xFFFFF380  }
0xd3: {  	_ =	swait.ge [sflag:s14], $0xC80  }
0xd4: {  	[sflag:s14] =	ssyncset.done $0x0  }
0xd5: {  	[sflag:s14] =	ssyncadd.s32 $0xFFFFF380  }
0xd6: {  	_ =	swait.ge [sflag:s14], $0xC80  }
0xd7: {  	[sflag:s14] =	ssyncset.done $0x0  }
0xd8: {  	[sflag:s14] =	ssyncadd.s32 $0xFFFFF380  }
0xd9: {  	_ =	swait.ge [sflag:s14], $0xC80  }
0xda: {  	[sflag:s14] =	ssyncset.done $0x0  }
0xdb: {  	[sflag:s14] =	ssyncadd.s32 $0xFFFFF380  }
0xdc: {  	_ =	swait.ge [sflag:s14], $0xC80  }
0xdd: {  	[sflag:s14] =	ssyncset.done $0x0  }
0xde: {  	[sflag:s14] =	ssyncadd.s32 $0xFFFFF380  }
0xdf: {  	p0 =	sne.s32 s17, $0x2EE00;
	_ =	swait.ge [sflag:s14], $0xC80  }
.Ltmp0:
0xe0: {  	[sflag:s14] =	ssyncset.done $0x0;
	(pc) =	sbr.rel @p0 .LBB2_2-.Ltmp0, $4  }
0xe1: {  	[sflag:s14] =	ssyncadd.s32 $0xFFFFF380  }
0xe2: {  	_ =	swait.ge [sflag:s14], $0xC80  }
0xe3: {  	s16 =	smov.u32 s18;
	[sflag:s14] =	ssyncset.done $0x0  }
0xe4: {  	s17 =	sadd.s32 $0x1900, s17;
	s18 =	sadd.s32 $0x320, s18;
	[sflag:s14] =	ssyncadd.s32 $0xFFFFF380  }
0xe5: {  	[tilespmem:s25], [sflag:$0x2] =	stream.indirect.gather [hbm4b:s3+s23], $0x40, s16, s23, $0xb8;
	[tilespmem:$0x12C00] =	vst v63  }
0xe6: {  	_ =	swait.ge [sflag:s26], $0x6400  }
0xe7: {  	[sflag:s26] =	ssyncset.done $0x0  }
0xe8: {  	s15 =	rddreg [dreg:$0x13];
	[sflag:s26] =	ssyncadd.s32 $0xFFFF9C00  }
0xe9: {  	[hbm4b:s15+s2] =	stream.linear.scatter [tilespmem:s24], [sflag:$0x3], $0xC80, $0x38;
	[tilespmem:$0x12C00] =	vst v63  }
0xea: {  	s20 =	rddreg [dreg:$0x14]  }
0xeb: {  	[hbm4b:s20+s2] =	stream.linear.scatter [tilespmem:s28], [sflag:$0x3], $0xC80, $0x38;
	[tilespmem:$0x12C00] =	vst v63  }
0xec: {  	s21 =	rddreg [dreg:$0x15]  }
0xed: {  	[hbm4b:s21+s2] =	stream.linear.scatter [tilespmem:s29], [sflag:$0x3], $0xC80, $0x38;
	[tilespmem:$0x12C00] =	vst v63  }
0xee: {  	s22 =	rddreg [dreg:$0x16]  }
0xef: {  	[hbm4b:s22+s2] =	stream.linear.scatter [tilespmem:s30], [sflag:$0x3], $0xC80, $0x38;
	[tilespmem:$0x12C00] =	vst v63  }
0xf0: {  	s16 =	rddreg [dreg:$0x17]  }
0xf1: {  	[hbm4b:s16+s2] =	stream.linear.scatter [tilespmem:s31], [sflag:$0x3], $0xC80, $0x38;
	[tilespmem:$0x12C00] =	vst v63  }
0xf2: {  	s17 =	rddreg [dreg:$0x18]  }
0xf3: {  	[hbm4b:s17+s2] =	stream.linear.scatter [tilespmem:s1], [sflag:$0x3], $0xC80, $0x38;
	[tilespmem:$0x12C00] =	vst v63  }
0xf4: {  	s18 =	rddreg [dreg:$0x19]  }
0xf5: {  	[hbm4b:s18+s2] =	stream.linear.scatter [tilespmem:s0], [sflag:$0x3], $0xC80, $0x38;
	[tilespmem:$0x12C00] =	vst v63  }
0xf6: {  	s19 =	rddreg [dreg:$0x1a]  }
0xf7: {  	[hbm4b:s19+s2] =	stream.linear.scatter [tilespmem:s4], [sflag:$0x3], $0xC80, $0x38;
	[tilespmem:$0x12C00] =	vst v63  }
0xf8: {  	_ =	swait.ge [sflag:s5], $0x6400  }
0xf9: {  	[sflag:s5] =	ssyncset.done $0x0;
	s20 =	rddreg [dreg:$0x1b]  }
0xfa: {  	s21 =	rddreg [dreg:$0x1c];
	[sflag:s5] =	ssyncadd.s32 $0xFFFF9C00  }
0xfb: {  	[hbm4b:s20+s2] =	stream.linear.scatter [tilespmem:s25], [sflag:$0x4], $0xC80, $0x38;
	[tilespmem:$0x12C00] =	vst v63  }
0xfc: {  	s22 =	rddreg [dreg:$0x1d]  }
0xfd: {  	[hbm4b:s21+s2] =	stream.linear.scatter [tilespmem:s6], [sflag:$0x4], $0xC80, $0x38;
	[tilespmem:$0x12C00] =	vst v63  }
0xfe: {  	s16 =	rddreg [dreg:$0x1e]  }
0xff: {  	[hbm4b:s22+s2] =	stream.linear.scatter [tilespmem:s7], [sflag:$0x4], $0xC80, $0x38;
	[tilespmem:$0x12C00] =	vst v63  }
0x100: {  	s17 =	rddreg [dreg:$0x1f]  }
0x101: {  	[hbm4b:s16+s2] =	stream.linear.scatter [tilespmem:s8], [sflag:$0x4], $0xC80, $0x38;
	[tilespmem:$0x12C00] =	vst v63  }
0x102: {  	s18 =	sld [smem:$0x7FA]  }
0x103: {  	[hbm4b:s17+s2] =	stream.linear.scatter [tilespmem:s9], [sflag:$0x4], $0xC80, $0x38;
	[tilespmem:$0x12C00] =	vst v63  }
0x104: {  	s19 =	sld [smem:$0x7FB]  }
0x105: {  	[hbm4b:s18+s2] =	stream.linear.scatter [tilespmem:s10], [sflag:$0x4], $0xC80, $0x38;
	[tilespmem:$0x12C00] =	vst v63  }
0x106: {  	s20 =	sld [smem:$0x7FC]  }
0x107: {  	[hbm4b:s19+s2] =	stream.linear.scatter [tilespmem:s11], [sflag:$0x4], $0xC80, $0x38;
	[tilespmem:$0x12C00] =	vst v63  }
0x108: {  	_ = 	snop  }
0x109: {  	[hbm4b:s20+s2] =	stream.linear.scatter [tilespmem:s12], [sflag:$0x4], $0xC80, $0x38;
	[tilespmem:$0x12C00] =	vst v63  }
0x10a: {  	_ =	swait.ge [sflag:s13], $0xC80  }
0x10b: {  	[sflag:s13] =	ssyncset.done $0x0  }
0x10c: {  	[sflag:s13] =	ssyncadd.s32 $0xFFFFF380  }
0x10d: {  	_ =	swait.ge [sflag:s13], $0xC80  }
0x10e: {  	[sflag:s13] =	ssyncset.done $0x0  }
0x10f: {  	[sflag:s13] =	ssyncadd.s32 $0xFFFFF380  }
0x110: {  	_ =	swait.ge [sflag:s13], $0xC80  }
0x111: {  	[sflag:s13] =	ssyncset.done $0x0  }
0x112: {  	[sflag:s13] =	ssyncadd.s32 $0xFFFFF380  }
0x113: {  	_ =	swait.ge [sflag:s13], $0xC80  }
0x114: {  	[sflag:s13] =	ssyncset.done $0x0  }
0x115: {  	[sflag:s13] =	ssyncadd.s32 $0xFFFFF380  }
0x116: {  	_ =	swait.ge [sflag:s13], $0xC80  }
0x117: {  	[sflag:s13] =	ssyncset.done $0x0  }
0x118: {  	[sflag:s13] =	ssyncadd.s32 $0xFFFFF380  }
0x119: {  	_ =	swait.ge [sflag:s13], $0xC80  }
0x11a: {  	[sflag:s13] =	ssyncset.done $0x0  }
0x11b: {  	[sflag:s13] =	ssyncadd.s32 $0xFFFFF380  }
0x11c: {  	_ =	swait.ge [sflag:s13], $0xC80  }
0x11d: {  	[sflag:s13] =	ssyncset.done $0x0  }
0x11e: {  	[sflag:s13] =	ssyncadd.s32 $0xFFFFF380  }
0x11f: {  	_ =	swait.ge [sflag:s13], $0xC80  }
0x120: {  	[sflag:s13] =	ssyncset.done $0x0  }
0x121: {  	[sflag:s13] =	ssyncadd.s32 $0xFFFFF380  }
0x122: {  	_ =	swait.ge [sflag:s14], $0xC80  }
0x123: {  	[sflag:s14] =	ssyncset.done $0x0  }
0x124: {  	[sflag:s14] =	ssyncadd.s32 $0xFFFFF380  }
0x125: {  	_ =	swait.ge [sflag:s14], $0xC80  }
0x126: {  	[sflag:s14] =	ssyncset.done $0x0  }
0x127: {  	[sflag:s14] =	ssyncadd.s32 $0xFFFFF380  }
0x128: {  	_ =	swait.ge [sflag:s14], $0xC80  }
0x129: {  	[sflag:s14] =	ssyncset.done $0x0  }
0x12a: {  	[sflag:s14] =	ssyncadd.s32 $0xFFFFF380  }
0x12b: {  	_ =	swait.ge [sflag:s14], $0xC80  }
0x12c: {  	[sflag:s14] =	ssyncset.done $0x0  }
0x12d: {  	[sflag:s14] =	ssyncadd.s32 $0xFFFFF380  }
0x12e: {  	_ =	swait.ge [sflag:s14], $0xC80  }
0x12f: {  	[sflag:s14] =	ssyncset.done $0x0  }
0x130: {  	[sflag:s14] =	ssyncadd.s32 $0xFFFFF380  }
0x131: {  	_ =	swait.ge [sflag:s14], $0xC80  }
0x132: {  	[sflag:s14] =	ssyncset.done $0x0  }
0x133: {  	[sflag:s14] =	ssyncadd.s32 $0xFFFFF380  }
0x134: {  	_ =	swait.ge [sflag:s14], $0xC80  }
0x135: {  	[sflag:s14] =	ssyncset.done $0x0  }
0x136: {  	[sflag:s14] =	ssyncadd.s32 $0xFFFFF380  }
0x137: {  	_ =	swait.ge [sflag:s14], $0xC80  }
0x138: {  	s21 =	sld [smem:$0x7F9]  }
0x139: {  	s22 =	sld [smem:$0x7FD];
	_ =	sdelay $0x1  }
0x13a: {  	s16 =	sadd.s32 $0x1, s21  }
0x13b: {  	p0 =	sne.s32 s16, s22  }
.Ltmp1:
0x13c: {  	_ = 	snop;
	(pc) =	sbr.rel @p0 .LBB2_1-.Ltmp1, $3  }
0x13d: {  	_ =	sdelay $0x1  }
0x13e: {  	[sflag:s14] =	ssyncset.done $0x0  }
0x13f: {  	[sflag:s14] =	ssyncadd.s32 $0xFFFFF380  }
0x140: {  	_ =	sfence.sel $0x180000  }
0x141: {  	[bflag:$0x0] =	sbarrier.arrive $0xFFFF  }
0x142: {  	_ =	strace $0x90000047  }
0x143: {  	s0 =	stileid.u32;
	[bflag:$0x2] =	sbarrier.arrive $0xFFFF  }
0x144: {  	p0 =	sne.s32 s0, $0x0;
	s0 =	rddreg [dreg:$0x2]  }
0x145: {  	s0 =	sadd.s32 @!p0 $0x100000, s0  }
0x146: {  	[sflag:s0] =	ssyncadd.tile.s32 @!p0 $0x1;
	_ =	shalt  }
.Lfunc_end2:
_tile_overlayer_lowered:
.L_overlay_start_2:
0x147: {  	(tag) =	ssettag $0x2  }
0x148: {  	s0 =	rddreg [dreg:$0x0];
	s2 =	stileid.u32  }
0x149: {  	s1 =	rddreg [dreg:$0x1];
	p0 =	sne.s32 s2, $0x0  }
0x14a: {  	s3 =	rddreg [dreg:$0x2];
	[bflag:$0x3] =	sbarrier.arrive $0xFFFF;
	s2 =	simm.s32 @!p0 $0x1C05  }
0x14b: {  	[timem:s3], [sflag:s2] =	dma.local @!p0 [hbm:s0], s1  }
0x14c: {  	s0 =	simm.s32 @!p0 $0x5  }
0x14d: {  	_ =	swait.ge @!p0 [sflag:s0], s1  }
0x14e: {  	s1 =	ssub.s32 @!p0 $0x0, s1;
	[sflag:s0] =	ssyncset.done @!p0 $0x0  }
0x14f: {  	[sflag:s0] =	ssyncadd.s32 @!p0 s1  }
0x150: {  	[bflag:$0x3] =	sbarrier.arrive $0xFFFF  }
0x151: {  	_ =	shalt  }

// kernel: sparse-core-data-format-call.cloned.1.call-start
scs
called_computation_lowered:
.L_overlay_start_0:
0x0: {  	s2 =	sld [smem:$0x3FD9]  }
0x1: {  	s3 =	sld [smem:$0x3FFE];
	_ =	sdelay $0x1  }
0x2: {  	s1 =	srdreg.scid  }
0x3: {  	s0 =	sand.u32 $0x1, s1  }
0x4: {  	s18 =	sshll.u32 s0, $0xA;
	s2 =	sadd.s32 s3, s2  }
0x5: {  	s2 =	sadd.s32 s2, s18  }
0x6: {  	[smem:$0x3FC6] =	sst s2  }
0x7: {  	_ = 	snop  }
0x8: {  	s2 =	sld [smem:$0x3FD0];
	(tm) =	ssettm $0x1  }
0x9: {  	s19 =	sld [smem:$0x3FFB];
	_ =	sdelay $0x3  }
0xa: {  	_ =	strace s19  }
0xb: {  	s3 =	sld [smem:$0x3FFC];
	_ =	sdelay $0x3  }
0xc: {  	_ =	strace s3  }
0xd: {  	s3 =	sld [smem:$0x3FFD];
	_ =	sdelay $0x3  }
0xe: {  	_ =	strace s3  }
0xf: {  	_ =	strace $0x8FFFFFFF  }
0x10: {  	s20 =	sld [smem:$0x3FDB];
	_ =	sdelay $0x1  }
0x11: {  	s4 =	simm.s32 $_scs_section_size  }
0x12: {  	s5 =	simm.s32 $_size__tile_overlayer_lowered;
	s6 =	simm.s32 $_tile_overlayer_lowered  }
0x13: {  	s23 =	simm.s32 $0x1BFF;
	s22 =	sshll.u32 s6, $0x1;
	s3 =	sadd.s32 s4, s20  }
0x14: {  	s7 =	simm.s32 $0x0;
	s21 =	sshll.u32 s5, $0x1;
	s5 =	sadd.s32 s22, s3  }
0x15: {  	[timem:s7], [sflag:s23] =	dma.local [hbm:s5], s21  }
0x16: {  	_ =	swait.ge [sflag:s23], s21  }
0x17: {  	s4 =	ssub.s32 $0x0, s21;
	[sflag:s23] =	ssyncset.done $0x0  }
0x18: {  	[sflag:s23] =	ssyncadd.s32 s4;
	_ =	sdelay $0x1  }
0x19: {  	s24 =	simm.s32 $0x1B8B  }
0x1a: {  	_ =	swait.ge [sflag:s24], $0x1  }
0x1b: {  	[sflag:s24] =	ssyncset.done $0x0  }
0x1c: {  	s26 =	simm.s32 $0x1B8E;
	s25 =	sld [smem:$0x3FFE];
	[sflag:s24] =	ssyncadd.s32 $0xFFFFFFFF  }
0x1d: {  	s27 =	simm.s32 $execute0_lowered;
	[smem:$0x3FD2] =	sst s26  }
0x1e: {  	s5 =	sshll.u32 s27, $0x1;
	_ =	strace $0x80000049;
	[dreg:$0x1] =	wrdreg $0xFFFFFFFF  }
0x1f: {  	s28 =	simm.s32 $_size_execute0_lowered;
	s3 =	sadd.s32 s3, s5;
	[dreg:$0x0] =	wrdreg $0x0  }
0x20: {  	s5 =	sshll.u32 s28, $0x1;
	[dreg:$0x2] =	wrdreg s3  }
0x21: {  	[dreg:$0x3] =	wrdreg s5  }
0x22: {  	[dreg:$0x4] =	wrdreg $0xC0  }
0x23: {  	_ =	task [dreg:s7], $0x5FFFF  }
0x24: {  	[dreg:$0x1] =	wrdreg $0xFFFFFFFF  }
0x25: {  	[dreg:$0x0] =	wrdreg $0x60  }
0x26: {  	[dreg:$0x2] =	wrdreg s25  }
0x27: {  	[dreg:$0x3] =	wrdreg s2  }
0x28: {  	[dreg:$0x4] =	wrdreg $0x9  }
0x29: {  	_ =	task.clear_ibuf [dreg:s7], $0x5FFFF;
	_ =	strace $0x90000049  }
0x2a: {  	s29 =	simm.s32 $0x9;
	_ =	strace $0x8000004B  }
0x2b: {  	_ =	swait.ge [sflag:s29], $0x1  }
0x2c: {  	[sflag:s29] =	ssyncadd.s32 $0xFFFFFFFF  }
0x2d: {  	_ =	strace $0x9000004B  }
0x2e: {  	_ =	sfence  }
0x2f: {  	s30 =	sld [smem:$0x0];
	_ =	sdelay $0x2  }
0x30: {  	s31 =	sshll.u32 s1, $0xD;
	s1 =	sshrl.u32 s1, $0x2  }
0x31: {  	s3 =	sand.u32 $0x4000, s31;
	s1 =	sadd.s32 s1, s30  }
0x32: {  	s0 =	sor.u32 s3, s0;
	s1 =	sshll.u32 s1, $0x11  }
0x33: {  	s0 =	sor.u32 s1, s0  }
0x34: {  	s0 =	sadd.s32 $0x8F2B, s0  }
0x35: {  	[sflag:s0] =	ssyncadd.remote.s32 $0x1  }
0x36: {  	_ =	sfence.sel $0xFFFF  }
0x37: {  	[dreg:$0x0] =	wrdreg $0xFFFFFFFF;
	(pc) =	sbr.abs _section_cstart, $3  }
0x38: {  	[dreg:$0x1] =	wrdreg $0xFFFFFFFF  }
0x39: {  	_ =	task.clear_ibuf [dreg:s7], $0x2FFFF;
	_ =	strace $0x9FFFFFFF  }
0x3a: {  	(tm) =	ssettm $0x7FFFFFFF  }
0x3b: {  	_ =	shalt  }
tec
execute0_lowered:
.L_overlay_start_1:
0x0: {  	(tag) =	ssettag $0x1  }
0x1: {  	s0 =	srdreg.scid  }
0x2: {  	s1 =	sshll.u32 s0, $0x4  }
0x3: {  	s0 =	stileid.u32;
	s1 =	sand.u32 $0x10, s1  }
0x4: {  	s1 =	sor.u32 s0, s1  }
0x5: {  	s6 =	rddreg [dreg:$0x0];
	s4 =	simm.s32 $0x1;
	s2 =	sshll.u32 s1, $0x7  }
0x6: {  	s7 =	simm.s32 $0x2;
	s12 =	simm.s32 $0x0;
	s1 =	ssub.s32 $0x4000, s2  }
0x7: {  	s8 =	simm.s32 $0x20000;
	s13 =	simm.s32 $0x0;
	s3 =	sand.u32 $0xF80, s1  }
0x8: {  	s9 =	simm.s32 $0x0;
	s5 =	sshrl.u32 s1, $0xC;
	p0 =	sne.s32 s3, $0x0  }
.Ltmp0:
0x9: {  	s1 =	rddreg [dreg:$0x2];
	s4 =	simm.s32 @!p0 $0x0;
	(pc) =	sbr.rel .LBB1_1-.Ltmp0, $4  }
0xa: {  	s11 =	simm.s32 $0x0;
	s3 =	rddreg [dreg:$0x1];
	s5 =	sadd.s32 s4, s5  }
0xb: {  	_ =	strace $0x8000004A;
	s4 =	simm.s32 $0x1;
	s5 =	smul.u32 $0x32, s5  }
0xc: {  	s6 =	sadd.s32 $0xA00, s6;
	s10 =	smov.u32 s2;
	[sflag:s4] =	ssyncpa.u1 $0x0  }
0xd: {  	p0 =	por $0x0, $0x0;
	[sflag:s7] =	ssyncpa.u1 $0x0;
	s7 =	sor.u32 $0x1, s5  }
.LBB1_4:
0xe: {  	s16 =	sshll.u32 s13, $0x3;
	s17 =	sand.u32 $0x78, s13  }
0xf: {  	s30 =	sand.u32 $0x1F800, s13;
	s12 =	sshll.u32 s12, $0x11;
	s16 =	sand.u32 $0x3C00, s16  }
0x10: {  	[tilespmem:s15+$0x810 ss:$0x81] =	vst.msk $0xffff, v2;
	s31 =	sand.u32 $0x7, s13;
	s16 =	sor.u32 s17, s16;
	s17 =	sadd.s32 s3, s30  }
0x11: {  	[tilespmem:s15+$0x1020 ss:$0x81] =	vst.msk $0xffff, v0;
	s13 =	sshll.u32 s31, $0x12;
	s12 =	sadd.s32 s12, s17;
	s16 =	sshrl.u32 s16, $0x3  }
0x12: {  	[tilespmem:s15+$0x0 ss:$0x81] =	vst.msk $0xffff, v1;
	s13 =	sor.u32 $0x400, s13;
	s12 =	sadd.s32 s16, s12  }
0x13: {  	[hbm4b:s12+s13] =	stream.strided.scatter [tilespmem:s14], [sflag:$0x2], $0x2000, s8, s13, $0x20;
	[tilespmem:$0x8080] =	vst v63  }
.LBB1_5:
0x14: {  	s14 =	sadd.s32 $0x1, s9  }
0x15: {  	s12 =	sadd.s32 $0x1000, s10;
	s16 =	smov.u32 s10;
	p2 =	sgt.s32 s14, $0x31  }
0x16: {  	s16 =	smov.u32 @p2 s12  }
0x17: {  	s14 =	simm.s32 @p2 $0x0;
	p2 =	sgt.s32 s16, $0x3FFF  }
0x18: {  	s16 =	smov.u32 @p2 s2;
	p2 =	sne.s32 s11, s7  }
.Ltmp1:
0x19: {  	p1 =	slt.u32 s11, $0x2;
	(pc) =	sbr.rel @!p2 .LBB1_6-.Ltmp1, $4  }
0x1a: {  	s15 =	simm.s32 @!p1 $0x2  }
0x1b: {  	s13 =	smov.u32 s10;
	p0 =	por !p0, !p0;
	_ =	swait.ge @!p1 [sflag:s15], $0x2000  }
0x1c: {  	s12 =	smov.u32 s9;
	[sflag:s15] =	ssyncset.done @!p1 $0x0;
	s9 =	smov.u32 s14  }
0x1d: {  	s11 =	sadd.s32 $0x1, s11;
	[sflag:s15] =	ssyncadd.s32 @!p1 $0xFFFFE000;
	s10 =	smov.u32 s16  }
.LBB1_1:
0x1e: {  	p1 =	sge.u32 s11, s5  }
0x1f: {  	s14 =	sand.u32 @!p1 $0x1FFFFFF, s9  }
0x20: {  	s15 =	smulhi.u32 @!p1 $0x4924925, s14;
	_ =	sdelay $0x1  }
0x21: {  	s15 =	smul.u32 @!p1 $0x38, s15  }
0x22: {  	s16 =	sxor.u32 @!p1 $0xFFFFFFFF, s11;
	s17 =	smul.u32 @!p1 $0x380, s10  }
0x23: {  	s31 =	sadd.s32 $0xFFFFFFFF, s11;
	s16 =	sshll.u32 @!p1 s16, $0xD;
	s14 =	ssub.s32 @!p1 s14, s15  }
0x24: {  	s15 =	sand.u32 @!p1 $0x2000, s16;
	s16 =	sadd.s32 @!p1 s6, s17;
	s14 =	sshll.u32 @!p1 s14, $0x4  }
0x25: {  	s17 =	simm.s32 @!p1 $0x1C00;
	s14 =	sadd.s32 @!p1 s14, s16;
	s16 =	simm.s32 @!p1 $0x40  }
0x26: {  	[tilespmem:s15], [sflag:$0x1] =	stream.strided.gather @!p1 [hbm4b:s14+s16], $0x2000, s17, s16, $0x38;
	[tilespmem:$0x8080] =	vst v63  }
0x27: {  	p1 =	sge.u32 s31, s5  }
.Ltmp2:
0x28: {  	_ = 	snop;
	(pc) =	sbr.rel @p1 .LBB1_5-.Ltmp2, $1  }
0x29: {  	_ =	sdelay $0x3  }
0x2a: {  	s14 =	simm.s32 $0x1  }
0x2b: {  	_ =	swait.ge [sflag:s4], $0x2000;
	s14 =	simm.s32 @!p0 $0x0  }
0x2c: {  	[sflag:s4] =	ssyncset.done $0x0;
	s15 =	sshll.u32 s14, $0xD  }
0x2d: {  	[sflag:s4] =	ssyncadd.s32 $0xFFFFE000;
	s18 =	sor.u32 $0x20, s15  }
0x2e: {  	s14 =	smul.u32 $0x8100, s14;
	v3 =	vld [tilespmem:s18+$0x10]  }
0x2f: {  	s30 =	sand.u32 $0x1, s11;
	v2 =	vld [tilespmem:s18+$0xFFFFFFF0]  }
0x30: {  	s15 =	smul.u32 $0x8100, s30;
	s14 =	sshrl.u32 s14, $0x2;
	v0 =	vld [tilespmem:s18+$0x0]  }
0x31: {  	v1 =	vld [tilespmem:s18+$0xFFFFFFE0];
	s16 =	sor.u32 $0x4000, s14  }
0x32: {  	s31 =	sshrl.u32 s15, $0x2;
	s15 =	sadd.s32 $0x0, s16  }
0x33: {  	s17 =	simm.s32 $0x4;
	s18 =	sadd.s32 $0x40, s18;
	s14 =	sor.u32 $0x4000, s31;
	[tilespmem:s15+$0x1830 ss:$0x81] =	vst.msk $0xffff, v3  }
.LBB1_3:
0x34: {  	v3 =	vld [tilespmem:s18+$0x10];
	p1 =	sne.s32 s17, $0x1FC;
	[tilespmem:s15+$0x810 ss:$0x81] =	vst.msk $0xffff, v2;
	s19 =	smov.u32 s17;
	s17 =	sadd.s32 $0x4, s17  }
.Ltmp3:
0x35: {  	v2 =	vld [tilespmem:s18+$0xFFFFFFF0];
	[tilespmem:s15+$0x1020 ss:$0x81] =	vst.msk $0xffff, v0;
	(pc) =	sbr.rel @p1 .LBB1_3-.Ltmp3, $4  }
0x36: {  	v0 =	vld [tilespmem:s18+$0x0];
	[tilespmem:s15+$0x0 ss:$0x81] =	vst.msk $0xffff, v1  }
0x37: {  	s15 =	sshra.s32 s19, $0x2;
	v1 =	vld [tilespmem:s18+$0xFFFFFFE0]  }
0x38: {  	s15 =	sadd.s32 s15, s16  }
0x39: {  	s18 =	sadd.s32 $0x40, s18;
	[tilespmem:s15+$0x1830 ss:$0x81] =	vst.msk $0xffff, v3  }
.Ltmp4:
0x3a: {  	_ = 	snop;
	(pc) =	sbr.rel .LBB1_4-.Ltmp4, $1  }
0x3b: {  	_ =	sdelay $0x3  }
.LBB1_6:
0x3c: {  	_ =	sfence.sel $0x180000  }
0x3d: {  	s2 =	simm.s32 $0x1;
	[bflag:$0x0] =	sbarrier.arrive $0xFFFF  }
0x3e: {  	s31 =	simm.s32 $0x2;
	[sflag:s2] =	ssyncpa.u1 $0x1  }
0x3f: {  	[sflag:s31] =	ssyncpa.u1 $0x1  }
0x40: {  	p0 =	sne.s32 s0, $0x0;
	_ =	strace $0x9000004A  }
0x41: {  	s0 =	sadd.s32 @!p0 $0x100000, s1;
	[bflag:$0x2] =	sbarrier.arrive $0xFFFF  }
0x42: {  	[sflag:s0] =	ssyncadd.tile.s32 @!p0 $0x1;
	_ =	shalt  }
.Lfunc_end1:
_tile_overlayer_lowered:
.L_overlay_start_2:
0x43: {  	(tag) =	ssettag $0x2  }
0x44: {  	s0 =	rddreg [dreg:$0x0];
	s2 =	stileid.u32  }
0x45: {  	s1 =	rddreg [dreg:$0x1];
	p0 =	sne.s32 s2, $0x0  }
0x46: {  	s3 =	rddreg [dreg:$0x2];
	[bflag:$0x3] =	sbarrier.arrive $0xFFFF;
	s2 =	simm.s32 @!p0 $0x1C01  }
0x47: {  	[timem:s3], [sflag:s2] =	dma.local @!p0 [hbm:s0], s1  }
0x48: {  	s0 =	simm.s32 @!p0 $0x1  }
0x49: {  	_ =	swait.ge @!p0 [sflag:s0], s1  }
0x4a: {  	s1 =	ssub.s32 @!p0 $0x0, s1;
	[sflag:s0] =	ssyncset.done @!p0 $0x0  }
0x4b: {  	[sflag:s0] =	ssyncadd.s32 @!p0 s1  }
0x4c: {  	[bflag:$0x3] =	sbarrier.arrive $0xFFFF  }
0x4d: {  	_ =	shalt  }

</sc_bundles>
